<compile_context>
chip_gen: v7x
topology: tpu7x:2x2x1
jax: 0.10.2.dev20260603
libtpu: 0.0.44.dev20260713+nightly
codegen_flags: <defaults>
</compile_context>

<pallas_src>
import functools

import jax
import jax.numpy as jnp
import numpy as np
from jax import lax
from jax.experimental import pallas as pl
from jax.experimental.pallas import tpu as pltpu
from jax.experimental.pallas import tpu_sc as plsc

BLK = 128
GD = 8
CUTOFF = 10.0
CUT2 = CUTOFF * CUTOFF
NSEG = 8
HIGH = jax.lax.Precision.HIGHEST
FAST = jax.lax.Precision.DEFAULT


def _ssp(x):
    return jnp.log(0.5 + 0.5 * jnp.exp(x))


def _dot(a, b, precision=HIGH):
    return jax.lax.dot_general(a, b, (((1,), (0,)), ((), ())),
                               precision=precision,
                               preferred_element_type=jnp.float32)


def _sc_embed(emb, z, n, hid):
    mesh = plsc.VectorSubcoreMesh(core_axis_name="c", subcore_axis_name="s")

    @functools.partial(
        pl.kernel, mesh=mesh,
        out_type=jax.ShapeDtypeStruct((n, hid), jnp.float32))
    def e_kernel(emb_h, z_h, h_h):
        def body(i_vmem, o_vmem):
            pltpu.sync_copy(emb_h.at[i_vmem.at[0]], o_vmem)

        pltpu.emit_pipeline(
            body,
            grid=(n // 128,),
            in_specs=[pl.BlockSpec((1, 128), index_map=lambda i: (0, i))],
            out_specs=[pl.BlockSpec((128, hid), index_map=lambda i: (i, 0))],
            core_axis_name=("c", "s"),
            dimension_semantics=(pltpu.PARALLEL,),
        )(z_h, h_h)

    return e_kernel(emb, z.reshape(1, n))


def _inter_body(coeff_ref, offs_ref, posp_ref, brow_ref, bcol_ref, h_ref,
                w1_ref, b1_ref, w2_ref, b2_ref, cw1_ref, cw2_ref, cb2_ref,
                lw_ref, lb_ref, hout_ref, agg_ref, *, n, hid, ng):
    c = pl.program_id(0)
    coeff = coeff_ref[0, 0]
    offs = offs_ref[...]
    offsc = offs.T
    pi_over_cut = np.float32(np.pi) / np.float32(CUTOFF)

    pos_c = posp_ref[pl.ds(c * BLK, BLK), :]
    pos_ct = pos_c.T
    sqc_row = jnp.sum(pos_ct * pos_ct, axis=0, keepdims=True)
    bc_row = brow_ref[:, pl.ds(c * BLK, BLK)]
    idc_row = c * BLK + jax.lax.broadcasted_iota(jnp.int32, (1, BLK), 1)
    bmin = jnp.min(bc_row)
    bmax = jnp.max(bc_row)
    brow_all = brow_ref[...]
    slo = jnp.sum((brow_all < bmin).astype(jnp.int32))
    shi = jnp.sum((brow_all <= bmax).astype(jnp.int32))
    rlo = slo // BLK
    rhi = (shi + BLK - 1) // BLK

    agg_ref[...] = jnp.zeros((BLK, hid), jnp.float32)
    cw1 = cw1_ref[...]
    w1 = w1_ref[...]
    b1 = b1_ref[...]
    w2 = w2_ref[...]
    b2 = b2_ref[...]

    def rbody(r, carry):
        pos_r = posp_ref[pl.ds(r * BLK, BLK), :]
        sqr_col = jnp.sum(pos_r * pos_r, axis=1, keepdims=True)
        gram = _dot(pos_r, pos_ct)
        d2 = sqr_col + sqc_row - 2.0 * gram
        d = jnp.sqrt(jnp.maximum(d2, 0.0) + 1e-12)
        br_col = bcol_ref[pl.ds(r * BLK, BLK), :]
        idr_col = r * BLK + jax.lax.broadcasted_iota(jnp.int32, (BLK, 1), 0)
        m = (br_col == bc_row) & (d2 <= CUT2) & (idr_col != idc_row)
        cc = jnp.where(m, 0.5 * (jnp.cos(d * pi_over_cut) + 1.0), 0.0)
        xx_r = _dot(h_ref[pl.ds(r * BLK, BLK), :], cw1)
        xx8 = jnp.concatenate([xx_r] * GD, axis=0)
        dt = d.T

        for jb in range(BLK // GD):
            dr = jnp.concatenate(
                [dt[jb * GD + j:jb * GD + j + 1, :] for j in range(GD)],
                axis=1)
            eat = jnp.exp(coeff * (dr - offsc) ** 2)
            ccf = jnp.concatenate(
                [cc[:, jb * GD + j:jb * GD + j + 1] for j in range(GD)],
                axis=0)
            t = _ssp(jax.lax.dot_general(
                eat, w1, (((0,), (0,)), ((), ())), precision=FAST,
                preferred_element_type=jnp.float32) + b1)
            wf = (_dot(t, w2, FAST) + b2) * ccf
            contrib = jnp.sum((wf * xx8).reshape(GD, BLK, hid), axis=1)
            agg_ref[jb * GD:(jb + 1) * GD, :] += contrib
        return carry

    jax.lax.fori_loop(rlo, rhi, rbody, 0, unroll=False)

    xo = _dot(agg_ref[...], cw2_ref[...]) + cb2_ref[...]
    xo = _ssp(xo)
    xo = _dot(xo, lw_ref[...]) + lb_ref[...]
    hout_ref[...] = h_ref[pl.ds(c * BLK, BLK), :] + xo


def _readout_body(brow_ref, h_ref, l1w_ref, l1b_ref, l2w_ref, l2b_ref, o_ref,
                  *, nseg):
    t = _ssp(_dot(h_ref[...], l1w_ref[...]) + l1b_ref[...])
    y = _dot(t, l2w_ref[...]) + l2b_ref[...]
    seg = (brow_ref[...] ==
           jax.lax.broadcasted_iota(jnp.int32, (nseg, 1), 0)).astype(jnp.float32)
    o_ref[...] = _dot(seg, y)


def _full(shape):
    nd = len(shape)
    return pl.BlockSpec(shape, lambda *_c, _nd=nd: (0,) * _nd)


def kernel(z, pos, batch, emb, mlp_w1, mlp_b1, mlp_w2, mlp_b2,
           conv_w1, conv_w2, conv_b2, lin_w, lin_b, lin1_w, lin1_b,
           lin2_w, lin2_b):
    n, _ = pos.shape
    nz, hid = emb.shape
    ni, ng, nf = mlp_w1.shape
    h2 = lin1_w.shape[1]
    out_dim = lin2_w.shape[1]
    nblk = n // BLK

    batch = batch.astype(jnp.int32)
    brow = batch.reshape(1, n)
    bcol = batch.reshape(n, 1)
    posp = jnp.pad(pos.astype(jnp.float32), ((0, 0), (0, 8 - pos.shape[1])))
    offset = jnp.linspace(0.0, CUTOFF, ng)
    coeff = (-0.5 / (offset[1] - offset[0]) ** 2).astype(jnp.float32)
    coeff = coeff.reshape(1, 1)
    offs = offset.astype(jnp.float32).reshape(1, ng)

    h = _sc_embed(emb, z.astype(jnp.int32), n, hid)

    inter = pl.pallas_call(
        functools.partial(_inter_body, n=n, hid=hid, ng=ng),
        grid=(nblk,),
        in_specs=[
            _full((1, 1)), _full((1, ng)), _full((n, 8)), _full((1, n)),
            _full((n, 1)), _full((n, hid)), _full((ng, nf)), _full((1, nf)),
            _full((nf, nf)), _full((1, nf)), _full((hid, nf)),
            _full((nf, hid)), _full((1, hid)), _full((hid, hid)),
            _full((1, hid)),
        ],
        out_specs=pl.BlockSpec((BLK, hid), lambda c: (c, 0)),
        out_shape=jax.ShapeDtypeStruct((n, hid), jnp.float32),
        scratch_shapes=[pltpu.VMEM((BLK, hid), jnp.float32)],
    )

    for i in range(ni):
        h = inter(coeff, offs, posp, brow, bcol, h,
                  mlp_w1[i], mlp_b1[i].reshape(1, nf),
                  mlp_w2[i], mlp_b2[i].reshape(1, nf),
                  conv_w1[i], conv_w2[i], conv_b2[i].reshape(1, hid),
                  lin_w[i], lin_b[i].reshape(1, hid))

    out = pl.pallas_call(
        functools.partial(_readout_body, nseg=NSEG),
        in_specs=[_full((1, n)), _full((n, hid)), _full((hid, h2)),
                  _full((1, h2)), _full((h2, out_dim)), _full((1, out_dim))],
        out_specs=_full((NSEG, out_dim)),
        out_shape=jax.ShapeDtypeStruct((NSEG, out_dim), jnp.float32),
    )(brow, h, lin1_w, lin1_b.reshape(1, h2), lin2_w, lin2_b.reshape(1, out_dim))

    return out

# --- scband reference (transcript-rebuilt; emitter-appended) ---
"""Pipeline reference for scband-real-sch-net-model-47622597378492 (READ-ONLY COPY).

The authoritative reference and input builder live on the scoring server;
editing this copy changes nothing except your own understanding.
"""

import jax, jax.numpy as jnp
import numpy as np

N = 4096
NB = 8
NZ = 100
HIDDEN = 128
NF = 128
NG = 50
NI = 6
CUTOFF = 10.0
OUT = 4
POS_SCALE = 12.0


def shifted_softplus(x):
    return jax.nn.softplus(x) - jnp.log(2.0)


def setup_inputs(seed: int = 0):
    key = jax.random.key(seed)
    ks = jax.random.split(key, 16)

    def w(k, shape, fan_in):
        return (jax.random.normal(k, shape, dtype=jnp.float32) / np.sqrt(fan_in)).astype(jnp.float32)

    z = jax.random.randint(ks[0], (N,), 0, NZ)
    pos = jax.random.normal(ks[1], (N, 3), dtype=jnp.float32) * POS_SCALE
    batch = jnp.sort(jax.random.randint(ks[2], (N,), 0, NB))
    return {
        "z": z,
        "pos": pos,
        "batch": batch,
        "emb": jax.random.normal(ks[3], (NZ, HIDDEN), dtype=jnp.float32),
        "mlp_w1": w(ks[4], (NI, NG, NF), NG),
        "mlp_b1": jnp.zeros((NI, NF), jnp.float32),
        "mlp_w2": w(ks[5], (NI, NF, NF), NF),
        "mlp_b2": jnp.zeros((NI, NF), jnp.float32),
        "conv_w1": w(ks[6], (NI, HIDDEN, NF), HIDDEN),
        "conv_w2": w(ks[7], (NI, NF, HIDDEN), NF),
        "conv_b2": jnp.zeros((NI, HIDDEN), jnp.float32),
        "lin_w": w(ks[8], (NI, HIDDEN, HIDDEN), HIDDEN),
        "lin_b": jnp.zeros((NI, HIDDEN), jnp.float32),
        "lin1_w": w(ks[9], (HIDDEN, HIDDEN // 2), HIDDEN),
        "lin1_b": jnp.zeros((HIDDEN // 2,), jnp.float32),
        "lin2_w": w(ks[10], (HIDDEN // 2, OUT), HIDDEN // 2),
        "lin2_b": jnp.zeros((OUT,), jnp.float32),
    }


def radius_graph(pos, batch, cutoff):
    # pairwise squared distances via gram trick (avoids N*N*3 temporary)
    sq = jnp.sum(pos * pos, axis=1)
    d2 = sq[:, None] + sq[None, :] - 2.0 * (pos @ pos.T)
    mask = (batch[:, None] == batch[None, :]) & (d2 <= cutoff * cutoff)
    mask = mask & (~jnp.eye(pos.shape[0], dtype=bool))
    return mask


def schnet_core(z, pos, batch, mask, emb, mlp_w1, mlp_b1, mlp_w2, mlp_b2,
                conv_w1, conv_w2, conv_b2, lin_w, lin_b, lin1_w, lin1_b, lin2_w, lin2_b):
    h = emb[z]  # atom-type embedding lookup
    # GaussianSmearing
    offset = jnp.linspace(0.0, CUTOFF, NG)
    coeff = -0.5 / (offset[1] - offset[0]) ** 2
    maskf = mask.astype(jnp.float32)
    CHUNK = 128
    for i in range(NI):
        xx = h @ conv_w1[i]                      # CFConv.lin1 (no bias)
        w1, b1, w2, b2 = mlp_w1[i], mlp_b1[i], mlp_w2[i], mlp_b2[i]

        def body(c, agg):
            r = c * CHUNK
            pc = jax.lax.dynamic_slice(pos, (r, 0), (CHUNK, 3))
            diff = pc[:, None, :] - pos[None, :, :]
            edge_weight = jnp.sqrt(jnp.sum(diff * diff, axis=2) + 1e-12)
            edge_attr = jnp.exp(coeff * (edge_weight[:, :, None] - offset[None, None, :]) ** 2)
            # cosine cutoff used inside CFConv
            C = 0.5 * (jnp.cos(edge_weight * jnp.pi / CUTOFF) + 1.0)
            # filter network: Linear -> ShiftedSoftplus -> Linear, then cutoff scaling
            W = shifted_softplus(edge_attr @ w1 + b1) @ w2 + b2
            W = W * C[:, :, None]
            mc = jax.lax.dynamic_slice(maskf, (r, 0), (CHUNK, N))
            W = W * mc[:, :, None]
            xc = jax.lax.dynamic_slice(xx, (r, 0), (CHUNK, NF))
            # message x_j * W gathered per pair, scatter-added at target column
            return agg + jnp.einsum('bnf,bf->nf', W, xc)

        agg = jax.lax.fori_loop(0, N // CHUNK, body, jnp.zeros((N, NF), jnp.float32))
        xo = agg @ conv_w2[i] + conv_b2[i]       # CFConv.lin2
        xo = shifted_softplus(xo)                # InteractionBlock.act
        xo = xo @ lin_w[i] + lin_b[i]            # InteractionBlock.lin
        h = h + xo                               # residual update
    h = shifted_softplus(h @ lin1_w + lin1_b)
    h = h @ lin2_w + lin2_b                      # replaced multi-target head (out_dim=4)
    out = jax.ops.segment_sum(h, batch, num_segments=NB)  # readout='add'
    if out.ndim == 1:
        out = out.reshape(-1, 1)
    return out


def reference(z, pos, batch, emb, mlp_w1, mlp_b1, mlp_w2, mlp_b2,
              conv_w1, conv_w2, conv_b2, lin_w, lin_b, lin1_w, lin1_b, lin2_w, lin2_b):
    mask = radius_graph(pos, batch, CUTOFF)
    return schnet_core(z, pos, batch, mask, emb, mlp_w1, mlp_b1, mlp_w2, mlp_b2,
                       conv_w1, conv_w2, conv_b2, lin_w, lin_b, lin1_w, lin1_b,
                       lin2_w, lin2_b)

if __name__ == "__main__":
    import jax
    _d = setup_inputs()
    print(jax.jit(kernel)(*tuple(_d.values())))

</pallas_src>

<mosaic_0001>
#map = affine_map<(d0, d1) -> (0, 0)>
module attributes {stable_mosaic.version = 14 : i64} {
  func.func @e_kernel(%arg0: i32, %arg1: i32, %arg2: memref<100x128xf32, #tpu.memory_space<hbm>>, %arg3: memref<1x4096xi32, #tpu.memory_space<hbm>>, %arg4: memref<4096x128xf32, #tpu.memory_space<hbm>>) attributes {dimension_semantics = [#tpu.dimension_semantics<core_parallel>, #tpu.dimension_semantics<subcore_parallel>], iteration_bounds = array<i64: 2, 16>, scalar_prefetch = 0 : i64, scratch_operands = 0 : i64, tpu.core_type = #tpu.core_type<sc_vector_subcore>, window_params = [{transform_indices = #map}, {transform_indices = #map}, {transform_indices = #map}]} {
    %mul3A = arith.constant 1 : i32
    %mul3A_0 = arith.muli %arg1, %mul3A : i32
    %add3A = arith.constant 0 : i32
    %add3A_1 = arith.addi %add3A, %mul3A_0 : i32
    %mul3A_2 = arith.constant 16 : i32
    %mul3A_3 = arith.muli %arg0, %mul3A_2 : i32
    %add3A_4 = arith.addi %add3A_1, %mul3A_3 : i32
    %mul3A_5 = arith.constant 1 : i32
    %mul3A_6 = arith.muli %add3A_4, %mul3A_5 : i32
    "tpu.region"() ({
      %run_scoped3A = memref.alloca() : memref<2x1x128xi32, #tpu.memory_space<vmem>>
      %run_scoped3A_7 = tpu.sem_alloc : memref<2x!tpu.dma_semaphore, #tpu.memory_space<semaphore_mem>>
      %run_scoped3A_8 = memref.alloca() : memref<2x128x128xf32, #tpu.memory_space<vmem>>
      %run_scoped3A_9 = tpu.sem_alloc : memref<2x!tpu.dma_semaphore, #tpu.memory_space<semaphore_mem>>
      %add3A_10 = arith.constant 0 : i32
      %add3A_11 = arith.addi %add3A_10, %mul3A_6 : i32
      %select_n3A = arith.constant true
      %select_n3A_12 = arith.constant 0 : i32
      %select_n3A_13 = arith.constant -1 : i32
      %select_n3A_14 = arith.select %select_n3A, %select_n3A_13, %select_n3A_12 : i32
      %eq3A = arith.constant -1 : i32
      %eq3A_15 = arith.cmpi eq, %select_n3A_14, %eq3A : i32
      %select_n3A_16 = arith.constant 0 : i32
      %select_n3A_17 = arith.select %eq3A_15, %select_n3A_16, %select_n3A_14 : i32
      %add3A_18 = arith.constant 0 : i32
      %add3A_19 = arith.addi %add3A_18, %mul3A_6 : i32
      %select_n3A_20 = arith.constant true
      %select_n3A_21 = arith.constant 0 : i32
      %select_n3A_22 = arith.constant 1 : i32
      %select_n3A_23 = arith.select %select_n3A_20, %select_n3A_22, %select_n3A_21 : i32
      %eq3A_24 = arith.constant 1 : i32
      %eq3A_25 = arith.cmpi eq, %select_n3A_23, %eq3A_24 : i32
      %select_n3A_26 = arith.constant 0 : i32
      %select_n3A_27 = arith.select %eq3A_25, %select_n3A_26, %select_n3A_23 : i32
      %add3A_28 = arith.constant 0 : i32
      %add3A_29 = arith.addi %add3A_28, %mul3A_6 : i32
      %select_n3A_30 = arith.constant true
      %select_n3A_31 = arith.constant 0 : i32
      %select_n3A_32 = arith.constant 1 : i32
      %select_n3A_33 = arith.select %select_n3A_30, %select_n3A_32, %select_n3A_31 : i32
      %eq3A_34 = arith.constant 1 : i32
      %eq3A_35 = arith.cmpi eq, %select_n3A_33, %eq3A_34 : i32
      %select_n3A_36 = arith.constant 0 : i32
      %select_n3A_37 = arith.select %eq3A_35, %select_n3A_36, %select_n3A_33 : i32
      %add3A_38 = arith.constant 0 : i32
      %add3A_39 = arith.addi %add3A_38, %mul3A_6 : i32
      "tpu.trace_start"() <{level = 10 : i32, message = "ep_initialize_0"}> : () -> ()
      %rem3A = arith.constant 0 : i32
      %rem3A_40 = arith.constant 2 : i32
      %rem3A_41 = arith.remui %rem3A, %rem3A_40 : i32
      %mul3A_42 = arith.constant 128 : i32
      %mul3A_43 = arith.muli %mul3A_42, %add3A_11 : i32
      %dma_start3A = arith.constant 0 : i32
      %dma_start3A_44 = arith.constant 0 : i32
      %dma_start3A_45 = tpu.memref_slice %run_scoped3A[%rem3A_41, %dma_start3A, %dma_start3A_44] : memref<2x1x128xi32, #tpu.memory_space<vmem>> -> memref<1x1x128xi32, #tpu.memory_space<vmem>>
      %dma_start3A_46 = tpu.memref_squeeze %dma_start3A_45 : memref<1x1x128xi32, #tpu.memory_space<vmem>> -> memref<1x128xi32, #tpu.memory_space<vmem>>
      %dma_start3A_47 = arith.constant 0 : i32
      %dma_start3A_48 = tpu.memref_slice %arg3[%dma_start3A_47, %mul3A_43] : memref<1x4096xi32, #tpu.memory_space<hbm>> -> memref<1x128xi32, #tpu.memory_space<hbm>>
      %dma_start3A_49 = tpu.memref_slice %run_scoped3A_7[%rem3A_41] : memref<2x!tpu.dma_semaphore, #tpu.memory_space<semaphore_mem>> -> memref<1x!tpu.dma_semaphore, #tpu.memory_space<semaphore_mem>>
      %dma_start3A_50 = tpu.memref_squeeze %dma_start3A_49 : memref<1x!tpu.dma_semaphore, #tpu.memory_space<semaphore_mem>> -> memref<!tpu.dma_semaphore, #tpu.memory_space<semaphore_mem>>
      %dma_start3A_51 = arith.constant 0 : i32
      %dma_start3A_52 = arith.constant 0 : i32
      %dma_start3A_53 = tpu.memref_slice %run_scoped3A[%rem3A_41, %dma_start3A_51, %dma_start3A_52] : memref<2x1x128xi32, #tpu.memory_space<vmem>> -> memref<1x1x128xi32, #tpu.memory_space<vmem>>
      %dma_start3A_54 = tpu.memref_squeeze %dma_start3A_53 : memref<1x1x128xi32, #tpu.memory_space<vmem>> -> memref<1x128xi32, #tpu.memory_space<vmem>>
      %dma_start3A_55 = arith.constant 0 : i32
      %dma_start3A_56 = tpu.memref_slice %arg3[%dma_start3A_55, %mul3A_43] : memref<1x4096xi32, #tpu.memory_space<hbm>> -> memref<1x128xi32, #tpu.memory_space<hbm>>
      tpu.enqueue_dma source(%dma_start3A_56 : memref<1x128xi32, #tpu.memory_space<hbm>>) target(%dma_start3A_54 : memref<1x128xi32, #tpu.memory_space<vmem>>) target_semaphore(%dma_start3A_50 : memref<!tpu.dma_semaphore, #tpu.memory_space<semaphore_mem>>)
      %add3A_57 = arith.constant 0 : i32
      %add3A_58 = arith.constant 1 : i32
      %add3A_59 = arith.addi %add3A_57, %add3A_58 : i32
      %select_n3A_60 = arith.constant true
      %select_n3A_61 = arith.constant 0 : i32
      %select_n3A_62 = arith.select %select_n3A_60, %add3A_59, %select_n3A_61 : i32
      "tpu.trace_stop"() : () -> ()
      %scan3A = arith.constant 0 : i32
      %scan3A_63 = arith.constant 0 : i32
      %scan3A_64 = arith.constant 0 : i32
      %scan3A_65 = arith.constant 0 : i32
      %scan3A_66 = arith.constant 0 : i32
      %eq3A_67 = arith.constant 0 : i32
      %eq3A_68 = arith.cmpi eq, %scan3A_66, %eq3A_67 : i32
      %eq3A_69 = arith.constant 0 : i32
      %eq3A_70 = arith.cmpi eq, %scan3A_66, %eq3A_69 : i32
      %add3A_71 = arith.constant 0 : i32
      %add3A_72 = arith.addi %add3A_71, %mul3A_6 : i32
      %select_n3A_73 = arith.constant true
      %select_n3A_74 = arith.constant 0 : i32
      %select_n3A_75 = arith.constant -1 : i32
      %select_n3A_76 = arith.select %select_n3A_73, %select_n3A_75, %select_n3A_74 : i32
      %eq3A_77 = arith.constant -1 : i32
      %eq3A_78 = arith.cmpi eq, %select_n3A_76, %eq3A_77 : i32
      %select_n3A_79 = arith.constant 0 : i32
      %select_n3A_80 = arith.select %eq3A_78, %select_n3A_79, %select_n3A_76 : i32
      %add3A_81 = arith.constant 0 : i32
      %add3A_82 = arith.addi %add3A_81, %mul3A_6 : i32
      %select_n3A_83 = arith.constant true
      %select_n3A_84 = arith.constant 0 : i32
      %select_n3A_85 = arith.constant 1 : i32
      %select_n3A_86 = arith.select %select_n3A_83, %select_n3A_85, %select_n3A_84 : i32
      %eq3A_87 = arith.constant 1 : i32
      %eq3A_88 = arith.cmpi eq, %select_n3A_86, %eq3A_87 : i32
      %select_n3A_89 = arith.constant 0 : i32
      %select_n3A_90 = arith.select %eq3A_88, %select_n3A_89, %select_n3A_86 : i32
      %add3A_91 = arith.constant 0 : i32
      %add3A_92 = arith.addi %add3A_91, %mul3A_6 : i32
      %select_n3A_93 = arith.constant true
      %select_n3A_94 = arith.constant 0 : i32
      %select_n3A_95 = arith.constant 1 : i32
      %select_n3A_96 = arith.select %select_n3A_93, %select_n3A_95, %select_n3A_94 : i32
      %eq3A_97 = arith.constant 1 : i32
      %eq3A_98 = arith.cmpi eq, %select_n3A_96, %eq3A_97 : i32
      %select_n3A_99 = arith.constant 0 : i32
      %select_n3A_100 = arith.select %eq3A_98, %select_n3A_99, %select_n3A_96 : i32
      %add3A_101 = arith.constant 0 : i32
      %add3A_102 = arith.addi %add3A_101, %mul3A_6 : i32
      %ne3A = arith.cmpi ne, %add3A_72, %add3A_92 : i32
      %or3A = arith.constant false
      %or3A_103 = arith.ori %or3A, %ne3A : i1
      %ge3A = arith.constant 0 : i32
      %ge3A_104 = arith.cmpi sge, %scan3A_66, %ge3A : i32
      %not3A = arith.constant true
      %not3A_105 = arith.xori %ge3A_104, %not3A : i1
      %and3A = arith.andi %or3A_103, %not3A_105 : i1
      %convert_element_type3A = arith.extui %and3A : i1 to i32
      %cond3A = arith.constant 0 : i32
      %cond3A_106 = arith.cmpi ne, %convert_element_type3A, %cond3A : i32
      scf.if %cond3A_106 {
        "tpu.trace_start"() <{level = 10 : i32, message = "ep_copy_in"}> : () -> ()
        %rem3A_266 = arith.constant 2 : i32
        %rem3A_267 = arith.remui %select_n3A_62, %rem3A_266 : i32
        %mul3A_268 = arith.constant 128 : i32
        %mul3A_269 = arith.muli %mul3A_268, %add3A_92 : i32
        %dma_start3A_270 = arith.constant 0 : i32
        %dma_start3A_271 = arith.constant 0 : i32
        %dma_start3A_272 = tpu.memref_slice %run_scoped3A[%rem3A_267, %dma_start3A_270, %dma_start3A_271] : memref<2x1x128xi32, #tpu.memory_space<vmem>> -> memref<1x1x128xi32, #tpu.memory_space<vmem>>
        %dma_start3A_273 = tpu.memref_squeeze %dma_start3A_272 : memref<1x1x128xi32, #tpu.memory_space<vmem>> -> memref<1x128xi32, #tpu.memory_space<vmem>>
        %dma_start3A_274 = arith.constant 0 : i32
        %dma_start3A_275 = tpu.memref_slice %arg3[%dma_start3A_274, %mul3A_269] : memref<1x4096xi32, #tpu.memory_space<hbm>> -> memref<1x128xi32, #tpu.memory_space<hbm>>
        %dma_start3A_276 = tpu.memref_slice %run_scoped3A_7[%rem3A_267] : memref<2x!tpu.dma_semaphore, #tpu.memory_space<semaphore_mem>> -> memref<1x!tpu.dma_semaphore, #tpu.memory_space<semaphore_mem>>
        %dma_start3A_277 = tpu.memref_squeeze %dma_start3A_276 : memref<1x!tpu.dma_semaphore, #tpu.memory_space<semaphore_mem>> -> memref<!tpu.dma_semaphore, #tpu.memory_space<semaphore_mem>>
        %dma_start3A_278 = arith.constant 0 : i32
        %dma_start3A_279 = arith.constant 0 : i32
        %dma_start3A_280 = tpu.memref_slice %run_scoped3A[%rem3A_267, %dma_start3A_278, %dma_start3A_279] : memref<2x1x128xi32, #tpu.memory_space<vmem>> -> memref<1x1x128xi32, #tpu.memory_space<vmem>>
        %dma_start3A_281 = tpu.memref_squeeze %dma_start3A_280 : memref<1x1x128xi32, #tpu.memory_space<vmem>> -> memref<1x128xi32, #tpu.memory_space<vmem>>
        %dma_start3A_282 = arith.constant 0 : i32
        %dma_start3A_283 = tpu.memref_slice %arg3[%dma_start3A_282, %mul3A_269] : memref<1x4096xi32, #tpu.memory_space<hbm>> -> memref<1x128xi32, #tpu.memory_space<hbm>>
        tpu.enqueue_dma source(%dma_start3A_283 : memref<1x128xi32, #tpu.memory_space<hbm>>) target(%dma_start3A_281 : memref<1x128xi32, #tpu.memory_space<vmem>>) target_semaphore(%dma_start3A_277 : memref<!tpu.dma_semaphore, #tpu.memory_space<semaphore_mem>>)
        "tpu.trace_stop"() : () -> ()
      } else {
      }
      %and3A_107 = arith.constant true
      %and3A_108 = arith.andi %and3A, %and3A_107 : i1
      %add3A_109 = arith.constant 1 : i32
      %add3A_110 = arith.addi %select_n3A_62, %add3A_109 : i32
      %select_n3A_111 = arith.select %and3A_108, %add3A_110, %select_n3A_62 : i32
      %ne3A_112 = arith.cmpi ne, %add3A_72, %add3A_92 : i32
      %or3A_113 = arith.constant false
      %or3A_114 = arith.ori %or3A_113, %ne3A_112 : i1
      %or3A_115 = arith.constant false
      %or3A_116 = arith.ori %or3A_114, %or3A_115 : i1
      %ge3A_117 = arith.constant 0 : i32
      %ge3A_118 = arith.cmpi sge, %scan3A_66, %ge3A_117 : i32
      %not3A_119 = arith.constant true
      %not3A_120 = arith.xori %ge3A_118, %not3A_119 : i1
      %and3A_121 = arith.andi %or3A_116, %not3A_120 : i1
      %ne3A_122 = arith.cmpi ne, %add3A_72, %add3A_82 : i32
      %or3A_123 = arith.constant false
      %or3A_124 = arith.ori %or3A_123, %ne3A_122 : i1
      %or3A_125 = arith.ori %or3A_124, %eq3A_68 : i1
      %convert_element_type3A_126 = arith.extui %or3A_125 : i1 to i32
      %cond3A_127 = arith.constant 0 : i32
      %cond3A_128 = arith.cmpi ne, %convert_element_type3A_126, %cond3A_127 : i32
      scf.if %cond3A_128 {
        "tpu.trace_start"() <{level = 10 : i32, message = "ep_wait_in"}> : () -> ()
        %mul3A_266 = arith.constant 128 : i32
        %mul3A_267 = arith.muli %mul3A_266, %add3A_72 : i32
        %rem3A_268 = arith.constant 2 : i32
        %rem3A_269 = arith.remui %scan3A, %rem3A_268 : i32
        %dma_wait3A_270 = arith.constant 0 : i32
        %dma_wait3A_271 = arith.constant 0 : i32
        %dma_wait3A_272 = tpu.memref_slice %run_scoped3A[%rem3A_269, %dma_wait3A_270, %dma_wait3A_271] : memref<2x1x128xi32, #tpu.memory_space<vmem>> -> memref<1x1x128xi32, #tpu.memory_space<vmem>>
        %dma_wait3A_273 = tpu.memref_squeeze %dma_wait3A_272 : memref<1x1x128xi32, #tpu.memory_space<vmem>> -> memref<1x128xi32, #tpu.memory_space<vmem>>
        %dma_wait3A_274 = arith.constant 0 : i32
        %dma_wait3A_275 = tpu.memref_slice %arg3[%dma_wait3A_274, %mul3A_267] : memref<1x4096xi32, #tpu.memory_space<hbm>> -> memref<1x128xi32, #tpu.memory_space<hbm>>
        %dma_wait3A_276 = tpu.memref_slice %run_scoped3A_7[%rem3A_269] : memref<2x!tpu.dma_semaphore, #tpu.memory_space<semaphore_mem>> -> memref<1x!tpu.dma_semaphore, #tpu.memory_space<semaphore_mem>>
        %dma_wait3A_277 = tpu.memref_squeeze %dma_wait3A_276 : memref<1x!tpu.dma_semaphore, #tpu.memory_space<semaphore_mem>> -> memref<!tpu.dma_semaphore, #tpu.memory_space<semaphore_mem>>
        %dma_wait3A_278 = arith.constant 0 : i32
        %dma_wait3A_279 = arith.constant 0 : i32
        %dma_wait3A_280 = tpu.memref_slice %run_scoped3A[%rem3A_269, %dma_wait3A_278, %dma_wait3A_279] : memref<2x1x128xi32, #tpu.memory_space<vmem>> -> memref<1x1x128xi32, #tpu.memory_space<vmem>>
        %dma_wait3A_281 = tpu.memref_squeeze %dma_wait3A_280 : memref<1x1x128xi32, #tpu.memory_space<vmem>> -> memref<1x128xi32, #tpu.memory_space<vmem>>
        %dma_wait3A_282 = arith.constant 0 : i32
        %dma_wait3A_283 = tpu.memref_slice %arg3[%dma_wait3A_282, %mul3A_267] : memref<1x4096xi32, #tpu.memory_space<hbm>> -> memref<1x128xi32, #tpu.memory_space<hbm>>
        tpu.wait_dma2 semaphore(%dma_wait3A_277 : memref<!tpu.dma_semaphore, #tpu.memory_space<semaphore_mem>>) src(%dma_wait3A_283 : memref<1x128xi32, #tpu.memory_space<hbm>>) dst(%dma_wait3A_281 : memref<1x128xi32, #tpu.memory_space<vmem>>)
        "tpu.trace_stop"() : () -> ()
      } else {
      }
      %ne3A_129 = arith.cmpi ne, %add3A_72, %add3A_82 : i32
      %or3A_130 = arith.constant false
      %or3A_131 = arith.ori %or3A_130, %ne3A_129 : i1
      %or3A_132 = arith.constant false
      %or3A_133 = arith.ori %or3A_131, %or3A_132 : i1
      %or3A_134 = arith.ori %or3A_133, %eq3A_68 : i1
      %convert_element_type3A_135 = arith.extui %or3A_134 : i1 to i32
      %cond3A_136 = arith.constant 0 : i32
      %cond3A_137 = arith.cmpi ne, %convert_element_type3A_135, %cond3A_136 : i32
      scf.if %cond3A_137 {
      } else {
      }
      %rem3A_138 = arith.constant 2 : i32
      %rem3A_139 = arith.remui %scan3A, %rem3A_138 : i32
      %rem3A_140 = arith.constant 2 : i32
      %rem3A_141 = arith.remui %scan3A_63, %rem3A_140 : i32
      %run_scoped3A_142 = arith.constant 0 : i32
      "tpu.trace_start"() <{level = 10 : i32, message = "ep_run_kernel"}> : () -> ()
      "tpu.region"() ({
        %run_scoped3A_266 = tpu.sem_alloc : memref<!tpu.dma_semaphore, #tpu.memory_space<semaphore_mem>>
        %dma_start3A_267 = arith.constant 0 : i32
        %dma_start3A_268 = arith.constant 0 : i32
        %dma_start3A_269 = tpu.memref_slice %run_scoped3A_8[%rem3A_141, %dma_start3A_267, %dma_start3A_268] : memref<2x128x128xf32, #tpu.memory_space<vmem>> -> memref<1x128x128xf32, #tpu.memory_space<vmem>>
        %dma_start3A_270 = tpu.memref_squeeze %dma_start3A_269 : memref<1x128x128xf32, #tpu.memory_space<vmem>> -> memref<128x128xf32, #tpu.memory_space<vmem>>
        %dma_start3A_271 = arith.constant 0 : i32
        %dma_start3A_272 = arith.constant 0 : i32
        %dma_start3A_273 = tpu.memref_slice %run_scoped3A[%rem3A_139, %dma_start3A_271, %dma_start3A_272] : memref<2x1x128xi32, #tpu.memory_space<vmem>> -> memref<1x1x128xi32, #tpu.memory_space<vmem>>
        %dma_start3A_274 = tpu.memref_squeeze %dma_start3A_273 : memref<1x1x128xi32, #tpu.memory_space<vmem>> -> memref<1x128xi32, #tpu.memory_space<vmem>>
        %dma_start3A_275 = arith.constant 0 : i32
        %dma_start3A_276 = tpu.memref_slice %dma_start3A_274[%run_scoped3A_142, %dma_start3A_275] : memref<1x128xi32, #tpu.memory_space<vmem>> -> memref<1x128xi32, #tpu.memory_space<vmem>>
        %dma_start3A_277 = tpu.memref_squeeze %dma_start3A_276 : memref<1x128xi32, #tpu.memory_space<vmem>> -> memref<128xi32, #tpu.memory_space<vmem>>
        %dma_start3A_278 = arith.constant 0 : i32
        %dma_start3A_279 = arith.constant 0 : i32
        %dma_start3A_280 = tpu.memref_slice %arg2[%dma_start3A_278, %dma_start3A_279] : memref<100x128xf32, #tpu.memory_space<hbm>> -> memref<100x128xf32, #tpu.memory_space<hbm>>
        tpu.enqueue_indirect_dma source(%dma_start3A_280 : memref<100x128xf32, #tpu.memory_space<hbm>>) target(%dma_start3A_270 : memref<128x128xf32, #tpu.memory_space<vmem>>) offsets(%dma_start3A_277 : memref<128xi32, #tpu.memory_space<vmem>>) semaphore(%run_scoped3A_266 : memref<!tpu.dma_semaphore, #tpu.memory_space<semaphore_mem>>)
        %dma_wait3A_281 = arith.constant 0 : i32
        %dma_wait3A_282 = arith.constant 0 : i32
        %dma_wait3A_283 = tpu.memref_slice %run_scoped3A_8[%rem3A_141, %dma_wait3A_281, %dma_wait3A_282] : memref<2x128x128xf32, #tpu.memory_space<vmem>> -> memref<1x128x128xf32, #tpu.memory_space<vmem>>
        %dma_wait3A_284 = tpu.memref_squeeze %dma_wait3A_283 : memref<1x128x128xf32, #tpu.memory_space<vmem>> -> memref<128x128xf32, #tpu.memory_space<vmem>>
        %dma_wait3A_285 = arith.constant 0 : i32
        %dma_wait3A_286 = arith.constant 0 : i32
        %dma_wait3A_287 = tpu.memref_slice %run_scoped3A[%rem3A_139, %dma_wait3A_285, %dma_wait3A_286] : memref<2x1x128xi32, #tpu.memory_space<vmem>> -> memref<1x1x128xi32, #tpu.memory_space<vmem>>
        %dma_wait3A_288 = tpu.memref_squeeze %dma_wait3A_287 : memref<1x1x128xi32, #tpu.memory_space<vmem>> -> memref<1x128xi32, #tpu.memory_space<vmem>>
        %dma_wait3A_289 = arith.constant 0 : i32
        %dma_wait3A_290 = tpu.memref_slice %dma_wait3A_288[%run_scoped3A_142, %dma_wait3A_289] : memref<1x128xi32, #tpu.memory_space<vmem>> -> memref<1x128xi32, #tpu.memory_space<vmem>>
        %dma_wait3A_291 = tpu.memref_squeeze %dma_wait3A_290 : memref<1x128xi32, #tpu.memory_space<vmem>> -> memref<128xi32, #tpu.memory_space<vmem>>
        %dma_wait3A_292 = arith.constant 0 : i32
        %dma_wait3A_293 = arith.constant 0 : i32
        %dma_wait3A_294 = tpu.memref_slice %arg2[%dma_wait3A_292, %dma_wait3A_293] : memref<100x128xf32, #tpu.memory_space<hbm>> -> memref<100x128xf32, #tpu.memory_space<hbm>>
        tpu.wait_indirect_dma semaphore(%run_scoped3A_266 : memref<!tpu.dma_semaphore, #tpu.memory_space<semaphore_mem>>) src(%dma_wait3A_294 : memref<100x128xf32, #tpu.memory_space<hbm>>) dst(%dma_wait3A_284 : memref<128x128xf32, #tpu.memory_space<vmem>>)
        tpu.yield
      }) : () -> ()
      "tpu.trace_stop"() : () -> ()
      %ne3A_143 = arith.cmpi ne, %add3A_72, %add3A_92 : i32
      %or3A_144 = arith.constant false
      %or3A_145 = arith.ori %or3A_144, %ne3A_143 : i1
      %or3A_146 = arith.ori %or3A_145, %eq3A_70 : i1
      %convert_element_type3A_147 = arith.extui %or3A_146 : i1 to i32
      %cond3A_148 = arith.constant 0 : i32
      %cond3A_149 = arith.cmpi ne, %convert_element_type3A_147, %cond3A_148 : i32
      scf.if %cond3A_149 {
      } else {
      }
      %and3A_150 = arith.constant false
      %and3A_151 = arith.andi %or3A_146, %and3A_150 : i1
      %ne3A_152 = arith.cmpi ne, %add3A_72, %add3A_92 : i32
      %or3A_153 = arith.constant false
      %or3A_154 = arith.ori %or3A_153, %ne3A_152 : i1
      %or3A_155 = arith.constant false
      %or3A_156 = arith.ori %or3A_154, %or3A_155 : i1
      %or3A_157 = arith.ori %or3A_156, %eq3A_70 : i1
      %convert_element_type3A_158 = arith.extui %or3A_157 : i1 to i32
      %cond3A_159 = arith.constant 0 : i32
      %cond3A_160 = arith.cmpi ne, %convert_element_type3A_158, %cond3A_159 : i32
      scf.if %cond3A_160 {
        "tpu.trace_start"() <{level = 10 : i32, message = "ep_copy_out"}> : () -> ()
        %rem3A_266 = arith.constant 2 : i32
        %rem3A_267 = arith.remui %scan3A_63, %rem3A_266 : i32
        %mul3A_268 = arith.constant 128 : i32
        %mul3A_269 = arith.muli %mul3A_268, %add3A_72 : i32
        %dma_start3A_270 = arith.constant 0 : i32
        %dma_start3A_271 = arith.constant 0 : i32
        %dma_start3A_272 = tpu.memref_slice %run_scoped3A_8[%rem3A_267, %dma_start3A_270, %dma_start3A_271] : memref<2x128x128xf32, #tpu.memory_space<vmem>> -> memref<1x128x128xf32, #tpu.memory_space<vmem>>
        %dma_start3A_273 = tpu.memref_squeeze %dma_start3A_272 : memref<1x128x128xf32, #tpu.memory_space<vmem>> -> memref<128x128xf32, #tpu.memory_space<vmem>>
        %dma_start3A_274 = arith.constant 0 : i32
        %dma_start3A_275 = tpu.memref_slice %arg4[%mul3A_269, %dma_start3A_274] : memref<4096x128xf32, #tpu.memory_space<hbm>> -> memref<128x128xf32, #tpu.memory_space<hbm>>
        %dma_start3A_276 = tpu.memref_slice %run_scoped3A_9[%rem3A_267] : memref<2x!tpu.dma_semaphore, #tpu.memory_space<semaphore_mem>> -> memref<1x!tpu.dma_semaphore, #tpu.memory_space<semaphore_mem>>
        %dma_start3A_277 = tpu.memref_squeeze %dma_start3A_276 : memref<1x!tpu.dma_semaphore, #tpu.memory_space<semaphore_mem>> -> memref<!tpu.dma_semaphore, #tpu.memory_space<semaphore_mem>>
        %dma_start3A_278 = arith.constant 0 : i32
        %dma_start3A_279 = tpu.memref_slice %arg4[%mul3A_269, %dma_start3A_278] : memref<4096x128xf32, #tpu.memory_space<hbm>> -> memref<128x128xf32, #tpu.memory_space<hbm>>
        %dma_start3A_280 = arith.constant 0 : i32
        %dma_start3A_281 = arith.constant 0 : i32
        %dma_start3A_282 = tpu.memref_slice %run_scoped3A_8[%rem3A_267, %dma_start3A_280, %dma_start3A_281] : memref<2x128x128xf32, #tpu.memory_space<vmem>> -> memref<1x128x128xf32, #tpu.memory_space<vmem>>
        %dma_start3A_283 = tpu.memref_squeeze %dma_start3A_282 : memref<1x128x128xf32, #tpu.memory_space<vmem>> -> memref<128x128xf32, #tpu.memory_space<vmem>>
        tpu.enqueue_dma source(%dma_start3A_283 : memref<128x128xf32, #tpu.memory_space<vmem>>) target(%dma_start3A_279 : memref<128x128xf32, #tpu.memory_space<hbm>>) target_semaphore(%dma_start3A_277 : memref<!tpu.dma_semaphore, #tpu.memory_space<semaphore_mem>>)
        "tpu.trace_stop"() : () -> ()
      } else {
      }
      %and3A_161 = arith.constant true
      %and3A_162 = arith.andi %or3A_157, %and3A_161 : i1
      %add3A_163 = arith.constant 1 : i32
      %add3A_164 = arith.addi %scan3A_63, %add3A_163 : i32
      %select_n3A_165 = arith.select %and3A_162, %add3A_164, %scan3A_63 : i32
      %ne3A_166 = arith.cmpi ne, %add3A_72, %add3A_82 : i32
      %or3A_167 = arith.constant false
      %or3A_168 = arith.ori %or3A_167, %ne3A_166 : i1
      %not3A_169 = arith.constant true
      %not3A_170 = arith.xori %eq3A_68, %not3A_169 : i1
      %and3A_171 = arith.andi %or3A_168, %not3A_170 : i1
      %convert_element_type3A_172 = arith.extui %and3A_171 : i1 to i32
      %cond3A_173 = arith.constant 0 : i32
      %cond3A_174 = arith.cmpi ne, %convert_element_type3A_172, %cond3A_173 : i32
      scf.if %cond3A_174 {
      } else {
      }
      %and3A_175 = arith.constant false
      %and3A_176 = arith.andi %and3A_171, %and3A_175 : i1
      %ne3A_177 = arith.cmpi ne, %add3A_72, %add3A_82 : i32
      %or3A_178 = arith.constant false
      %or3A_179 = arith.ori %or3A_178, %ne3A_177 : i1
      %or3A_180 = arith.constant false
      %or3A_181 = arith.ori %or3A_179, %or3A_180 : i1
      %not3A_182 = arith.constant true
      %not3A_183 = arith.xori %eq3A_68, %not3A_182 : i1
      %and3A_184 = arith.andi %or3A_181, %not3A_183 : i1
      %convert_element_type3A_185 = arith.extui %and3A_184 : i1 to i32
      %cond3A_186 = arith.constant 0 : i32
      %cond3A_187 = arith.cmpi ne, %convert_element_type3A_185, %cond3A_186 : i32
      scf.if %cond3A_187 {
        "tpu.trace_start"() <{level = 10 : i32, message = "ep_wait_out"}> : () -> ()
        %rem3A_266 = arith.constant 2 : i32
        %rem3A_267 = arith.remui %scan3A_64, %rem3A_266 : i32
        %mul3A_268 = arith.constant 128 : i32
        %mul3A_269 = arith.muli %mul3A_268, %add3A_82 : i32
        %dma_wait3A_270 = arith.constant 0 : i32
        %dma_wait3A_271 = arith.constant 0 : i32
        %dma_wait3A_272 = tpu.memref_slice %run_scoped3A_8[%rem3A_267, %dma_wait3A_270, %dma_wait3A_271] : memref<2x128x128xf32, #tpu.memory_space<vmem>> -> memref<1x128x128xf32, #tpu.memory_space<vmem>>
        %dma_wait3A_273 = tpu.memref_squeeze %dma_wait3A_272 : memref<1x128x128xf32, #tpu.memory_space<vmem>> -> memref<128x128xf32, #tpu.memory_space<vmem>>
        %dma_wait3A_274 = arith.constant 0 : i32
        %dma_wait3A_275 = tpu.memref_slice %arg4[%mul3A_269, %dma_wait3A_274] : memref<4096x128xf32, #tpu.memory_space<hbm>> -> memref<128x128xf32, #tpu.memory_space<hbm>>
        %dma_wait3A_276 = tpu.memref_slice %run_scoped3A_9[%rem3A_267] : memref<2x!tpu.dma_semaphore, #tpu.memory_space<semaphore_mem>> -> memref<1x!tpu.dma_semaphore, #tpu.memory_space<semaphore_mem>>
        %dma_wait3A_277 = tpu.memref_squeeze %dma_wait3A_276 : memref<1x!tpu.dma_semaphore, #tpu.memory_space<semaphore_mem>> -> memref<!tpu.dma_semaphore, #tpu.memory_space<semaphore_mem>>
        %dma_wait3A_278 = arith.constant 0 : i32
        %dma_wait3A_279 = tpu.memref_slice %arg4[%mul3A_269, %dma_wait3A_278] : memref<4096x128xf32, #tpu.memory_space<hbm>> -> memref<128x128xf32, #tpu.memory_space<hbm>>
        %dma_wait3A_280 = arith.constant 0 : i32
        %dma_wait3A_281 = arith.constant 0 : i32
        %dma_wait3A_282 = tpu.memref_slice %run_scoped3A_8[%rem3A_267, %dma_wait3A_280, %dma_wait3A_281] : memref<2x128x128xf32, #tpu.memory_space<vmem>> -> memref<1x128x128xf32, #tpu.memory_space<vmem>>
        %dma_wait3A_283 = tpu.memref_squeeze %dma_wait3A_282 : memref<1x128x128xf32, #tpu.memory_space<vmem>> -> memref<128x128xf32, #tpu.memory_space<vmem>>
        tpu.wait_dma2 semaphore(%dma_wait3A_277 : memref<!tpu.dma_semaphore, #tpu.memory_space<semaphore_mem>>) src(%dma_wait3A_283 : memref<128x128xf32, #tpu.memory_space<vmem>>) dst(%dma_wait3A_279 : memref<128x128xf32, #tpu.memory_space<hbm>>)
        "tpu.trace_stop"() : () -> ()
      } else {
      }
      %and3A_188 = arith.constant true
      %and3A_189 = arith.andi %and3A_184, %and3A_188 : i1
      %add3A_190 = arith.constant 1 : i32
      %add3A_191 = arith.addi %scan3A_64, %add3A_190 : i32
      %select_n3A_192 = arith.select %and3A_189, %add3A_191, %scan3A_64 : i32
      %ne3A_193 = arith.cmpi ne, %add3A_72, %add3A_92 : i32
      %or3A_194 = arith.constant false
      %or3A_195 = arith.ori %or3A_194, %ne3A_193 : i1
      %or3A_196 = arith.ori %or3A_195, %eq3A_70 : i1
      %add3A_197 = arith.constant 1 : i32
      %add3A_198 = arith.addi %scan3A, %add3A_197 : i32
      %select_n3A_199 = arith.select %or3A_196, %add3A_198, %scan3A : i32
      %select_n3A_200 = arith.constant true
      %select_n3A_201 = arith.constant 0 : i32
      %select_n3A_202 = arith.constant 1 : i32
      %select_n3A_203 = arith.select %select_n3A_200, %select_n3A_202, %select_n3A_201 : i32
      %eq3A_204 = arith.constant 1 : i32
      %eq3A_205 = arith.cmpi eq, %select_n3A_203, %eq3A_204 : i32
      %select_n3A_206 = arith.constant 0 : i32
      %select_n3A_207 = arith.select %eq3A_205, %select_n3A_206, %select_n3A_203 : i32
      %scan3A_208 = arith.constant 0 : i32
      %scan3A_209 = arith.constant 1 : i32
      %sub3A = arith.constant 1 : i32
      %sub3A_210 = arith.subi %scan3A_208, %sub3A : i32
      %select_n3A_211 = arith.constant true
      %select_n3A_212 = arith.select %select_n3A_211, %sub3A_210, %scan3A_208 : i32
      %eq3A_213 = arith.constant -1 : i32
      %eq3A_214 = arith.cmpi eq, %select_n3A_212, %eq3A_213 : i32
      %select_n3A_215 = arith.constant 0 : i32
      %select_n3A_216 = arith.select %eq3A_214, %select_n3A_215, %select_n3A_212 : i32
      %add3A_217 = arith.constant 0 : i32
      %add3A_218 = arith.addi %add3A_217, %mul3A_6 : i32
      %select_n3A_219 = arith.constant true
      %select_n3A_220 = arith.constant 0 : i32
      %select_n3A_221 = arith.constant -1 : i32
      %select_n3A_222 = arith.select %select_n3A_219, %select_n3A_221, %select_n3A_220 : i32
      %eq3A_223 = arith.constant -1 : i32
      %eq3A_224 = arith.cmpi eq, %select_n3A_222, %eq3A_223 : i32
      %select_n3A_225 = arith.constant 0 : i32
      %select_n3A_226 = arith.select %eq3A_224, %select_n3A_225, %select_n3A_222 : i32
      %add3A_227 = arith.constant 0 : i32
      %add3A_228 = arith.addi %add3A_227, %mul3A_6 : i32
      %select_n3A_229 = arith.constant true
      %select_n3A_230 = arith.constant 0 : i32
      %select_n3A_231 = arith.constant 1 : i32
      %select_n3A_232 = arith.select %select_n3A_229, %select_n3A_231, %select_n3A_230 : i32
      %eq3A_233 = arith.constant 1 : i32
      %eq3A_234 = arith.cmpi eq, %select_n3A_232, %eq3A_233 : i32
      %select_n3A_235 = arith.constant 0 : i32
      %select_n3A_236 = arith.select %eq3A_234, %select_n3A_235, %select_n3A_232 : i32
      %add3A_237 = arith.constant 0 : i32
      %add3A_238 = arith.addi %add3A_237, %mul3A_6 : i32
      %select_n3A_239 = arith.constant true
      %select_n3A_240 = arith.constant 0 : i32
      %select_n3A_241 = arith.constant 1 : i32
      %select_n3A_242 = arith.select %select_n3A_239, %select_n3A_241, %select_n3A_240 : i32
      %eq3A_243 = arith.constant 1 : i32
      %eq3A_244 = arith.cmpi eq, %select_n3A_242, %eq3A_243 : i32
      %select_n3A_245 = arith.constant 0 : i32
      %select_n3A_246 = arith.select %eq3A_244, %select_n3A_245, %select_n3A_242 : i32
      %add3A_247 = arith.constant 0 : i32
      %add3A_248 = arith.addi %add3A_247, %mul3A_6 : i32
      "tpu.trace_start"() <{level = 10 : i32, message = "ep_finalize"}> : () -> ()
      %rem3A_249 = arith.constant 2 : i32
      %rem3A_250 = arith.remui %select_n3A_192, %rem3A_249 : i32
      %mul3A_251 = arith.constant 128 : i32
      %mul3A_252 = arith.muli %mul3A_251, %add3A_218 : i32
      %dma_wait3A = arith.constant 0 : i32
      %dma_wait3A_253 = arith.constant 0 : i32
      %dma_wait3A_254 = tpu.memref_slice %run_scoped3A_8[%rem3A_250, %dma_wait3A, %dma_wait3A_253] : memref<2x128x128xf32, #tpu.memory_space<vmem>> -> memref<1x128x128xf32, #tpu.memory_space<vmem>>
      %dma_wait3A_255 = tpu.memref_squeeze %dma_wait3A_254 : memref<1x128x128xf32, #tpu.memory_space<vmem>> -> memref<128x128xf32, #tpu.memory_space<vmem>>
      %dma_wait3A_256 = arith.constant 0 : i32
      %dma_wait3A_257 = tpu.memref_slice %arg4[%mul3A_252, %dma_wait3A_256] : memref<4096x128xf32, #tpu.memory_space<hbm>> -> memref<128x128xf32, #tpu.memory_space<hbm>>
      %dma_wait3A_258 = tpu.memref_slice %run_scoped3A_9[%rem3A_250] : memref<2x!tpu.dma_semaphore, #tpu.memory_space<semaphore_mem>> -> memref<1x!tpu.dma_semaphore, #tpu.memory_space<semaphore_mem>>
      %dma_wait3A_259 = tpu.memref_squeeze %dma_wait3A_258 : memref<1x!tpu.dma_semaphore, #tpu.memory_space<semaphore_mem>> -> memref<!tpu.dma_semaphore, #tpu.memory_space<semaphore_mem>>
      %dma_wait3A_260 = arith.constant 0 : i32
      %dma_wait3A_261 = tpu.memref_slice %arg4[%mul3A_252, %dma_wait3A_260] : memref<4096x128xf32, #tpu.memory_space<hbm>> -> memref<128x128xf32, #tpu.memory_space<hbm>>
      %dma_wait3A_262 = arith.constant 0 : i32
      %dma_wait3A_263 = arith.constant 0 : i32
      %dma_wait3A_264 = tpu.memref_slice %run_scoped3A_8[%rem3A_250, %dma_wait3A_262, %dma_wait3A_263] : memref<2x128x128xf32, #tpu.memory_space<vmem>> -> memref<1x128x128xf32, #tpu.memory_space<vmem>>
      %dma_wait3A_265 = tpu.memref_squeeze %dma_wait3A_264 : memref<1x128x128xf32, #tpu.memory_space<vmem>> -> memref<128x128xf32, #tpu.memory_space<vmem>>
      tpu.wait_dma2 semaphore(%dma_wait3A_259 : memref<!tpu.dma_semaphore, #tpu.memory_space<semaphore_mem>>) src(%dma_wait3A_265 : memref<128x128xf32, #tpu.memory_space<vmem>>) dst(%dma_wait3A_261 : memref<128x128xf32, #tpu.memory_space<hbm>>)
      "tpu.trace_stop"() : () -> ()
      tpu.yield
    }) : () -> ()
    return
  }
}

module attributes {stable_mosaic.version = 14 : i64} {
  func.func @_readout_body(%arg0: memref<1x4096xi32, #tpu.memory_space<vmem>>, %arg1: memref<4096x128xf32, #tpu.memory_space<vmem>>, %arg2: memref<128x64xf32, #tpu.memory_space<vmem>>, %arg3: memref<1x64xf32, #tpu.memory_space<vmem>>, %arg4: memref<64x4xf32, #tpu.memory_space<vmem>>, %arg5: memref<1x4xf32, #tpu.memory_space<vmem>>, %arg6: memref<8x4xf32, #tpu.memory_space<vmem>>) attributes {dimension_semantics = [], scalar_prefetch = 0 : i64, scratch_operands = 0 : i64, tpu.core_type = #tpu.core_type<tc>} {
    %get3A = arith.constant 0 : index
    %get3A_0 = arith.constant 0 : index
    %get3A_1 = vector.load %arg1[%get3A, %get3A_0] : memref<4096x128xf32, #tpu.memory_space<vmem>>, vector<4096x128xf32>
    %get3A_2 = arith.constant 0 : index
    %get3A_3 = arith.constant 0 : index
    %get3A_4 = vector.load %arg2[%get3A_2, %get3A_3] : memref<128x64xf32, #tpu.memory_space<vmem>>, vector<128x64xf32>
    %dot_general3A = arith.constant dense<0.000000e+00> : vector<4096x64xf32>
    %dot_general3A_5 = tpu.matmul %get3A_1, %get3A_4, %dot_general3A {dimension_numbers = #tpu.dot_dimension_numbers<[1], [0], [0], [1], [0, 0, 1, 1], [], []>, precision = #tpu.contract_precision<fp32>, transpose_lhs_hint = false} : vector<4096x128xf32>, vector<128x64xf32>, vector<4096x64xf32> -> vector<4096x64xf32>
    %get3A_6 = arith.constant 0 : index
    %get3A_7 = arith.constant 0 : index
    %get3A_8 = vector.load %arg3[%get3A_6, %get3A_7] : memref<1x64xf32, #tpu.memory_space<vmem>>, vector<1x64xf32>
    %add3A = vector.broadcast %get3A_8 : vector<1x64xf32> to vector<4096x64xf32>
    %add3A_9 = arith.addf %dot_general3A_5, %add3A : vector<4096x64xf32>
    %exp3A = math.exp %add3A_9 : vector<4096x64xf32>
    %mul3A = arith.constant 5.000000e-01 : f32
    %mul3A_10 = vector.broadcast %mul3A : f32 to vector<4096x64xf32>
    %mul3A_11 = arith.mulf %mul3A_10, %exp3A : vector<4096x64xf32>
    %add3A_12 = arith.constant 5.000000e-01 : f32
    %add3A_13 = vector.broadcast %add3A_12 : f32 to vector<4096x64xf32>
    %add3A_14 = arith.addf %add3A_13, %mul3A_11 : vector<4096x64xf32>
    %log3A = math.log %add3A_14 : vector<4096x64xf32>
    %get3A_15 = arith.constant 0 : index
    %get3A_16 = arith.constant 0 : index
    %get3A_17 = vector.load %arg4[%get3A_15, %get3A_16] : memref<64x4xf32, #tpu.memory_space<vmem>>, vector<64x4xf32>
    %dot_general3A_18 = arith.constant dense<0.000000e+00> : vector<4096x4xf32>
    %dot_general3A_19 = tpu.matmul %log3A, %get3A_17, %dot_general3A_18 {dimension_numbers = #tpu.dot_dimension_numbers<[1], [0], [0], [1], [0, 0, 1, 1], [], []>, precision = #tpu.contract_precision<fp32>, transpose_lhs_hint = false} : vector<4096x64xf32>, vector<64x4xf32>, vector<4096x4xf32> -> vector<4096x4xf32>
    %get3A_20 = arith.constant 0 : index
    %get3A_21 = arith.constant 0 : index
    %get3A_22 = vector.load %arg5[%get3A_20, %get3A_21] : memref<1x4xf32, #tpu.memory_space<vmem>>, vector<1x4xf32>
    %add3A_23 = vector.broadcast %get3A_22 : vector<1x4xf32> to vector<4096x4xf32>
    %add3A_24 = arith.addf %dot_general3A_19, %add3A_23 : vector<4096x4xf32>
    %get3A_25 = arith.constant 0 : index
    %get3A_26 = arith.constant 0 : index
    %get3A_27 = vector.load %arg0[%get3A_25, %get3A_26] : memref<1x4096xi32, #tpu.memory_space<vmem>>, vector<1x4096xi32>
    %iota3A = tpu.iota {dimensions = array<i32: 0>} : vector<8x1xi32>
    %eq3A = vector.broadcast %get3A_27 : vector<1x4096xi32> to vector<8x4096xi32>
    %eq3A_28 = vector.broadcast %iota3A : vector<8x1xi32> to vector<8x4096xi32>
    %eq3A_29 = arith.cmpi eq, %eq3A, %eq3A_28 : vector<8x4096xi32>
    %convert_element_type3A = arith.extui %eq3A_29 : vector<8x4096xi1> to vector<8x4096xi32>
    %convert_element_type3A_30 = arith.sitofp %convert_element_type3A : vector<8x4096xi32> to vector<8x4096xf32>
    %dot_general3A_31 = arith.constant dense<0.000000e+00> : vector<8x4xf32>
    %dot_general3A_32 = tpu.matmul %convert_element_type3A_30, %add3A_24, %dot_general3A_31 {dimension_numbers = #tpu.dot_dimension_numbers<[1], [0], [0], [1], [0, 0, 1, 1], [], []>, precision = #tpu.contract_precision<fp32>, transpose_lhs_hint = false} : vector<8x4096xf32>, vector<4096x4xf32>, vector<8x4xf32> -> vector<8x4xf32>
    %swap3A = arith.constant 0 : index
    %swap3A_33 = arith.constant 0 : index
    %swap3A_34 = vector.load %arg6[%swap3A, %swap3A_33] : memref<8x4xf32, #tpu.memory_space<vmem>>, vector<8x4xf32>
    tpu.vector_store %arg6[%swap3A, %swap3A_33], %dot_general3A_32 {strides = array<i32>} : memref<8x4xf32, #tpu.memory_space<vmem>>, vector<8x4xf32>,
    return
  }
}

module attributes {stable_mosaic.version = 14 : i64} {
  func.func @_inter_body(%arg0: i32, %arg1: memref<1x1xf32, #tpu.memory_space<vmem>>, %arg2: memref<1x50xf32, #tpu.memory_space<vmem>>, %arg3: memref<4096x8xf32, #tpu.memory_space<vmem>>, %arg4: memref<1x4096xi32, #tpu.memory_space<vmem>>, %arg5: memref<4096x1xi32, #tpu.memory_space<vmem>>, %arg6: memref<4096x128xf32, #tpu.memory_space<vmem>>, %arg7: memref<50x128xf32, #tpu.memory_space<vmem>>, %arg8: memref<1x128xf32, #tpu.memory_space<vmem>>, %arg9: memref<128x128xf32, #tpu.memory_space<vmem>>, %arg10: memref<1x128xf32, #tpu.memory_space<vmem>>, %arg11: memref<128x128xf32, #tpu.memory_space<vmem>>, %arg12: memref<128x128xf32, #tpu.memory_space<vmem>>, %arg13: memref<1x128xf32, #tpu.memory_space<vmem>>, %arg14: memref<128x128xf32, #tpu.memory_space<vmem>>, %arg15: memref<1x128xf32, #tpu.memory_space<vmem>>, %arg16: memref<128x128xf32, #tpu.memory_space<vmem>>, %arg17: memref<128x128xf32, #tpu.memory_space<vmem>>) attributes {dimension_semantics = [#tpu.dimension_semantics<arbitrary>], iteration_bounds = array<i64: 32>, scalar_prefetch = 0 : i64, scratch_operands = 1 : i64, tpu.core_type = #tpu.core_type<tc>, window_params = [{pipeline_mode = #tpu.pipeline_mode<synchronous>, transform_indices = @transform_0, window_bounds = array<i64: 1, 1>}, {pipeline_mode = #tpu.pipeline_mode<synchronous>, transform_indices = @transform_1, window_bounds = array<i64: 1, 50>}, {pipeline_mode = #tpu.pipeline_mode<synchronous>, transform_indices = @transform_2, window_bounds = array<i64: 4096, 8>}, {pipeline_mode = #tpu.pipeline_mode<synchronous>, transform_indices = @transform_3, window_bounds = array<i64: 1, 4096>}, {pipeline_mode = #tpu.pipeline_mode<synchronous>, transform_indices = @transform_4, window_bounds = array<i64: 4096, 1>}, {pipeline_mode = #tpu.pipeline_mode<synchronous>, transform_indices = @transform_5, window_bounds = array<i64: 4096, 128>}, {pipeline_mode = #tpu.pipeline_mode<synchronous>, transform_indices = @transform_6, window_bounds = array<i64: 50, 128>}, {pipeline_mode = #tpu.pipeline_mode<synchronous>, transform_indices = @transform_7, window_bounds = array<i64: 1, 128>}, {pipeline_mode = #tpu.pipeline_mode<synchronous>, transform_indices = @transform_8, window_bounds = array<i64: 128, 128>}, {pipeline_mode = #tpu.pipeline_mode<synchronous>, transform_indices = @transform_9, window_bounds = array<i64: 1, 128>}, {pipeline_mode = #tpu.pipeline_mode<synchronous>, transform_indices = @transform_10, window_bounds = array<i64: 128, 128>}, {pipeline_mode = #tpu.pipeline_mode<synchronous>, transform_indices = @transform_11, window_bounds = array<i64: 128, 128>}, {pipeline_mode = #tpu.pipeline_mode<synchronous>, transform_indices = @transform_12, window_bounds = array<i64: 1, 128>}, {pipeline_mode = #tpu.pipeline_mode<synchronous>, transform_indices = @transform_13, window_bounds = array<i64: 128, 128>}, {pipeline_mode = #tpu.pipeline_mode<synchronous>, transform_indices = @transform_14, window_bounds = array<i64: 1, 128>}, {transform_indices = @transform_15, window_bounds = array<i64: 128, 128>}]} {
    %get3A = arith.constant 0 : index
    %get3A_0 = arith.constant 0 : index
    %get3A_1 = vector.load %arg1[%get3A, %get3A_0] : memref<1x1xf32, #tpu.memory_space<vmem>>, vector<1x1xf32>
    %get3A_2 = vector.extract %get3A_1[0, 0] : f32 from vector<1x1xf32>
    %get3A_3 = arith.constant 0 : index
    %get3A_4 = arith.constant 0 : index
    %get3A_5 = vector.load %arg2[%get3A_3, %get3A_4] : memref<1x50xf32, #tpu.memory_space<vmem>>, vector<1x50xf32>
    %transpose3A = tpu.transpose %get3A_5, [1, 0] : vector<1x50xf32> -> vector<50x1xf32>
    %mul3A = arith.constant 128 : i32
    %mul3A_6 = arith.muli %arg0, %mul3A : i32
    %get3A_7 = arith.index_cast %mul3A_6 : i32 to index
    %get3A_8 = arith.constant 0 : index
    %get3A_9 = vector.load %arg3[%get3A_7, %get3A_8] : memref<4096x8xf32, #tpu.memory_space<vmem>>, vector<128x8xf32>
    %transpose3A_10 = tpu.transpose %get3A_9, [1, 0] : vector<128x8xf32> -> vector<8x128xf32>
    %mul3A_11 = arith.mulf %transpose3A_10, %transpose3A_10 : vector<8x128xf32>
    %reduce_sum3A = arith.constant dense<0.000000e+00> : vector<128xf32>
    %reduce_sum3A_12 = vector.multi_reduction <add>, %mul3A_11, %reduce_sum3A [0] : vector<8x128xf32> to vector<128xf32>
    %broadcast_in_dim3A = vector.shape_cast %reduce_sum3A_12 : vector<128xf32> to vector<1x128xf32>
    %mul3A_13 = arith.constant 128 : i32
    %mul3A_14 = arith.muli %arg0, %mul3A_13 : i32
    %get3A_15 = arith.constant 0 : index
    %get3A_16 = arith.index_cast %mul3A_14 : i32 to index
    %get3A_17 = vector.load %arg4[%get3A_15, %get3A_16] : memref<1x4096xi32, #tpu.memory_space<vmem>>, vector<1x128xi32>
    %mul3A_18 = arith.constant 128 : i32
    %mul3A_19 = arith.muli %arg0, %mul3A_18 : i32
    %iota3A = tpu.iota {dimensions = array<i32: 1>} : vector<1x128xi32>
    %add3A = vector.broadcast %mul3A_19 : i32 to vector<1x128xi32>
    %add3A_20 = arith.addi %add3A, %iota3A : vector<1x128xi32>
    %reduce_min3A = vector.shape_cast %get3A_17 : vector<1x128xi32> to vector<1x1x128xi32>
    %reduce_min3A_21 = arith.constant dense<2147483647> : vector<1xi32>
    %reduce_min3A_22 = vector.multi_reduction <minsi>, %reduce_min3A, %reduce_min3A_21 [1, 2] : vector<1x1x128xi32> to vector<1xi32>
    %reduce_min3A_23 = vector.shape_cast %reduce_min3A_22 : vector<1xi32> to vector<1x1x1xi32>
    %reduce_min3A_24 = vector.extract %reduce_min3A_23[0, 0, 0] : i32 from vector<1x1x1xi32>
    %reduce_max3A = vector.shape_cast %get3A_17 : vector<1x128xi32> to vector<1x1x128xi32>
    %reduce_max3A_25 = arith.constant dense<-2147483648> : vector<1xi32>
    %reduce_max3A_26 = vector.multi_reduction <maxsi>, %reduce_max3A, %reduce_max3A_25 [1, 2] : vector<1x1x128xi32> to vector<1xi32>
    %reduce_max3A_27 = vector.shape_cast %reduce_max3A_26 : vector<1xi32> to vector<1x1x1xi32>
    %reduce_max3A_28 = vector.extract %reduce_max3A_27[0, 0, 0] : i32 from vector<1x1x1xi32>
    %get3A_29 = arith.constant 0 : index
    %get3A_30 = arith.constant 0 : index
    %get3A_31 = vector.load %arg4[%get3A_29, %get3A_30] : memref<1x4096xi32, #tpu.memory_space<vmem>>, vector<1x4096xi32>
    %lt3A = vector.broadcast %reduce_min3A_24 : i32 to vector<1x4096xi32>
    %lt3A_32 = arith.cmpi slt, %get3A_31, %lt3A : vector<1x4096xi32>
    %convert_element_type3A = arith.extui %lt3A_32 : vector<1x4096xi1> to vector<1x4096xi32>
    %reduce_sum3A_33 = vector.shape_cast %convert_element_type3A : vector<1x4096xi32> to vector<1x1x4096xi32>
    %reduce_sum3A_34 = arith.constant dense<0> : vector<1xi32>
    %reduce_sum3A_35 = vector.multi_reduction <add>, %reduce_sum3A_33, %reduce_sum3A_34 [1, 2] : vector<1x1x4096xi32> to vector<1xi32>
    %reduce_sum3A_36 = vector.shape_cast %reduce_sum3A_35 : vector<1xi32> to vector<1x1x1xi32>
    %reduce_sum3A_37 = vector.extract %reduce_sum3A_36[0, 0, 0] : i32 from vector<1x1x1xi32>
    %le3A = vector.broadcast %reduce_max3A_28 : i32 to vector<1x4096xi32>
    %le3A_38 = arith.cmpi sle, %get3A_31, %le3A : vector<1x4096xi32>
    %convert_element_type3A_39 = arith.extui %le3A_38 : vector<1x4096xi1> to vector<1x4096xi32>
    %reduce_sum3A_40 = vector.shape_cast %convert_element_type3A_39 : vector<1x4096xi32> to vector<1x1x4096xi32>
    %reduce_sum3A_41 = arith.constant dense<0> : vector<1xi32>
    %reduce_sum3A_42 = vector.multi_reduction <add>, %reduce_sum3A_40, %reduce_sum3A_41 [1, 2] : vector<1x1x4096xi32> to vector<1xi32>
    %reduce_sum3A_43 = vector.shape_cast %reduce_sum3A_42 : vector<1xi32> to vector<1x1x1xi32>
    %reduce_sum3A_44 = vector.extract %reduce_sum3A_43[0, 0, 0] : i32 from vector<1x1x1xi32>
    %jit3A = arith.constant 128 : i32
    %div3A = arith.divsi %reduce_sum3A_37, %jit3A : i32
    %sign3A = arith.constant 0 : i32
    %sign3A_45 = arith.cmpi sgt, %reduce_sum3A_37, %sign3A : i32
    %sign3A_46 = arith.extui %sign3A_45 : i1 to i32
    %sign3A_47 = arith.constant 0 : i32
    %sign3A_48 = arith.cmpi slt, %reduce_sum3A_37, %sign3A_47 : i32
    %sign3A_49 = arith.extui %sign3A_48 : i1 to i32
    %sign3A_50 = arith.subi %sign3A_46, %sign3A_49 : i32
    %sign3A_51 = arith.constant 0 : i32
    %sign3A_52 = arith.cmpi sgt, %jit3A, %sign3A_51 : i32
    %sign3A_53 = arith.extui %sign3A_52 : i1 to i32
    %sign3A_54 = arith.constant 0 : i32
    %sign3A_55 = arith.cmpi slt, %jit3A, %sign3A_54 : i32
    %sign3A_56 = arith.extui %sign3A_55 : i1 to i32
    %sign3A_57 = arith.subi %sign3A_53, %sign3A_56 : i32
    %ne3A = arith.cmpi ne, %sign3A_50, %sign3A_57 : i32
    %rem3A = arith.remsi %reduce_sum3A_37, %jit3A : i32
    %ne3A_58 = arith.constant 0 : i32
    %ne3A_59 = arith.cmpi ne, %rem3A, %ne3A_58 : i32
    %and3A = arith.andi %ne3A, %ne3A_59 : i1
    %sub3A = arith.constant 1 : i32
    %sub3A_60 = arith.subi %div3A, %sub3A : i32
    %select_n3A = arith.select %and3A, %sub3A_60, %div3A : i32
    %add3A_61 = arith.constant 128 : i32
    %add3A_62 = arith.addi %reduce_sum3A_44, %add3A_61 : i32
    %sub3A_63 = arith.constant 1 : i32
    %sub3A_64 = arith.subi %add3A_62, %sub3A_63 : i32
    %jit3A_65 = arith.constant 128 : i32
    %div3A_66 = arith.divsi %sub3A_64, %jit3A_65 : i32
    %sign3A_67 = arith.constant 0 : i32
    %sign3A_68 = arith.cmpi sgt, %sub3A_64, %sign3A_67 : i32
    %sign3A_69 = arith.extui %sign3A_68 : i1 to i32
    %sign3A_70 = arith.constant 0 : i32
    %sign3A_71 = arith.cmpi slt, %sub3A_64, %sign3A_70 : i32
    %sign3A_72 = arith.extui %sign3A_71 : i1 to i32
    %sign3A_73 = arith.subi %sign3A_69, %sign3A_72 : i32
    %sign3A_74 = arith.constant 0 : i32
    %sign3A_75 = arith.cmpi sgt, %jit3A_65, %sign3A_74 : i32
    %sign3A_76 = arith.extui %sign3A_75 : i1 to i32
    %sign3A_77 = arith.constant 0 : i32
    %sign3A_78 = arith.cmpi slt, %jit3A_65, %sign3A_77 : i32
    %sign3A_79 = arith.extui %sign3A_78 : i1 to i32
    %sign3A_80 = arith.subi %sign3A_76, %sign3A_79 : i32
    %ne3A_81 = arith.cmpi ne, %sign3A_73, %sign3A_80 : i32
    %rem3A_82 = arith.remsi %sub3A_64, %jit3A_65 : i32
    %ne3A_83 = arith.constant 0 : i32
    %ne3A_84 = arith.cmpi ne, %rem3A_82, %ne3A_83 : i32
    %and3A_85 = arith.andi %ne3A_81, %ne3A_84 : i1
    %sub3A_86 = arith.constant 1 : i32
    %sub3A_87 = arith.subi %div3A_66, %sub3A_86 : i32
    %select_n3A_88 = arith.select %and3A_85, %sub3A_87, %div3A_66 : i32
    %broadcast_in_dim3A_89 = arith.constant 0.000000e+00 : f32
    %broadcast_in_dim3A_90 = vector.broadcast %broadcast_in_dim3A_89 : f32 to vector<128x128xf32>
    %swap3A = arith.constant 0 : index
    %swap3A_91 = arith.constant 0 : index
    %swap3A_92 = vector.load %arg17[%swap3A, %swap3A_91] : memref<128x128xf32, #tpu.memory_space<vmem>>, vector<128x128xf32>
    tpu.vector_store %arg17[%swap3A, %swap3A_91], %broadcast_in_dim3A_90 {strides = array<i32>} : memref<128x128xf32, #tpu.memory_space<vmem>>, vector<128x128xf32>,
    %get3A_93 = arith.constant 0 : index
    %get3A_94 = arith.constant 0 : index
    %get3A_95 = vector.load %arg11[%get3A_93, %get3A_94] : memref<128x128xf32, #tpu.memory_space<vmem>>, vector<128x128xf32>
    %get3A_96 = arith.constant 0 : index
    %get3A_97 = arith.constant 0 : index
    %get3A_98 = vector.load %arg7[%get3A_96, %get3A_97] : memref<50x128xf32, #tpu.memory_space<vmem>>, vector<50x128xf32>
    %get3A_99 = arith.constant 0 : index
    %get3A_100 = arith.constant 0 : index
    %get3A_101 = vector.load %arg8[%get3A_99, %get3A_100] : memref<1x128xf32, #tpu.memory_space<vmem>>, vector<1x128xf32>
    %get3A_102 = arith.constant 0 : index
    %get3A_103 = arith.constant 0 : index
    %get3A_104 = vector.load %arg9[%get3A_102, %get3A_103] : memref<128x128xf32, #tpu.memory_space<vmem>>, vector<128x128xf32>
    %get3A_105 = arith.constant 0 : index
    %get3A_106 = arith.constant 0 : index
    %get3A_107 = vector.load %arg10[%get3A_105, %get3A_106] : memref<1x128xf32, #tpu.memory_space<vmem>>, vector<1x128xf32>
    %while3A = arith.constant 0 : i32
    %while3A_108 = arith.subi %select_n3A_88, %select_n3A : i32
    %while3A_109 = arith.addi %select_n3A, %while3A_108 : i32
    %while3A_110 = arith.constant 1 : i32
    %while3A_111 = arith.divsi %while3A_108, %while3A_110 : i32
    %while3A_112 = arith.muli %while3A_111, %while3A_110 : i32
    %while3A_113 = arith.addi %select_n3A, %while3A_112 : i32
    %while3A_114 = arith.constant 1 : i32
    scf.for %while3A_153 = %select_n3A to %while3A_113 step %while3A_114  : i32 {
      %mul3A_154 = arith.constant 128 : i32
      %mul3A_155 = arith.muli %while3A_153, %mul3A_154 : i32
      %get3A_156 = arith.index_cast %mul3A_155 : i32 to index
      %get3A_157 = arith.constant 0 : index
      %get3A_158 = vector.load %arg3[%get3A_156, %get3A_157] : memref<4096x8xf32, #tpu.memory_space<vmem>>, vector<128x8xf32>
      %mul3A_159 = arith.mulf %get3A_158, %get3A_158 : vector<128x8xf32>
      %reduce_sum3A_160 = arith.constant dense<0.000000e+00> : vector<128xf32>
      %reduce_sum3A_161 = vector.multi_reduction <add>, %mul3A_159, %reduce_sum3A_160 [1] : vector<128x8xf32> to vector<128xf32>
      %broadcast_in_dim3A_162 = vector.shape_cast %reduce_sum3A_161 : vector<128xf32> to vector<128x1xf32>
      %dot_general3A_163 = arith.constant dense<0.000000e+00> : vector<128x128xf32>
      %dot_general3A_164 = tpu.matmul %get3A_158, %transpose3A_10, %dot_general3A_163 {dimension_numbers = #tpu.dot_dimension_numbers<[1], [0], [0], [1], [0, 0, 1, 1], [], []>, precision = #tpu.contract_precision<fp32>, transpose_lhs_hint = false} : vector<128x8xf32>, vector<8x128xf32>, vector<128x128xf32> -> vector<128x128xf32>
      %add3A_165 = vector.broadcast %broadcast_in_dim3A_162 : vector<128x1xf32> to vector<128x128xf32>
      %add3A_166 = vector.broadcast %broadcast_in_dim3A : vector<1x128xf32> to vector<128x128xf32>
      %add3A_167 = arith.addf %add3A_165, %add3A_166 : vector<128x128xf32>
      %mul3A_168 = arith.constant 2.000000e+00 : f32
      %mul3A_169 = vector.broadcast %mul3A_168 : f32 to vector<128x128xf32>
      %mul3A_170 = arith.mulf %mul3A_169, %dot_general3A_164 : vector<128x128xf32>
      %sub3A_171 = arith.subf %add3A_167, %mul3A_170 : vector<128x128xf32>
      %max3A = arith.constant 0.000000e+00 : f32
      %max3A_172 = vector.broadcast %max3A : f32 to vector<128x128xf32>
      %max3A_173 = arith.maximumf %sub3A_171, %max3A_172 : vector<128x128xf32>
      %add3A_174 = arith.constant 9.99999996E-13 : f32
      %add3A_175 = vector.broadcast %add3A_174 : f32 to vector<128x128xf32>
      %add3A_176 = arith.addf %max3A_173, %add3A_175 : vector<128x128xf32>
      %sqrt3A = math.sqrt %add3A_176 : vector<128x128xf32>
      %mul3A_177 = arith.constant 128 : i32
      %mul3A_178 = arith.muli %while3A_153, %mul3A_177 : i32
      %get3A_179 = arith.index_cast %mul3A_178 : i32 to index
      %get3A_180 = arith.constant 0 : index
      %get3A_181 = vector.load %arg5[%get3A_179, %get3A_180] : memref<4096x1xi32, #tpu.memory_space<vmem>>, vector<128x1xi32>
      %mul3A_182 = arith.constant 128 : i32
      %mul3A_183 = arith.muli %while3A_153, %mul3A_182 : i32
      %iota3A_184 = tpu.iota {dimensions = array<i32: 0>} : vector<128x1xi32>
      %add3A_185 = vector.broadcast %mul3A_183 : i32 to vector<128x1xi32>
      %add3A_186 = arith.addi %add3A_185, %iota3A_184 : vector<128x1xi32>
      %eq3A = vector.broadcast %get3A_181 : vector<128x1xi32> to vector<128x128xi32>
      %eq3A_187 = vector.broadcast %get3A_17 : vector<1x128xi32> to vector<128x128xi32>
      %eq3A_188 = arith.cmpi eq, %eq3A, %eq3A_187 : vector<128x128xi32>
      %le3A_189 = arith.constant 1.000000e+02 : f32
      %le3A_190 = vector.broadcast %le3A_189 : f32 to vector<128x128xf32>
      %le3A_191 = arith.cmpf ole, %sub3A_171, %le3A_190 : vector<128x128xf32>
      %and3A_192 = arith.andi %eq3A_188, %le3A_191 : vector<128x128xi1>
      %ne3A_193 = vector.broadcast %add3A_186 : vector<128x1xi32> to vector<128x128xi32>
      %ne3A_194 = vector.broadcast %add3A_20 : vector<1x128xi32> to vector<128x128xi32>
      %ne3A_195 = arith.cmpi ne, %ne3A_193, %ne3A_194 : vector<128x128xi32>
      %and3A_196 = arith.andi %and3A_192, %ne3A_195 : vector<128x128xi1>
      %mul3A_197 = arith.constant 0.314159274 : f32
      %mul3A_198 = vector.broadcast %mul3A_197 : f32 to vector<128x128xf32>
      %mul3A_199 = arith.mulf %sqrt3A, %mul3A_198 : vector<128x128xf32>
      %cos3A = math.cos %mul3A_199 : vector<128x128xf32>
      %add3A_200 = arith.constant 1.000000e+00 : f32
      %add3A_201 = vector.broadcast %add3A_200 : f32 to vector<128x128xf32>
      %add3A_202 = arith.addf %cos3A, %add3A_201 : vector<128x128xf32>
      %mul3A_203 = arith.constant 5.000000e-01 : f32
      %mul3A_204 = vector.broadcast %mul3A_203 : f32 to vector<128x128xf32>
      %mul3A_205 = arith.mulf %mul3A_204, %add3A_202 : vector<128x128xf32>
      %jit3A_206 = arith.constant 0.000000e+00 : f32
      %broadcast_in_dim3A_207 = vector.broadcast %jit3A_206 : f32 to vector<128x128xf32>
      %select_n3A_208 = arith.select %and3A_196, %mul3A_205, %broadcast_in_dim3A_207 : vector<128x128xi1>, vector<128x128xf32>
      %mul3A_209 = arith.constant 128 : i32
      %mul3A_210 = arith.muli %while3A_153, %mul3A_209 : i32
      %get3A_211 = arith.index_cast %mul3A_210 : i32 to index
      %get3A_212 = arith.constant 0 : index
      %get3A_213 = vector.load %arg6[%get3A_211, %get3A_212] : memref<4096x128xf32, #tpu.memory_space<vmem>>, vector<128x128xf32>
      %dot_general3A_214 = arith.constant dense<0.000000e+00> : vector<128x128xf32>
      %dot_general3A_215 = tpu.matmul %get3A_213, %get3A_95, %dot_general3A_214 {dimension_numbers = #tpu.dot_dimension_numbers<[1], [0], [0], [1], [0, 0, 1, 1], [], []>, precision = #tpu.contract_precision<fp32>, transpose_lhs_hint = false} : vector<128x128xf32>, vector<128x128xf32>, vector<128x128xf32> -> vector<128x128xf32>
      %concatenate3A = tpu.concatenate %dot_general3A_215, %dot_general3A_215, %dot_general3A_215, %dot_general3A_215, %dot_general3A_215, %dot_general3A_215, %dot_general3A_215, %dot_general3A_215 in 0 : vector<128x128xf32>, vector<128x128xf32>, vector<128x128xf32>, vector<128x128xf32>, vector<128x128xf32>, vector<128x128xf32>, vector<128x128xf32>, vector<128x128xf32> -> vector<1024x128xf32>
      %transpose3A_216 = tpu.transpose %sqrt3A, [1, 0] : vector<128x128xf32> -> vector<128x128xf32>
      %slice3A = vector.extract_strided_slice %transpose3A_216 {offsets = [0, 0], sizes = [1, 128], strides = [1, 1]} : vector<128x128xf32> to vector<1x128xf32>
      %slice3A_217 = vector.extract_strided_slice %transpose3A_216 {offsets = [1, 0], sizes = [1, 128], strides = [1, 1]} : vector<128x128xf32> to vector<1x128xf32>
      %slice3A_218 = vector.extract_strided_slice %transpose3A_216 {offsets = [2, 0], sizes = [1, 128], strides = [1, 1]} : vector<128x128xf32> to vector<1x128xf32>
      %slice3A_219 = vector.extract_strided_slice %transpose3A_216 {offsets = [3, 0], sizes = [1, 128], strides = [1, 1]} : vector<128x128xf32> to vector<1x128xf32>
      %slice3A_220 = vector.extract_strided_slice %transpose3A_216 {offsets = [4, 0], sizes = [1, 128], strides = [1, 1]} : vector<128x128xf32> to vector<1x128xf32>
      %slice3A_221 = vector.extract_strided_slice %transpose3A_216 {offsets = [5, 0], sizes = [1, 128], strides = [1, 1]} : vector<128x128xf32> to vector<1x128xf32>
      %slice3A_222 = vector.extract_strided_slice %transpose3A_216 {offsets = [6, 0], sizes = [1, 128], strides = [1, 1]} : vector<128x128xf32> to vector<1x128xf32>
      %slice3A_223 = vector.extract_strided_slice %transpose3A_216 {offsets = [7, 0], sizes = [1, 128], strides = [1, 1]} : vector<128x128xf32> to vector<1x128xf32>
      %concatenate3A_224 = tpu.concatenate %slice3A, %slice3A_217, %slice3A_218, %slice3A_219, %slice3A_220, %slice3A_221, %slice3A_222, %slice3A_223 in 1 : vector<1x128xf32>, vector<1x128xf32>, vector<1x128xf32>, vector<1x128xf32>, vector<1x128xf32>, vector<1x128xf32>, vector<1x128xf32>, vector<1x128xf32> -> vector<1x1024xf32>
      %sub3A_225 = vector.broadcast %concatenate3A_224 : vector<1x1024xf32> to vector<50x1024xf32>
      %sub3A_226 = vector.broadcast %transpose3A : vector<50x1xf32> to vector<50x1024xf32>
      %sub3A_227 = arith.subf %sub3A_225, %sub3A_226 : vector<50x1024xf32>
      %integer_pow3A = arith.mulf %sub3A_227, %sub3A_227 : vector<50x1024xf32>
      %mul3A_228 = vector.broadcast %get3A_2 : f32 to vector<50x1024xf32>
      %mul3A_229 = arith.mulf %mul3A_228, %integer_pow3A : vector<50x1024xf32>
      %exp3A_230 = math.exp %mul3A_229 : vector<50x1024xf32>
      %slice3A_231 = vector.extract_strided_slice %select_n3A_208 {offsets = [0, 0], sizes = [128, 1], strides = [1, 1]} : vector<128x128xf32> to vector<128x1xf32>
      %slice3A_232 = vector.extract_strided_slice %select_n3A_208 {offsets = [0, 1], sizes = [128, 1], strides = [1, 1]} : vector<128x128xf32> to vector<128x1xf32>
      %slice3A_233 = vector.extract_strided_slice %select_n3A_208 {offsets = [0, 2], sizes = [128, 1], strides = [1, 1]} : vector<128x128xf32> to vector<128x1xf32>
      %slice3A_234 = vector.extract_strided_slice %select_n3A_208 {offsets = [0, 3], sizes = [128, 1], strides = [1, 1]} : vector<128x128xf32> to vector<128x1xf32>
      %slice3A_235 = vector.extract_strided_slice %select_n3A_208 {offsets = [0, 4], sizes = [128, 1], strides = [1, 1]} : vector<128x128xf32> to vector<128x1xf32>
      %slice3A_236 = vector.extract_strided_slice %select_n3A_208 {offsets = [0, 5], sizes = [128, 1], strides = [1, 1]} : vector<128x128xf32> to vector<128x1xf32>
      %slice3A_237 = vector.extract_strided_slice %select_n3A_208 {offsets = [0, 6], sizes = [128, 1], strides = [1, 1]} : vector<128x128xf32> to vector<128x1xf32>
      %slice3A_238 = vector.extract_strided_slice %select_n3A_208 {offsets = [0, 7], sizes = [128, 1], strides = [1, 1]} : vector<128x128xf32> to vector<128x1xf32>
      %concatenate3A_239 = tpu.concatenate %slice3A_231, %slice3A_232, %slice3A_233, %slice3A_234, %slice3A_235, %slice3A_236, %slice3A_237, %slice3A_238 in 0 : vector<128x1xf32>, vector<128x1xf32>, vector<128x1xf32>, vector<128x1xf32>, vector<128x1xf32>, vector<128x1xf32>, vector<128x1xf32>, vector<128x1xf32> -> vector<1024x1xf32>
      %dot_general3A_240 = arith.constant dense<0.000000e+00> : vector<1024x128xf32>
      %dot_general3A_241 = tpu.matmul %exp3A_230, %get3A_98, %dot_general3A_240 {dimension_numbers = #tpu.dot_dimension_numbers<[0], [0], [1], [1], [0, 1, 1, 1], [], []>, transpose_lhs_hint = false} : vector<50x1024xf32>, vector<50x128xf32>, vector<1024x128xf32> -> vector<1024x128xf32>
      %add3A_242 = vector.broadcast %get3A_101 : vector<1x128xf32> to vector<1024x128xf32>
      %add3A_243 = arith.addf %dot_general3A_241, %add3A_242 : vector<1024x128xf32>
      %exp3A_244 = math.exp %add3A_243 : vector<1024x128xf32>
      %mul3A_245 = arith.constant 5.000000e-01 : f32
      %mul3A_246 = vector.broadcast %mul3A_245 : f32 to vector<1024x128xf32>
      %mul3A_247 = arith.mulf %mul3A_246, %exp3A_244 : vector<1024x128xf32>
      %add3A_248 = arith.constant 5.000000e-01 : f32
      %add3A_249 = vector.broadcast %add3A_248 : f32 to vector<1024x128xf32>
      %add3A_250 = arith.addf %add3A_249, %mul3A_247 : vector<1024x128xf32>
      %log3A_251 = math.log %add3A_250 : vector<1024x128xf32>
      %dot_general3A_252 = arith.constant dense<0.000000e+00> : vector<1024x128xf32>
      %dot_general3A_253 = tpu.matmul %log3A_251, %get3A_104, %dot_general3A_252 {dimension_numbers = #tpu.dot_dimension_numbers<[1], [0], [0], [1], [0, 0, 1, 1], [], []>, transpose_lhs_hint = false} : vector<1024x128xf32>, vector<128x128xf32>, vector<1024x128xf32> -> vector<1024x128xf32>
      %add3A_254 = vector.broadcast %get3A_107 : vector<1x128xf32> to vector<1024x128xf32>
      %add3A_255 = arith.addf %dot_general3A_253, %add3A_254 : vector<1024x128xf32>
      %mul3A_256 = vector.broadcast %concatenate3A_239 : vector<1024x1xf32> to vector<1024x128xf32>
      %mul3A_257 = arith.mulf %add3A_255, %mul3A_256 : vector<1024x128xf32>
      %mul3A_258 = arith.mulf %mul3A_257, %concatenate3A : vector<1024x128xf32>
      %reshape3A = vector.shape_cast %mul3A_258 : vector<1024x128xf32> to vector<8x128x128xf32>
      %reduce_sum3A_259 = arith.constant dense<0.000000e+00> : vector<8x128xf32>
      %reduce_sum3A_260 = vector.multi_reduction <add>, %reshape3A, %reduce_sum3A_259 [1] : vector<8x128x128xf32> to vector<8x128xf32>
      %get3A_261 = arith.constant 0 : index
      %get3A_262 = arith.constant 0 : index
      %get3A_263 = vector.load %arg17[%get3A_261, %get3A_262] : memref<128x128xf32, #tpu.memory_space<vmem>>, vector<8x128xf32>
      %add3A_264 = arith.addf %get3A_263, %reduce_sum3A_260 : vector<8x128xf32>
      %swap3A_265 = arith.constant 0 : index
      %swap3A_266 = arith.constant 0 : index
      %swap3A_267 = vector.load %arg17[%swap3A_265, %swap3A_266] : memref<128x128xf32, #tpu.memory_space<vmem>>, vector<8x128xf32>
      tpu.vector_store %arg17[%swap3A_265, %swap3A_266], %add3A_264 {strides = array<i32>} : memref<128x128xf32, #tpu.memory_space<vmem>>, vector<8x128xf32>,
      %slice3A_268 = vector.extract_strided_slice %transpose3A_216 {offsets = [8, 0], sizes = [1, 128], strides = [1, 1]} : vector<128x128xf32> to vector<1x128xf32>
      %slice3A_269 = vector.extract_strided_slice %transpose3A_216 {offsets = [9, 0], sizes = [1, 128], strides = [1, 1]} : vector<128x128xf32> to vector<1x128xf32>
      %slice3A_270 = vector.extract_strided_slice %transpose3A_216 {offsets = [10, 0], sizes = [1, 128], strides = [1, 1]} : vector<128x128xf32> to vector<1x128xf32>
      %slice3A_271 = vector.extract_strided_slice %transpose3A_216 {offsets = [11, 0], sizes = [1, 128], strides = [1, 1]} : vector<128x128xf32> to vector<1x128xf32>
      %slice3A_272 = vector.extract_strided_slice %transpose3A_216 {offsets = [12, 0], sizes = [1, 128], strides = [1, 1]} : vector<128x128xf32> to vector<1x128xf32>
      %slice3A_273 = vector.extract_strided_slice %transpose3A_216 {offsets = [13, 0], sizes = [1, 128], strides = [1, 1]} : vector<128x128xf32> to vector<1x128xf32>
      %slice3A_274 = vector.extract_strided_slice %transpose3A_216 {offsets = [14, 0], sizes = [1, 128], strides = [1, 1]} : vector<128x128xf32> to vector<1x128xf32>
      %slice3A_275 = vector.extract_strided_slice %transpose3A_216 {offsets = [15, 0], sizes = [1, 128], strides = [1, 1]} : vector<128x128xf32> to vector<1x128xf32>
      %concatenate3A_276 = tpu.concatenate %slice3A_268, %slice3A_269, %slice3A_270, %slice3A_271, %slice3A_272, %slice3A_273, %slice3A_274, %slice3A_275 in 1 : vector<1x128xf32>, vector<1x128xf32>, vector<1x128xf32>, vector<1x128xf32>, vector<1x128xf32>, vector<1x128xf32>, vector<1x128xf32>, vector<1x128xf32> -> vector<1x1024xf32>
      %sub3A_277 = vector.broadcast %concatenate3A_276 : vector<1x1024xf32> to vector<50x1024xf32>
      %sub3A_278 = vector.broadcast %transpose3A : vector<50x1xf32> to vector<50x1024xf32>
      %sub3A_279 = arith.subf %sub3A_277, %sub3A_278 : vector<50x1024xf32>
      %integer_pow3A_280 = arith.mulf %sub3A_279, %sub3A_279 : vector<50x1024xf32>
      %mul3A_281 = vector.broadcast %get3A_2 : f32 to vector<50x1024xf32>
      %mul3A_282 = arith.mulf %mul3A_281, %integer_pow3A_280 : vector<50x1024xf32>
      %exp3A_283 = math.exp %mul3A_282 : vector<50x1024xf32>
      %slice3A_284 = vector.extract_strided_slice %select_n3A_208 {offsets = [0, 8], sizes = [128, 1], strides = [1, 1]} : vector<128x128xf32> to vector<128x1xf32>
      %slice3A_285 = vector.extract_strided_slice %select_n3A_208 {offsets = [0, 9], sizes = [128, 1], strides = [1, 1]} : vector<128x128xf32> to vector<128x1xf32>
      %slice3A_286 = vector.extract_strided_slice %select_n3A_208 {offsets = [0, 10], sizes = [128, 1], strides = [1, 1]} : vector<128x128xf32> to vector<128x1xf32>
      %slice3A_287 = vector.extract_strided_slice %select_n3A_208 {offsets = [0, 11], sizes = [128, 1], strides = [1, 1]} : vector<128x128xf32> to vector<128x1xf32>
      %slice3A_288 = vector.extract_strided_slice %select_n3A_208 {offsets = [0, 12], sizes = [128, 1], strides = [1, 1]} : vector<128x128xf32> to vector<128x1xf32>
      %slice3A_289 = vector.extract_strided_slice %select_n3A_208 {offsets = [0, 13], sizes = [128, 1], strides = [1, 1]} : vector<128x128xf32> to vector<128x1xf32>
      %slice3A_290 = vector.extract_strided_slice %select_n3A_208 {offsets = [0, 14], sizes = [128, 1], strides = [1, 1]} : vector<128x128xf32> to vector<128x1xf32>
      %slice3A_291 = vector.extract_strided_slice %select_n3A_208 {offsets = [0, 15], sizes = [128, 1], strides = [1, 1]} : vector<128x128xf32> to vector<128x1xf32>
      %concatenate3A_292 = tpu.concatenate %slice3A_284, %slice3A_285, %slice3A_286, %slice3A_287, %slice3A_288, %slice3A_289, %slice3A_290, %slice3A_291 in 0 : vector<128x1xf32>, vector<128x1xf32>, vector<128x1xf32>, vector<128x1xf32>, vector<128x1xf32>, vector<128x1xf32>, vector<128x1xf32>, vector<128x1xf32> -> vector<1024x1xf32>
      %dot_general3A_293 = arith.constant dense<0.000000e+00> : vector<1024x128xf32>
      %dot_general3A_294 = tpu.matmul %exp3A_283, %get3A_98, %dot_general3A_293 {dimension_numbers = #tpu.dot_dimension_numbers<[0], [0], [1], [1], [0, 1, 1, 1], [], []>, transpose_lhs_hint = false} : vector<50x1024xf32>, vector<50x128xf32>, vector<1024x128xf32> -> vector<1024x128xf32>
      %add3A_295 = vector.broadcast %get3A_101 : vector<1x128xf32> to vector<1024x128xf32>
      %add3A_296 = arith.addf %dot_general3A_294, %add3A_295 : vector<1024x128xf32>
      %exp3A_297 = math.exp %add3A_296 : vector<1024x128xf32>
      %mul3A_298 = arith.constant 5.000000e-01 : f32
      %mul3A_299 = vector.broadcast %mul3A_298 : f32 to vector<1024x128xf32>
      %mul3A_300 = arith.mulf %mul3A_299, %exp3A_297 : vector<1024x128xf32>
      %add3A_301 = arith.constant 5.000000e-01 : f32
      %add3A_302 = vector.broadcast %add3A_301 : f32 to vector<1024x128xf32>
      %add3A_303 = arith.addf %add3A_302, %mul3A_300 : vector<1024x128xf32>
      %log3A_304 = math.log %add3A_303 : vector<1024x128xf32>
      %dot_general3A_305 = arith.constant dense<0.000000e+00> : vector<1024x128xf32>
      %dot_general3A_306 = tpu.matmul %log3A_304, %get3A_104, %dot_general3A_305 {dimension_numbers = #tpu.dot_dimension_numbers<[1], [0], [0], [1], [0, 0, 1, 1], [], []>, transpose_lhs_hint = false} : vector<1024x128xf32>, vector<128x128xf32>, vector<1024x128xf32> -> vector<1024x128xf32>
      %add3A_307 = vector.broadcast %get3A_107 : vector<1x128xf32> to vector<1024x128xf32>
      %add3A_308 = arith.addf %dot_general3A_306, %add3A_307 : vector<1024x128xf32>
      %mul3A_309 = vector.broadcast %concatenate3A_292 : vector<1024x1xf32> to vector<1024x128xf32>
      %mul3A_310 = arith.mulf %add3A_308, %mul3A_309 : vector<1024x128xf32>
      %mul3A_311 = arith.mulf %mul3A_310, %concatenate3A : vector<1024x128xf32>
      %reshape3A_312 = vector.shape_cast %mul3A_311 : vector<1024x128xf32> to vector<8x128x128xf32>
      %reduce_sum3A_313 = arith.constant dense<0.000000e+00> : vector<8x128xf32>
      %reduce_sum3A_314 = vector.multi_reduction <add>, %reshape3A_312, %reduce_sum3A_313 [1] : vector<8x128x128xf32> to vector<8x128xf32>
      %get3A_315 = arith.constant 8 : index
      %get3A_316 = arith.constant 0 : index
      %get3A_317 = vector.load %arg17[%get3A_315, %get3A_316] : memref<128x128xf32, #tpu.memory_space<vmem>>, vector<8x128xf32>
      %add3A_318 = arith.addf %get3A_317, %reduce_sum3A_314 : vector<8x128xf32>
      %swap3A_319 = arith.constant 8 : index
      %swap3A_320 = arith.constant 0 : index
      %swap3A_321 = vector.load %arg17[%swap3A_319, %swap3A_320] : memref<128x128xf32, #tpu.memory_space<vmem>>, vector<8x128xf32>
      tpu.vector_store %arg17[%swap3A_319, %swap3A_320], %add3A_318 {strides = array<i32>} : memref<128x128xf32, #tpu.memory_space<vmem>>, vector<8x128xf32>,
      %slice3A_322 = vector.extract_strided_slice %transpose3A_216 {offsets = [16, 0], sizes = [1, 128], strides = [1, 1]} : vector<128x128xf32> to vector<1x128xf32>
      %slice3A_323 = vector.extract_strided_slice %transpose3A_216 {offsets = [17, 0], sizes = [1, 128], strides = [1, 1]} : vector<128x128xf32> to vector<1x128xf32>
      %slice3A_324 = vector.extract_strided_slice %transpose3A_216 {offsets = [18, 0], sizes = [1, 128], strides = [1, 1]} : vector<128x128xf32> to vector<1x128xf32>
      %slice3A_325 = vector.extract_strided_slice %transpose3A_216 {offsets = [19, 0], sizes = [1, 128], strides = [1, 1]} : vector<128x128xf32> to vector<1x128xf32>
      %slice3A_326 = vector.extract_strided_slice %transpose3A_216 {offsets = [20, 0], sizes = [1, 128], strides = [1, 1]} : vector<128x128xf32> to vector<1x128xf32>
      %slice3A_327 = vector.extract_strided_slice %transpose3A_216 {offsets = [21, 0], sizes = [1, 128], strides = [1, 1]} : vector<128x128xf32> to vector<1x128xf32>
      %slice3A_328 = vector.extract_strided_slice %transpose3A_216 {offsets = [22, 0], sizes = [1, 128], strides = [1, 1]} : vector<128x128xf32> to vector<1x128xf32>
      %slice3A_329 = vector.extract_strided_slice %transpose3A_216 {offsets = [23, 0], sizes = [1, 128], strides = [1, 1]} : vector<128x128xf32> to vector<1x128xf32>
      %concatenate3A_330 = tpu.concatenate %slice3A_322, %slice3A_323, %slice3A_324, %slice3A_325, %slice3A_326, %slice3A_327, %slice3A_328, %slice3A_329 in 1 : vector<1x128xf32>, vector<1x128xf32>, vector<1x128xf32>, vector<1x128xf32>, vector<1x128xf32>, vector<1x128xf32>, vector<1x128xf32>, vector<1x128xf32> -> vector<1x1024xf32>
      %sub3A_331 = vector.broadcast %concatenate3A_330 : vector<1x1024xf32> to vector<50x1024xf32>
      %sub3A_332 = vector.broadcast %transpose3A : vector<50x1xf32> to vector<50x1024xf32>
      %sub3A_333 = arith.subf %sub3A_331, %sub3A_332 : vector<50x1024xf32>
      %integer_pow3A_334 = arith.mulf %sub3A_333, %sub3A_333 : vector<50x1024xf32>
      %mul3A_335 = vector.broadcast %get3A_2 : f32 to vector<50x1024xf32>
      %mul3A_336 = arith.mulf %mul3A_335, %integer_pow3A_334 : vector<50x1024xf32>
      %exp3A_337 = math.exp %mul3A_336 : vector<50x1024xf32>
      %slice3A_338 = vector.extract_strided_slice %select_n3A_208 {offsets = [0, 16], sizes = [128, 1], strides = [1, 1]} : vector<128x128xf32> to vector<128x1xf32>
      %slice3A_339 = vector.extract_strided_slice %select_n3A_208 {offsets = [0, 17], sizes = [128, 1], strides = [1, 1]} : vector<128x128xf32> to vector<128x1xf32>
      %slice3A_340 = vector.extract_strided_slice %select_n3A_208 {offsets = [0, 18], sizes = [128, 1], strides = [1, 1]} : vector<128x128xf32> to vector<128x1xf32>
      %slice3A_341 = vector.extract_strided_slice %select_n3A_208 {offsets = [0, 19], sizes = [128, 1], strides = [1, 1]} : vector<128x128xf32> to vector<128x1xf32>
      %slice3A_342 = vector.extract_strided_slice %select_n3A_208 {offsets = [0, 20], sizes = [128, 1], strides = [1, 1]} : vector<128x128xf32> to vector<128x1xf32>
      %slice3A_343 = vector.extract_strided_slice %select_n3A_208 {offsets = [0, 21], sizes = [128, 1], strides = [1, 1]} : vector<128x128xf32> to vector<128x1xf32>
      %slice3A_344 = vector.extract_strided_slice %select_n3A_208 {offsets = [0, 22], sizes = [128, 1], strides = [1, 1]} : vector<128x128xf32> to vector<128x1xf32>
      %slice3A_345 = vector.extract_strided_slice %select_n3A_208 {offsets = [0, 23], sizes = [128, 1], strides = [1, 1]} : vector<128x128xf32> to vector<128x1xf32>
      %concatenate3A_346 = tpu.concatenate %slice3A_338, %slice3A_339, %slice3A_340, %slice3A_341, %slice3A_342, %slice3A_343, %slice3A_344, %slice3A_345 in 0 : vector<128x1xf32>, vector<128x1xf32>, vector<128x1xf32>, vector<128x1xf32>, vector<128x1xf32>, vector<128x1xf32>, vector<128x1xf32>, vector<128x1xf32> -> vector<1024x1xf32>
      %dot_general3A_347 = arith.constant dense<0.000000e+00> : vector<1024x128xf32>
      %dot_general3A_348 = tpu.matmul %exp3A_337, %get3A_98, %dot_general3A_347 {dimension_numbers = #tpu.dot_dimension_numbers<[0], [0], [1], [1], [0, 1, 1, 1], [], []>, transpose_lhs_hint = false} : vector<50x1024xf32>, vector<50x128xf32>, vector<1024x128xf32> -> vector<1024x128xf32>
      %add3A_349 = vector.broadcast %get3A_101 : vector<1x128xf32> to vector<1024x128xf32>
      %add3A_350 = arith.addf %dot_general3A_348, %add3A_349 : vector<1024x128xf32>
      %exp3A_351 = math.exp %add3A_350 : vector<1024x128xf32>
      %mul3A_352 = arith.constant 5.000000e-01 : f32
      %mul3A_353 = vector.broadcast %mul3A_352 : f32 to vector<1024x128xf32>
      %mul3A_354 = arith.mulf %mul3A_353, %exp3A_351 : vector<1024x128xf32>
      %add3A_355 = arith.constant 5.000000e-01 : f32
      %add3A_356 = vector.broadcast %add3A_355 : f32 to vector<1024x128xf32>
      %add3A_357 = arith.addf %add3A_356, %mul3A_354 : vector<1024x128xf32>
      %log3A_358 = math.log %add3A_357 : vector<1024x128xf32>
      %dot_general3A_359 = arith.constant dense<0.000000e+00> : vector<1024x128xf32>
      %dot_general3A_360 = tpu.matmul %log3A_358, %get3A_104, %dot_general3A_359 {dimension_numbers = #tpu.dot_dimension_numbers<[1], [0], [0], [1], [0, 0, 1, 1], [], []>, transpose_lhs_hint = false} : vector<1024x128xf32>, vector<128x128xf32>, vector<1024x128xf32> -> vector<1024x128xf32>
      %add3A_361 = vector.broadcast %get3A_107 : vector<1x128xf32> to vector<1024x128xf32>
      %add3A_362 = arith.addf %dot_general3A_360, %add3A_361 : vector<1024x128xf32>
      %mul3A_363 = vector.broadcast %concatenate3A_346 : vector<1024x1xf32> to vector<1024x128xf32>
      %mul3A_364 = arith.mulf %add3A_362, %mul3A_363 : vector<1024x128xf32>
      %mul3A_365 = arith.mulf %mul3A_364, %concatenate3A : vector<1024x128xf32>
      %reshape3A_366 = vector.shape_cast %mul3A_365 : vector<1024x128xf32> to vector<8x128x128xf32>
      %reduce_sum3A_367 = arith.constant dense<0.000000e+00> : vector<8x128xf32>
      %reduce_sum3A_368 = vector.multi_reduction <add>, %reshape3A_366, %reduce_sum3A_367 [1] : vector<8x128x128xf32> to vector<8x128xf32>
      %get3A_369 = arith.constant 16 : index
      %get3A_370 = arith.constant 0 : index
      %get3A_371 = vector.load %arg17[%get3A_369, %get3A_370] : memref<128x128xf32, #tpu.memory_space<vmem>>, vector<8x128xf32>
      %add3A_372 = arith.addf %get3A_371, %reduce_sum3A_368 : vector<8x128xf32>
      %swap3A_373 = arith.constant 16 : index
      %swap3A_374 = arith.constant 0 : index
      %swap3A_375 = vector.load %arg17[%swap3A_373, %swap3A_374] : memref<128x128xf32, #tpu.memory_space<vmem>>, vector<8x128xf32>
      tpu.vector_store %arg17[%swap3A_373, %swap3A_374], %add3A_372 {strides = array<i32>} : memref<128x128xf32, #tpu.memory_space<vmem>>, vector<8x128xf32>,
      %slice3A_376 = vector.extract_strided_slice %transpose3A_216 {offsets = [24, 0], sizes = [1, 128], strides = [1, 1]} : vector<128x128xf32> to vector<1x128xf32>
      %slice3A_377 = vector.extract_strided_slice %transpose3A_216 {offsets = [25, 0], sizes = [1, 128], strides = [1, 1]} : vector<128x128xf32> to vector<1x128xf32>
      %slice3A_378 = vector.extract_strided_slice %transpose3A_216 {offsets = [26, 0], sizes = [1, 128], strides = [1, 1]} : vector<128x128xf32> to vector<1x128xf32>
      %slice3A_379 = vector.extract_strided_slice %transpose3A_216 {offsets = [27, 0], sizes = [1, 128], strides = [1, 1]} : vector<128x128xf32> to vector<1x128xf32>
      %slice3A_380 = vector.extract_strided_slice %transpose3A_216 {offsets = [28, 0], sizes = [1, 128], strides = [1, 1]} : vector<128x128xf32> to vector<1x128xf32>
      %slice3A_381 = vector.extract_strided_slice %transpose3A_216 {offsets = [29, 0], sizes = [1, 128], strides = [1, 1]} : vector<128x128xf32> to vector<1x128xf32>
      %slice3A_382 = vector.extract_strided_slice %transpose3A_216 {offsets = [30, 0], sizes = [1, 128], strides = [1, 1]} : vector<128x128xf32> to vector<1x128xf32>
      %slice3A_383 = vector.extract_strided_slice %transpose3A_216 {offsets = [31, 0], sizes = [1, 128], strides = [1, 1]} : vector<128x128xf32> to vector<1x128xf32>
      %concatenate3A_384 = tpu.concatenate %slice3A_376, %slice3A_377, %slice3A_378, %slice3A_379, %slice3A_380, %slice3A_381, %slice3A_382, %slice3A_383 in 1 : vector<1x128xf32>, vector<1x128xf32>, vector<1x128xf32>, vector<1x128xf32>, vector<1x128xf32>, vector<1x128xf32>, vector<1x128xf32>, vector<1x128xf32> -> vector<1x1024xf32>
      %sub3A_385 = vector.broadcast %concatenate3A_384 : vector<1x1024xf32> to vector<50x1024xf32>
      %sub3A_386 = vector.broadcast %transpose3A : vector<50x1xf32> to vector<50x1024xf32>
      %sub3A_387 = arith.subf %sub3A_385, %sub3A_386 : vector<50x1024xf32>
      %integer_pow3A_388 = arith.mulf %sub3A_387, %sub3A_387 : vector<50x1024xf32>
      %mul3A_389 = vector.broadcast %get3A_2 : f32 to vector<50x1024xf32>
      %mul3A_390 = arith.mulf %mul3A_389, %integer_pow3A_388 : vector<50x1024xf32>
      %exp3A_391 = math.exp %mul3A_390 : vector<50x1024xf32>
      %slice3A_392 = vector.extract_strided_slice %select_n3A_208 {offsets = [0, 24], sizes = [128, 1], strides = [1, 1]} : vector<128x128xf32> to vector<128x1xf32>
      %slice3A_393 = vector.extract_strided_slice %select_n3A_208 {offsets = [0, 25], sizes = [128, 1], strides = [1, 1]} : vector<128x128xf32> to vector<128x1xf32>
      %slice3A_394 = vector.extract_strided_slice %select_n3A_208 {offsets = [0, 26], sizes = [128, 1], strides = [1, 1]} : vector<128x128xf32> to vector<128x1xf32>
      %slice3A_395 = vector.extract_strided_slice %select_n3A_208 {offsets = [0, 27], sizes = [128, 1], strides = [1, 1]} : vector<128x128xf32> to vector<128x1xf32>
      %slice3A_396 = vector.extract_strided_slice %select_n3A_208 {offsets = [0, 28], sizes = [128, 1], strides = [1, 1]} : vector<128x128xf32> to vector<128x1xf32>
      %slice3A_397 = vector.extract_strided_slice %select_n3A_208 {offsets = [0, 29], sizes = [128, 1], strides = [1, 1]} : vector<128x128xf32> to vector<128x1xf32>
      %slice3A_398 = vector.extract_strided_slice %select_n3A_208 {offsets = [0, 30], sizes = [128, 1], strides = [1, 1]} : vector<128x128xf32> to vector<128x1xf32>
      %slice3A_399 = vector.extract_strided_slice %select_n3A_208 {offsets = [0, 31], sizes = [128, 1], strides = [1, 1]} : vector<128x128xf32> to vector<128x1xf32>
      %concatenate3A_400 = tpu.concatenate %slice3A_392, %slice3A_393, %slice3A_394, %slice3A_395, %slice3A_396, %slice3A_397, %slice3A_398, %slice3A_399 in 0 : vector<128x1xf32>, vector<128x1xf32>, vector<128x1xf32>, vector<128x1xf32>, vector<128x1xf32>, vector<128x1xf32>, vector<128x1xf32>, vector<128x1xf32> -> vector<1024x1xf32>
      %dot_general3A_401 = arith.constant dense<0.000000e+00> : vector<1024x128xf32>
      %dot_general3A_402 = tpu.matmul %exp3A_391, %get3A_98, %dot_general3A_401 {dimension_numbers = #tpu.dot_dimension_numbers<[0], [0], [1], [1], [0, 1, 1, 1], [], []>, transpose_lhs_hint = false} : vector<50x1024xf32>, vector<50x128xf32>, vector<1024x128xf32> -> vector<1024x128xf32>
      %add3A_403 = vector.broadcast %get3A_101 : vector<1x128xf32> to vector<1024x128xf32>
      %add3A_404 = arith.addf %dot_general3A_402, %add3A_403 : vector<1024x128xf32>
      %exp3A_405 = math.exp %add3A_404 : vector<1024x128xf32>
      %mul3A_406 = arith.constant 5.000000e-01 : f32
      %mul3A_407 = vector.broadcast %mul3A_406 : f32 to vector<1024x128xf32>
      %mul3A_408 = arith.mulf %mul3A_407, %exp3A_405 : vector<1024x128xf32>
      %add3A_409 = arith.constant 5.000000e-01 : f32
      %add3A_410 = vector.broadcast %add3A_409 : f32 to vector<1024x128xf32>
      %add3A_411 = arith.addf %add3A_410, %mul3A_408 : vector<1024x128xf32>
      %log3A_412 = math.log %add3A_411 : vector<1024x128xf32>
      %dot_general3A_413 = arith.constant dense<0.000000e+00> : vector<1024x128xf32>
      %dot_general3A_414 = tpu.matmul %log3A_412, %get3A_104, %dot_general3A_413 {dimension_numbers = #tpu.dot_dimension_numbers<[1], [0], [0], [1], [0, 0, 1, 1], [], []>, transpose_lhs_hint = false} : vector<1024x128xf32>, vector<128x128xf32>, vector<1024x128xf32> -> vector<1024x128xf32>
      %add3A_415 = vector.broadcast %get3A_107 : vector<1x128xf32> to vector<1024x128xf32>
      %add3A_416 = arith.addf %dot_general3A_414, %add3A_415 : vector<1024x128xf32>
      %mul3A_417 = vector.broadcast %concatenate3A_400 : vector<1024x1xf32> to vector<1024x128xf32>
      %mul3A_418 = arith.mulf %add3A_416, %mul3A_417 : vector<1024x128xf32>
      %mul3A_419 = arith.mulf %mul3A_418, %concatenate3A : vector<1024x128xf32>
      %reshape3A_420 = vector.shape_cast %mul3A_419 : vector<1024x128xf32> to vector<8x128x128xf32>
      %reduce_sum3A_421 = arith.constant dense<0.000000e+00> : vector<8x128xf32>
      %reduce_sum3A_422 = vector.multi_reduction <add>, %reshape3A_420, %reduce_sum3A_421 [1] : vector<8x128x128xf32> to vector<8x128xf32>
      %get3A_423 = arith.constant 24 : index
      %get3A_424 = arith.constant 0 : index
      %get3A_425 = vector.load %arg17[%get3A_423, %get3A_424] : memref<128x128xf32, #tpu.memory_space<vmem>>, vector<8x128xf32>
      %add3A_426 = arith.addf %get3A_425, %reduce_sum3A_422 : vector<8x128xf32>
      %swap3A_427 = arith.constant 24 : index
      %swap3A_428 = arith.constant 0 : index
      %swap3A_429 = vector.load %arg17[%swap3A_427, %swap3A_428] : memref<128x128xf32, #tpu.memory_space<vmem>>, vector<8x128xf32>
      tpu.vector_store %arg17[%swap3A_427, %swap3A_428], %add3A_426 {strides = array<i32>} : memref<128x128xf32, #tpu.memory_space<vmem>>, vector<8x128xf32>,
      %slice3A_430 = vector.extract_strided_slice %transpose3A_216 {offsets = [32, 0], sizes = [1, 128], strides = [1, 1]} : vector<128x128xf32> to vector<1x128xf32>
      %slice3A_431 = vector.extract_strided_slice %transpose3A_216 {offsets = [33, 0], sizes = [1, 128], strides = [1, 1]} : vector<128x128xf32> to vector<1x128xf32>
      %slice3A_432 = vector.extract_strided_slice %transpose3A_216 {offsets = [34, 0], sizes = [1, 128], strides = [1, 1]} : vector<128x128xf32> to vector<1x128xf32>
      %slice3A_433 = vector.extract_strided_slice %transpose3A_216 {offsets = [35, 0], sizes = [1, 128], strides = [1, 1]} : vector<128x128xf32> to vector<1x128xf32>
      %slice3A_434 = vector.extract_strided_slice %transpose3A_216 {offsets = [36, 0], sizes = [1, 128], strides = [1, 1]} : vector<128x128xf32> to vector<1x128xf32>
      %slice3A_435 = vector.extract_strided_slice %transpose3A_216 {offsets = [37, 0], sizes = [1, 128], strides = [1, 1]} : vector<128x128xf32> to vector<1x128xf32>
      %slice3A_436 = vector.extract_strided_slice %transpose3A_216 {offsets = [38, 0], sizes = [1, 128], strides = [1, 1]} : vector<128x128xf32> to vector<1x128xf32>
      %slice3A_437 = vector.extract_strided_slice %transpose3A_216 {offsets = [39, 0], sizes = [1, 128], strides = [1, 1]} : vector<128x128xf32> to vector<1x128xf32>
      %concatenate3A_438 = tpu.concatenate %slice3A_430, %slice3A_431, %slice3A_432, %slice3A_433, %slice3A_434, %slice3A_435, %slice3A_436, %slice3A_437 in 1 : vector<1x128xf32>, vector<1x128xf32>, vector<1x128xf32>, vector<1x128xf32>, vector<1x128xf32>, vector<1x128xf32>, vector<1x128xf32>, vector<1x128xf32> -> vector<1x1024xf32>
      %sub3A_439 = vector.broadcast %concatenate3A_438 : vector<1x1024xf32> to vector<50x1024xf32>
      %sub3A_440 = vector.broadcast %transpose3A : vector<50x1xf32> to vector<50x1024xf32>
      %sub3A_441 = arith.subf %sub3A_439, %sub3A_440 : vector<50x1024xf32>
      %integer_pow3A_442 = arith.mulf %sub3A_441, %sub3A_441 : vector<50x1024xf32>
      %mul3A_443 = vector.broadcast %get3A_2 : f32 to vector<50x1024xf32>
      %mul3A_444 = arith.mulf %mul3A_443, %integer_pow3A_442 : vector<50x1024xf32>
      %exp3A_445 = math.exp %mul3A_444 : vector<50x1024xf32>
      %slice3A_446 = vector.extract_strided_slice %select_n3A_208 {offsets = [0, 32], sizes = [128, 1], strides = [1, 1]} : vector<128x128xf32> to vector<128x1xf32>
      %slice3A_447 = vector.extract_strided_slice %select_n3A_208 {offsets = [0, 33], sizes = [128, 1], strides = [1, 1]} : vector<128x128xf32> to vector<128x1xf32>
      %slice3A_448 = vector.extract_strided_slice %select_n3A_208 {offsets = [0, 34], sizes = [128, 1], strides = [1, 1]} : vector<128x128xf32> to vector<128x1xf32>
      %slice3A_449 = vector.extract_strided_slice %select_n3A_208 {offsets = [0, 35], sizes = [128, 1], strides = [1, 1]} : vector<128x128xf32> to vector<128x1xf32>
      %slice3A_450 = vector.extract_strided_slice %select_n3A_208 {offsets = [0, 36], sizes = [128, 1], strides = [1, 1]} : vector<128x128xf32> to vector<128x1xf32>
      %slice3A_451 = vector.extract_strided_slice %select_n3A_208 {offsets = [0, 37], sizes = [128, 1], strides = [1, 1]} : vector<128x128xf32> to vector<128x1xf32>
      %slice3A_452 = vector.extract_strided_slice %select_n3A_208 {offsets = [0, 38], sizes = [128, 1], strides = [1, 1]} : vector<128x128xf32> to vector<128x1xf32>
      %slice3A_453 = vector.extract_strided_slice %select_n3A_208 {offsets = [0, 39], sizes = [128, 1], strides = [1, 1]} : vector<128x128xf32> to vector<128x1xf32>
      %concatenate3A_454 = tpu.concatenate %slice3A_446, %slice3A_447, %slice3A_448, %slice3A_449, %slice3A_450, %slice3A_451, %slice3A_452, %slice3A_453 in 0 : vector<128x1xf32>, vector<128x1xf32>, vector<128x1xf32>, vector<128x1xf32>, vector<128x1xf32>, vector<128x1xf32>, vector<128x1xf32>, vector<128x1xf32> -> vector<1024x1xf32>
      %dot_general3A_455 = arith.constant dense<0.000000e+00> : vector<1024x128xf32>
      %dot_general3A_456 = tpu.matmul %exp3A_445, %get3A_98, %dot_general3A_455 {dimension_numbers = #tpu.dot_dimension_numbers<[0], [0], [1], [1], [0, 1, 1, 1], [], []>, transpose_lhs_hint = false} : vector<50x1024xf32>, vector<50x128xf32>, vector<1024x128xf32> -> vector<1024x128xf32>
      %add3A_457 = vector.broadcast %get3A_101 : vector<1x128xf32> to vector<1024x128xf32>
      %add3A_458 = arith.addf %dot_general3A_456, %add3A_457 : vector<1024x128xf32>
      %exp3A_459 = math.exp %add3A_458 : vector<1024x128xf32>
      %mul3A_460 = arith.constant 5.000000e-01 : f32
      %mul3A_461 = vector.broadcast %mul3A_460 : f32 to vector<1024x128xf32>
      %mul3A_462 = arith.mulf %mul3A_461, %exp3A_459 : vector<1024x128xf32>
      %add3A_463 = arith.constant 5.000000e-01 : f32
      %add3A_464 = vector.broadcast %add3A_463 : f32 to vector<1024x128xf32>
      %add3A_465 = arith.addf %add3A_464, %mul3A_462 : vector<1024x128xf32>
      %log3A_466 = math.log %add3A_465 : vector<1024x128xf32>
      %dot_general3A_467 = arith.constant dense<0.000000e+00> : vector<1024x128xf32>
      %dot_general3A_468 = tpu.matmul %log3A_466, %get3A_104, %dot_general3A_467 {dimension_numbers = #tpu.dot_dimension_numbers<[1], [0], [0], [1], [0, 0, 1, 1], [], []>, transpose_lhs_hint = false} : vector<1024x128xf32>, vector<128x128xf32>, vector<1024x128xf32> -> vector<1024x128xf32>
      %add3A_469 = vector.broadcast %get3A_107 : vector<1x128xf32> to vector<1024x128xf32>
      %add3A_470 = arith.addf %dot_general3A_468, %add3A_469 : vector<1024x128xf32>
      %mul3A_471 = vector.broadcast %concatenate3A_454 : vector<1024x1xf32> to vector<1024x128xf32>
      %mul3A_472 = arith.mulf %add3A_470, %mul3A_471 : vector<1024x128xf32>
      %mul3A_473 = arith.mulf %mul3A_472, %concatenate3A : vector<1024x128xf32>
      %reshape3A_474 = vector.shape_cast %mul3A_473 : vector<1024x128xf32> to vector<8x128x128xf32>
      %reduce_sum3A_475 = arith.constant dense<0.000000e+00> : vector<8x128xf32>
      %reduce_sum3A_476 = vector.multi_reduction <add>, %reshape3A_474, %reduce_sum3A_475 [1] : vector<8x128x128xf32> to vector<8x128xf32>
      %get3A_477 = arith.constant 32 : index
      %get3A_478 = arith.constant 0 : index
      %get3A_479 = vector.load %arg17[%get3A_477, %get3A_478] : memref<128x128xf32, #tpu.memory_space<vmem>>, vector<8x128xf32>
      %add3A_480 = arith.addf %get3A_479, %reduce_sum3A_476 : vector<8x128xf32>
      %swap3A_481 = arith.constant 32 : index
      %swap3A_482 = arith.constant 0 : index
      %swap3A_483 = vector.load %arg17[%swap3A_481, %swap3A_482] : memref<128x128xf32, #tpu.memory_space<vmem>>, vector<8x128xf32>
      tpu.vector_store %arg17[%swap3A_481, %swap3A_482], %add3A_480 {strides = array<i32>} : memref<128x128xf32, #tpu.memory_space<vmem>>, vector<8x128xf32>,
      %slice3A_484 = vector.extract_strided_slice %transpose3A_216 {offsets = [40, 0], sizes = [1, 128], strides = [1, 1]} : vector<128x128xf32> to vector<1x128xf32>
      %slice3A_485 = vector.extract_strided_slice %transpose3A_216 {offsets = [41, 0], sizes = [1, 128], strides = [1, 1]} : vector<128x128xf32> to vector<1x128xf32>
      %slice3A_486 = vector.extract_strided_slice %transpose3A_216 {offsets = [42, 0], sizes = [1, 128], strides = [1, 1]} : vector<128x128xf32> to vector<1x128xf32>
      %slice3A_487 = vector.extract_strided_slice %transpose3A_216 {offsets = [43, 0], sizes = [1, 128], strides = [1, 1]} : vector<128x128xf32> to vector<1x128xf32>
      %slice3A_488 = vector.extract_strided_slice %transpose3A_216 {offsets = [44, 0], sizes = [1, 128], strides = [1, 1]} : vector<128x128xf32> to vector<1x128xf32>
      %slice3A_489 = vector.extract_strided_slice %transpose3A_216 {offsets = [45, 0], sizes = [1, 128], strides = [1, 1]} : vector<128x128xf32> to vector<1x128xf32>
      %slice3A_490 = vector.extract_strided_slice %transpose3A_216 {offsets = [46, 0], sizes = [1, 128], strides = [1, 1]} : vector<128x128xf32> to vector<1x128xf32>
      %slice3A_491 = vector.extract_strided_slice %transpose3A_216 {offsets = [47, 0], sizes = [1, 128], strides = [1, 1]} : vector<128x128xf32> to vector<1x128xf32>
      %concatenate3A_492 = tpu.concatenate %slice3A_484, %slice3A_485, %slice3A_486, %slice3A_487, %slice3A_488, %slice3A_489, %slice3A_490, %slice3A_491 in 1 : vector<1x128xf32>, vector<1x128xf32>, vector<1x128xf32>, vector<1x128xf32>, vector<1x128xf32>, vector<1x128xf32>, vector<1x128xf32>, vector<1x128xf32> -> vector<1x1024xf32>
      %sub3A_493 = vector.broadcast %concatenate3A_492 : vector<1x1024xf32> to vector<50x1024xf32>
      %sub3A_494 = vector.broadcast %transpose3A : vector<50x1xf32> to vector<50x1024xf32>
      %sub3A_495 = arith.subf %sub3A_493, %sub3A_494 : vector<50x1024xf32>
      %integer_pow3A_496 = arith.mulf %sub3A_495, %sub3A_495 : vector<50x1024xf32>
      %mul3A_497 = vector.broadcast %get3A_2 : f32 to vector<50x1024xf32>
      %mul3A_498 = arith.mulf %mul3A_497, %integer_pow3A_496 : vector<50x1024xf32>
      %exp3A_499 = math.exp %mul3A_498 : vector<50x1024xf32>
      %slice3A_500 = vector.extract_strided_slice %select_n3A_208 {offsets = [0, 40], sizes = [128, 1], strides = [1, 1]} : vector<128x128xf32> to vector<128x1xf32>
      %slice3A_501 = vector.extract_strided_slice %select_n3A_208 {offsets = [0, 41], sizes = [128, 1], strides = [1, 1]} : vector<128x128xf32> to vector<128x1xf32>
      %slice3A_502 = vector.extract_strided_slice %select_n3A_208 {offsets = [0, 42], sizes = [128, 1], strides = [1, 1]} : vector<128x128xf32> to vector<128x1xf32>
      %slice3A_503 = vector.extract_strided_slice %select_n3A_208 {offsets = [0, 43], sizes = [128, 1], strides = [1, 1]} : vector<128x128xf32> to vector<128x1xf32>
      %slice3A_504 = vector.extract_strided_slice %select_n3A_208 {offsets = [0, 44], sizes = [128, 1], strides = [1, 1]} : vector<128x128xf32> to vector<128x1xf32>
      %slice3A_505 = vector.extract_strided_slice %select_n3A_208 {offsets = [0, 45], sizes = [128, 1], strides = [1, 1]} : vector<128x128xf32> to vector<128x1xf32>
      %slice3A_506 = vector.extract_strided_slice %select_n3A_208 {offsets = [0, 46], sizes = [128, 1], strides = [1, 1]} : vector<128x128xf32> to vector<128x1xf32>
      %slice3A_507 = vector.extract_strided_slice %select_n3A_208 {offsets = [0, 47], sizes = [128, 1], strides = [1, 1]} : vector<128x128xf32> to vector<128x1xf32>
      %concatenate3A_508 = tpu.concatenate %slice3A_500, %slice3A_501, %slice3A_502, %slice3A_503, %slice3A_504, %slice3A_505, %slice3A_506, %slice3A_507 in 0 : vector<128x1xf32>, vector<128x1xf32>, vector<128x1xf32>, vector<128x1xf32>, vector<128x1xf32>, vector<128x1xf32>, vector<128x1xf32>, vector<128x1xf32> -> vector<1024x1xf32>
      %dot_general3A_509 = arith.constant dense<0.000000e+00> : vector<1024x128xf32>
      %dot_general3A_510 = tpu.matmul %exp3A_499, %get3A_98, %dot_general3A_509 {dimension_numbers = #tpu.dot_dimension_numbers<[0], [0], [1], [1], [0, 1, 1, 1], [], []>, transpose_lhs_hint = false} : vector<50x1024xf32>, vector<50x128xf32>, vector<1024x128xf32> -> vector<1024x128xf32>
      %add3A_511 = vector.broadcast %get3A_101 : vector<1x128xf32> to vector<1024x128xf32>
      %add3A_512 = arith.addf %dot_general3A_510, %add3A_511 : vector<1024x128xf32>
      %exp3A_513 = math.exp %add3A_512 : vector<1024x128xf32>
      %mul3A_514 = arith.constant 5.000000e-01 : f32
      %mul3A_515 = vector.broadcast %mul3A_514 : f32 to vector<1024x128xf32>
      %mul3A_516 = arith.mulf %mul3A_515, %exp3A_513 : vector<1024x128xf32>
      %add3A_517 = arith.constant 5.000000e-01 : f32
      %add3A_518 = vector.broadcast %add3A_517 : f32 to vector<1024x128xf32>
      %add3A_519 = arith.addf %add3A_518, %mul3A_516 : vector<1024x128xf32>
      %log3A_520 = math.log %add3A_519 : vector<1024x128xf32>
      %dot_general3A_521 = arith.constant dense<0.000000e+00> : vector<1024x128xf32>
      %dot_general3A_522 = tpu.matmul %log3A_520, %get3A_104, %dot_general3A_521 {dimension_numbers = #tpu.dot_dimension_numbers<[1], [0], [0], [1], [0, 0, 1, 1], [], []>, transpose_lhs_hint = false} : vector<1024x128xf32>, vector<128x128xf32>, vector<1024x128xf32> -> vector<1024x128xf32>
      %add3A_523 = vector.broadcast %get3A_107 : vector<1x128xf32> to vector<1024x128xf32>
      %add3A_524 = arith.addf %dot_general3A_522, %add3A_523 : vector<1024x128xf32>
      %mul3A_525 = vector.broadcast %concatenate3A_508 : vector<1024x1xf32> to vector<1024x128xf32>
      %mul3A_526 = arith.mulf %add3A_524, %mul3A_525 : vector<1024x128xf32>
      %mul3A_527 = arith.mulf %mul3A_526, %concatenate3A : vector<1024x128xf32>
      %reshape3A_528 = vector.shape_cast %mul3A_527 : vector<1024x128xf32> to vector<8x128x128xf32>
      %reduce_sum3A_529 = arith.constant dense<0.000000e+00> : vector<8x128xf32>
      %reduce_sum3A_530 = vector.multi_reduction <add>, %reshape3A_528, %reduce_sum3A_529 [1] : vector<8x128x128xf32> to vector<8x128xf32>
      %get3A_531 = arith.constant 40 : index
      %get3A_532 = arith.constant 0 : index
      %get3A_533 = vector.load %arg17[%get3A_531, %get3A_532] : memref<128x128xf32, #tpu.memory_space<vmem>>, vector<8x128xf32>
      %add3A_534 = arith.addf %get3A_533, %reduce_sum3A_530 : vector<8x128xf32>
      %swap3A_535 = arith.constant 40 : index
      %swap3A_536 = arith.constant 0 : index
      %swap3A_537 = vector.load %arg17[%swap3A_535, %swap3A_536] : memref<128x128xf32, #tpu.memory_space<vmem>>, vector<8x128xf32>
      tpu.vector_store %arg17[%swap3A_535, %swap3A_536], %add3A_534 {strides = array<i32>} : memref<128x128xf32, #tpu.memory_space<vmem>>, vector<8x128xf32>,
      %slice3A_538 = vector.extract_strided_slice %transpose3A_216 {offsets = [48, 0], sizes = [1, 128], strides = [1, 1]} : vector<128x128xf32> to vector<1x128xf32>
      %slice3A_539 = vector.extract_strided_slice %transpose3A_216 {offsets = [49, 0], sizes = [1, 128], strides = [1, 1]} : vector<128x128xf32> to vector<1x128xf32>
      %slice3A_540 = vector.extract_strided_slice %transpose3A_216 {offsets = [50, 0], sizes = [1, 128], strides = [1, 1]} : vector<128x128xf32> to vector<1x128xf32>
      %slice3A_541 = vector.extract_strided_slice %transpose3A_216 {offsets = [51, 0], sizes = [1, 128], strides = [1, 1]} : vector<128x128xf32> to vector<1x128xf32>
      %slice3A_542 = vector.extract_strided_slice %transpose3A_216 {offsets = [52, 0], sizes = [1, 128], strides = [1, 1]} : vector<128x128xf32> to vector<1x128xf32>
      %slice3A_543 = vector.extract_strided_slice %transpose3A_216 {offsets = [53, 0], sizes = [1, 128], strides = [1, 1]} : vector<128x128xf32> to vector<1x128xf32>
      %slice3A_544 = vector.extract_strided_slice %transpose3A_216 {offsets = [54, 0], sizes = [1, 128], strides = [1, 1]} : vector<128x128xf32> to vector<1x128xf32>
      %slice3A_545 = vector.extract_strided_slice %transpose3A_216 {offsets = [55, 0], sizes = [1, 128], strides = [1, 1]} : vector<128x128xf32> to vector<1x128xf32>
      %concatenate3A_546 = tpu.concatenate %slice3A_538, %slice3A_539, %slice3A_540, %slice3A_541, %slice3A_542, %slice3A_543, %slice3A_544, %slice3A_545 in 1 : vector<1x128xf32>, vector<1x128xf32>, vector<1x128xf32>, vector<1x128xf32>, vector<1x128xf32>, vector<1x128xf32>, vector<1x128xf32>, vector<1x128xf32> -> vector<1x1024xf32>
      %sub3A_547 = vector.broadcast %concatenate3A_546 : vector<1x1024xf32> to vector<50x1024xf32>
      %sub3A_548 = vector.broadcast %transpose3A : vector<50x1xf32> to vector<50x1024xf32>
      %sub3A_549 = arith.subf %sub3A_547, %sub3A_548 : vector<50x1024xf32>
      %integer_pow3A_550 = arith.mulf %sub3A_549, %sub3A_549 : vector<50x1024xf32>
      %mul3A_551 = vector.broadcast %get3A_2 : f32 to vector<50x1024xf32>
      %mul3A_552 = arith.mulf %mul3A_551, %integer_pow3A_550 : vector<50x1024xf32>
      %exp3A_553 = math.exp %mul3A_552 : vector<50x1024xf32>
      %slice3A_554 = vector.extract_strided_slice %select_n3A_208 {offsets = [0, 48], sizes = [128, 1], strides = [1, 1]} : vector<128x128xf32> to vector<128x1xf32>
      %slice3A_555 = vector.extract_strided_slice %select_n3A_208 {offsets = [0, 49], sizes = [128, 1], strides = [1, 1]} : vector<128x128xf32> to vector<128x1xf32>
      %slice3A_556 = vector.extract_strided_slice %select_n3A_208 {offsets = [0, 50], sizes = [128, 1], strides = [1, 1]} : vector<128x128xf32> to vector<128x1xf32>
      %slice3A_557 = vector.extract_strided_slice %select_n3A_208 {offsets = [0, 51], sizes = [128, 1], strides = [1, 1]} : vector<128x128xf32> to vector<128x1xf32>
      %slice3A_558 = vector.extract_strided_slice %select_n3A_208 {offsets = [0, 52], sizes = [128, 1], strides = [1, 1]} : vector<128x128xf32> to vector<128x1xf32>
      %slice3A_559 = vector.extract_strided_slice %select_n3A_208 {offsets = [0, 53], sizes = [128, 1], strides = [1, 1]} : vector<128x128xf32> to vector<128x1xf32>
      %slice3A_560 = vector.extract_strided_slice %select_n3A_208 {offsets = [0, 54], sizes = [128, 1], strides = [1, 1]} : vector<128x128xf32> to vector<128x1xf32>
      %slice3A_561 = vector.extract_strided_slice %select_n3A_208 {offsets = [0, 55], sizes = [128, 1], strides = [1, 1]} : vector<128x128xf32> to vector<128x1xf32>
      %concatenate3A_562 = tpu.concatenate %slice3A_554, %slice3A_555, %slice3A_556, %slice3A_557, %slice3A_558, %slice3A_559, %slice3A_560, %slice3A_561 in 0 : vector<128x1xf32>, vector<128x1xf32>, vector<128x1xf32>, vector<128x1xf32>, vector<128x1xf32>, vector<128x1xf32>, vector<128x1xf32>, vector<128x1xf32> -> vector<1024x1xf32>
      %dot_general3A_563 = arith.constant dense<0.000000e+00> : vector<1024x128xf32>
      %dot_general3A_564 = tpu.matmul %exp3A_553, %get3A_98, %dot_general3A_563 {dimension_numbers = #tpu.dot_dimension_numbers<[0], [0], [1], [1], [0, 1, 1, 1], [], []>, transpose_lhs_hint = false} : vector<50x1024xf32>, vector<50x128xf32>, vector<1024x128xf32> -> vector<1024x128xf32>
      %add3A_565 = vector.broadcast %get3A_101 : vector<1x128xf32> to vector<1024x128xf32>
      %add3A_566 = arith.addf %dot_general3A_564, %add3A_565 : vector<1024x128xf32>
      %exp3A_567 = math.exp %add3A_566 : vector<1024x128xf32>
      %mul3A_568 = arith.constant 5.000000e-01 : f32
      %mul3A_569 = vector.broadcast %mul3A_568 : f32 to vector<1024x128xf32>
      %mul3A_570 = arith.mulf %mul3A_569, %exp3A_567 : vector<1024x128xf32>
      %add3A_571 = arith.constant 5.000000e-01 : f32
      %add3A_572 = vector.broadcast %add3A_571 : f32 to vector<1024x128xf32>
      %add3A_573 = arith.addf %add3A_572, %mul3A_570 : vector<1024x128xf32>
      %log3A_574 = math.log %add3A_573 : vector<1024x128xf32>
      %dot_general3A_575 = arith.constant dense<0.000000e+00> : vector<1024x128xf32>
      %dot_general3A_576 = tpu.matmul %log3A_574, %get3A_104, %dot_general3A_575 {dimension_numbers = #tpu.dot_dimension_numbers<[1], [0], [0], [1], [0, 0, 1, 1], [], []>, transpose_lhs_hint = false} : vector<1024x128xf32>, vector<128x128xf32>, vector<1024x128xf32> -> vector<1024x128xf32>
      %add3A_577 = vector.broadcast %get3A_107 : vector<1x128xf32> to vector<1024x128xf32>
      %add3A_578 = arith.addf %dot_general3A_576, %add3A_577 : vector<1024x128xf32>
      %mul3A_579 = vector.broadcast %concatenate3A_562 : vector<1024x1xf32> to vector<1024x128xf32>
      %mul3A_580 = arith.mulf %add3A_578, %mul3A_579 : vector<1024x128xf32>
      %mul3A_581 = arith.mulf %mul3A_580, %concatenate3A : vector<1024x128xf32>
      %reshape3A_582 = vector.shape_cast %mul3A_581 : vector<1024x128xf32> to vector<8x128x128xf32>
      %reduce_sum3A_583 = arith.constant dense<0.000000e+00> : vector<8x128xf32>
      %reduce_sum3A_584 = vector.multi_reduction <add>, %reshape3A_582, %reduce_sum3A_583 [1] : vector<8x128x128xf32> to vector<8x128xf32>
      %get3A_585 = arith.constant 48 : index
      %get3A_586 = arith.constant 0 : index
      %get3A_587 = vector.load %arg17[%get3A_585, %get3A_586] : memref<128x128xf32, #tpu.memory_space<vmem>>, vector<8x128xf32>
      %add3A_588 = arith.addf %get3A_587, %reduce_sum3A_584 : vector<8x128xf32>
      %swap3A_589 = arith.constant 48 : index
      %swap3A_590 = arith.constant 0 : index
      %swap3A_591 = vector.load %arg17[%swap3A_589, %swap3A_590] : memref<128x128xf32, #tpu.memory_space<vmem>>, vector<8x128xf32>
      tpu.vector_store %arg17[%swap3A_589, %swap3A_590], %add3A_588 {strides = array<i32>} : memref<128x128xf32, #tpu.memory_space<vmem>>, vector<8x128xf32>,
      %slice3A_592 = vector.extract_strided_slice %transpose3A_216 {offsets = [56, 0], sizes = [1, 128], strides = [1, 1]} : vector<128x128xf32> to vector<1x128xf32>
      %slice3A_593 = vector.extract_strided_slice %transpose3A_216 {offsets = [57, 0], sizes = [1, 128], strides = [1, 1]} : vector<128x128xf32> to vector<1x128xf32>
      %slice3A_594 = vector.extract_strided_slice %transpose3A_216 {offsets = [58, 0], sizes = [1, 128], strides = [1, 1]} : vector<128x128xf32> to vector<1x128xf32>
      %slice3A_595 = vector.extract_strided_slice %transpose3A_216 {offsets = [59, 0], sizes = [1, 128], strides = [1, 1]} : vector<128x128xf32> to vector<1x128xf32>
      %slice3A_596 = vector.extract_strided_slice %transpose3A_216 {offsets = [60, 0], sizes = [1, 128], strides = [1, 1]} : vector<128x128xf32> to vector<1x128xf32>
      %slice3A_597 = vector.extract_strided_slice %transpose3A_216 {offsets = [61, 0], sizes = [1, 128], strides = [1, 1]} : vector<128x128xf32> to vector<1x128xf32>
      %slice3A_598 = vector.extract_strided_slice %transpose3A_216 {offsets = [62, 0], sizes = [1, 128], strides = [1, 1]} : vector<128x128xf32> to vector<1x128xf32>
      %slice3A_599 = vector.extract_strided_slice %transpose3A_216 {offsets = [63, 0], sizes = [1, 128], strides = [1, 1]} : vector<128x128xf32> to vector<1x128xf32>
      %concatenate3A_600 = tpu.concatenate %slice3A_592, %slice3A_593, %slice3A_594, %slice3A_595, %slice3A_596, %slice3A_597, %slice3A_598, %slice3A_599 in 1 : vector<1x128xf32>, vector<1x128xf32>, vector<1x128xf32>, vector<1x128xf32>, vector<1x128xf32>, vector<1x128xf32>, vector<1x128xf32>, vector<1x128xf32> -> vector<1x1024xf32>
      %sub3A_601 = vector.broadcast %concatenate3A_600 : vector<1x1024xf32> to vector<50x1024xf32>
      %sub3A_602 = vector.broadcast %transpose3A : vector<50x1xf32> to vector<50x1024xf32>
      %sub3A_603 = arith.subf %sub3A_601, %sub3A_602 : vector<50x1024xf32>
      %integer_pow3A_604 = arith.mulf %sub3A_603, %sub3A_603 : vector<50x1024xf32>
      %mul3A_605 = vector.broadcast %get3A_2 : f32 to vector<50x1024xf32>
      %mul3A_606 = arith.mulf %mul3A_605, %integer_pow3A_604 : vector<50x1024xf32>
      %exp3A_607 = math.exp %mul3A_606 : vector<50x1024xf32>
      %slice3A_608 = vector.extract_strided_slice %select_n3A_208 {offsets = [0, 56], sizes = [128, 1], strides = [1, 1]} : vector<128x128xf32> to vector<128x1xf32>
      %slice3A_609 = vector.extract_strided_slice %select_n3A_208 {offsets = [0, 57], sizes = [128, 1], strides = [1, 1]} : vector<128x128xf32> to vector<128x1xf32>
      %slice3A_610 = vector.extract_strided_slice %select_n3A_208 {offsets = [0, 58], sizes = [128, 1], strides = [1, 1]} : vector<128x128xf32> to vector<128x1xf32>
      %slice3A_611 = vector.extract_strided_slice %select_n3A_208 {offsets = [0, 59], sizes = [128, 1], strides = [1, 1]} : vector<128x128xf32> to vector<128x1xf32>
      %slice3A_612 = vector.extract_strided_slice %select_n3A_208 {offsets = [0, 60], sizes = [128, 1], strides = [1, 1]} : vector<128x128xf32> to vector<128x1xf32>
      %slice3A_613 = vector.extract_strided_slice %select_n3A_208 {offsets = [0, 61], sizes = [128, 1], strides = [1, 1]} : vector<128x128xf32> to vector<128x1xf32>
      %slice3A_614 = vector.extract_strided_slice %select_n3A_208 {offsets = [0, 62], sizes = [128, 1], strides = [1, 1]} : vector<128x128xf32> to vector<128x1xf32>
      %slice3A_615 = vector.extract_strided_slice %select_n3A_208 {offsets = [0, 63], sizes = [128, 1], strides = [1, 1]} : vector<128x128xf32> to vector<128x1xf32>
      %concatenate3A_616 = tpu.concatenate %slice3A_608, %slice3A_609, %slice3A_610, %slice3A_611, %slice3A_612, %slice3A_613, %slice3A_614, %slice3A_615 in 0 : vector<128x1xf32>, vector<128x1xf32>, vector<128x1xf32>, vector<128x1xf32>, vector<128x1xf32>, vector<128x1xf32>, vector<128x1xf32>, vector<128x1xf32> -> vector<1024x1xf32>
      %dot_general3A_617 = arith.constant dense<0.000000e+00> : vector<1024x128xf32>
      %dot_general3A_618 = tpu.matmul %exp3A_607, %get3A_98, %dot_general3A_617 {dimension_numbers = #tpu.dot_dimension_numbers<[0], [0], [1], [1], [0, 1, 1, 1], [], []>, transpose_lhs_hint = false} : vector<50x1024xf32>, vector<50x128xf32>, vector<1024x128xf32> -> vector<1024x128xf32>
      %add3A_619 = vector.broadcast %get3A_101 : vector<1x128xf32> to vector<1024x128xf32>
      %add3A_620 = arith.addf %dot_general3A_618, %add3A_619 : vector<1024x128xf32>
      %exp3A_621 = math.exp %add3A_620 : vector<1024x128xf32>
      %mul3A_622 = arith.constant 5.000000e-01 : f32
      %mul3A_623 = vector.broadcast %mul3A_622 : f32 to vector<1024x128xf32>
      %mul3A_624 = arith.mulf %mul3A_623, %exp3A_621 : vector<1024x128xf32>
      %add3A_625 = arith.constant 5.000000e-01 : f32
      %add3A_626 = vector.broadcast %add3A_625 : f32 to vector<1024x128xf32>
      %add3A_627 = arith.addf %add3A_626, %mul3A_624 : vector<1024x128xf32>
      %log3A_628 = math.log %add3A_627 : vector<1024x128xf32>
      %dot_general3A_629 = arith.constant dense<0.000000e+00> : vector<1024x128xf32>
      %dot_general3A_630 = tpu.matmul %log3A_628, %get3A_104, %dot_general3A_629 {dimension_numbers = #tpu.dot_dimension_numbers<[1], [0], [0], [1], [0, 0, 1, 1], [], []>, transpose_lhs_hint = false} : vector<1024x128xf32>, vector<128x128xf32>, vector<1024x128xf32> -> vector<1024x128xf32>
      %add3A_631 = vector.broadcast %get3A_107 : vector<1x128xf32> to vector<1024x128xf32>
      %add3A_632 = arith.addf %dot_general3A_630, %add3A_631 : vector<1024x128xf32>
      %mul3A_633 = vector.broadcast %concatenate3A_616 : vector<1024x1xf32> to vector<1024x128xf32>
      %mul3A_634 = arith.mulf %add3A_632, %mul3A_633 : vector<1024x128xf32>
      %mul3A_635 = arith.mulf %mul3A_634, %concatenate3A : vector<1024x128xf32>
      %reshape3A_636 = vector.shape_cast %mul3A_635 : vector<1024x128xf32> to vector<8x128x128xf32>
      %reduce_sum3A_637 = arith.constant dense<0.000000e+00> : vector<8x128xf32>
      %reduce_sum3A_638 = vector.multi_reduction <add>, %reshape3A_636, %reduce_sum3A_637 [1] : vector<8x128x128xf32> to vector<8x128xf32>
      %get3A_639 = arith.constant 56 : index
      %get3A_640 = arith.constant 0 : index
      %get3A_641 = vector.load %arg17[%get3A_639, %get3A_640] : memref<128x128xf32, #tpu.memory_space<vmem>>, vector<8x128xf32>
      %add3A_642 = arith.addf %get3A_641, %reduce_sum3A_638 : vector<8x128xf32>
      %swap3A_643 = arith.constant 56 : index
      %swap3A_644 = arith.constant 0 : index
      %swap3A_645 = vector.load %arg17[%swap3A_643, %swap3A_644] : memref<128x128xf32, #tpu.memory_space<vmem>>, vector<8x128xf32>
      tpu.vector_store %arg17[%swap3A_643, %swap3A_644], %add3A_642 {strides = array<i32>} : memref<128x128xf32, #tpu.memory_space<vmem>>, vector<8x128xf32>,
      %slice3A_646 = vector.extract_strided_slice %transpose3A_216 {offsets = [64, 0], sizes = [1, 128], strides = [1, 1]} : vector<128x128xf32> to vector<1x128xf32>
      %slice3A_647 = vector.extract_strided_slice %transpose3A_216 {offsets = [65, 0], sizes = [1, 128], strides = [1, 1]} : vector<128x128xf32> to vector<1x128xf32>
      %slice3A_648 = vector.extract_strided_slice %transpose3A_216 {offsets = [66, 0], sizes = [1, 128], strides = [1, 1]} : vector<128x128xf32> to vector<1x128xf32>
      %slice3A_649 = vector.extract_strided_slice %transpose3A_216 {offsets = [67, 0], sizes = [1, 128], strides = [1, 1]} : vector<128x128xf32> to vector<1x128xf32>
      %slice3A_650 = vector.extract_strided_slice %transpose3A_216 {offsets = [68, 0], sizes = [1, 128], strides = [1, 1]} : vector<128x128xf32> to vector<1x128xf32>
      %slice3A_651 = vector.extract_strided_slice %transpose3A_216 {offsets = [69, 0], sizes = [1, 128], strides = [1, 1]} : vector<128x128xf32> to vector<1x128xf32>
      %slice3A_652 = vector.extract_strided_slice %transpose3A_216 {offsets = [70, 0], sizes = [1, 128], strides = [1, 1]} : vector<128x128xf32> to vector<1x128xf32>
      %slice3A_653 = vector.extract_strided_slice %transpose3A_216 {offsets = [71, 0], sizes = [1, 128], strides = [1, 1]} : vector<128x128xf32> to vector<1x128xf32>
      %concatenate3A_654 = tpu.concatenate %slice3A_646, %slice3A_647, %slice3A_648, %slice3A_649, %slice3A_650, %slice3A_651, %slice3A_652, %slice3A_653 in 1 : vector<1x128xf32>, vector<1x128xf32>, vector<1x128xf32>, vector<1x128xf32>, vector<1x128xf32>, vector<1x128xf32>, vector<1x128xf32>, vector<1x128xf32> -> vector<1x1024xf32>
      %sub3A_655 = vector.broadcast %concatenate3A_654 : vector<1x1024xf32> to vector<50x1024xf32>
      %sub3A_656 = vector.broadcast %transpose3A : vector<50x1xf32> to vector<50x1024xf32>
      %sub3A_657 = arith.subf %sub3A_655, %sub3A_656 : vector<50x1024xf32>
      %integer_pow3A_658 = arith.mulf %sub3A_657, %sub3A_657 : vector<50x1024xf32>
      %mul3A_659 = vector.broadcast %get3A_2 : f32 to vector<50x1024xf32>
      %mul3A_660 = arith.mulf %mul3A_659, %integer_pow3A_658 : vector<50x1024xf32>
      %exp3A_661 = math.exp %mul3A_660 : vector<50x1024xf32>
      %slice3A_662 = vector.extract_strided_slice %select_n3A_208 {offsets = [0, 64], sizes = [128, 1], strides = [1, 1]} : vector<128x128xf32> to vector<128x1xf32>
      %slice3A_663 = vector.extract_strided_slice %select_n3A_208 {offsets = [0, 65], sizes = [128, 1], strides = [1, 1]} : vector<128x128xf32> to vector<128x1xf32>
      %slice3A_664 = vector.extract_strided_slice %select_n3A_208 {offsets = [0, 66], sizes = [128, 1], strides = [1, 1]} : vector<128x128xf32> to vector<128x1xf32>
      %slice3A_665 = vector.extract_strided_slice %select_n3A_208 {offsets = [0, 67], sizes = [128, 1], strides = [1, 1]} : vector<128x128xf32> to vector<128x1xf32>
      %slice3A_666 = vector.extract_strided_slice %select_n3A_208 {offsets = [0, 68], sizes = [128, 1], strides = [1, 1]} : vector<128x128xf32> to vector<128x1xf32>
      %slice3A_667 = vector.extract_strided_slice %select_n3A_208 {offsets = [0, 69], sizes = [128, 1], strides = [1, 1]} : vector<128x128xf32> to vector<128x1xf32>
      %slice3A_668 = vector.extract_strided_slice %select_n3A_208 {offsets = [0, 70], sizes = [128, 1], strides = [1, 1]} : vector<128x128xf32> to vector<128x1xf32>
      %slice3A_669 = vector.extract_strided_slice %select_n3A_208 {offsets = [0, 71], sizes = [128, 1], strides = [1, 1]} : vector<128x128xf32> to vector<128x1xf32>
      %concatenate3A_670 = tpu.concatenate %slice3A_662, %slice3A_663, %slice3A_664, %slice3A_665, %slice3A_666, %slice3A_667, %slice3A_668, %slice3A_669 in 0 : vector<128x1xf32>, vector<128x1xf32>, vector<128x1xf32>, vector<128x1xf32>, vector<128x1xf32>, vector<128x1xf32>, vector<128x1xf32>, vector<128x1xf32> -> vector<1024x1xf32>
      %dot_general3A_671 = arith.constant dense<0.000000e+00> : vector<1024x128xf32>
      %dot_general3A_672 = tpu.matmul %exp3A_661, %get3A_98, %dot_general3A_671 {dimension_numbers = #tpu.dot_dimension_numbers<[0], [0], [1], [1], [0, 1, 1, 1], [], []>, transpose_lhs_hint = false} : vector<50x1024xf32>, vector<50x128xf32>, vector<1024x128xf32> -> vector<1024x128xf32>
      %add3A_673 = vector.broadcast %get3A_101 : vector<1x128xf32> to vector<1024x128xf32>
      %add3A_674 = arith.addf %dot_general3A_672, %add3A_673 : vector<1024x128xf32>
      %exp3A_675 = math.exp %add3A_674 : vector<1024x128xf32>
      %mul3A_676 = arith.constant 5.000000e-01 : f32
      %mul3A_677 = vector.broadcast %mul3A_676 : f32 to vector<1024x128xf32>
      %mul3A_678 = arith.mulf %mul3A_677, %exp3A_675 : vector<1024x128xf32>
      %add3A_679 = arith.constant 5.000000e-01 : f32
      %add3A_680 = vector.broadcast %add3A_679 : f32 to vector<1024x128xf32>
      %add3A_681 = arith.addf %add3A_680, %mul3A_678 : vector<1024x128xf32>
      %log3A_682 = math.log %add3A_681 : vector<1024x128xf32>
      %dot_general3A_683 = arith.constant dense<0.000000e+00> : vector<1024x128xf32>
      %dot_general3A_684 = tpu.matmul %log3A_682, %get3A_104, %dot_general3A_683 {dimension_numbers = #tpu.dot_dimension_numbers<[1], [0], [0], [1], [0, 0, 1, 1], [], []>, transpose_lhs_hint = false} : vector<1024x128xf32>, vector<128x128xf32>, vector<1024x128xf32> -> vector<1024x128xf32>
      %add3A_685 = vector.broadcast %get3A_107 : vector<1x128xf32> to vector<1024x128xf32>
      %add3A_686 = arith.addf %dot_general3A_684, %add3A_685 : vector<1024x128xf32>
      %mul3A_687 = vector.broadcast %concatenate3A_670 : vector<1024x1xf32> to vector<1024x128xf32>
      %mul3A_688 = arith.mulf %add3A_686, %mul3A_687 : vector<1024x128xf32>
      %mul3A_689 = arith.mulf %mul3A_688, %concatenate3A : vector<1024x128xf32>
      %reshape3A_690 = vector.shape_cast %mul3A_689 : vector<1024x128xf32> to vector<8x128x128xf32>
      %reduce_sum3A_691 = arith.constant dense<0.000000e+00> : vector<8x128xf32>
      %reduce_sum3A_692 = vector.multi_reduction <add>, %reshape3A_690, %reduce_sum3A_691 [1] : vector<8x128x128xf32> to vector<8x128xf32>
      %get3A_693 = arith.constant 64 : index
      %get3A_694 = arith.constant 0 : index
      %get3A_695 = vector.load %arg17[%get3A_693, %get3A_694] : memref<128x128xf32, #tpu.memory_space<vmem>>, vector<8x128xf32>
      %add3A_696 = arith.addf %get3A_695, %reduce_sum3A_692 : vector<8x128xf32>
      %swap3A_697 = arith.constant 64 : index
      %swap3A_698 = arith.constant 0 : index
      %swap3A_699 = vector.load %arg17[%swap3A_697, %swap3A_698] : memref<128x128xf32, #tpu.memory_space<vmem>>, vector<8x128xf32>
      tpu.vector_store %arg17[%swap3A_697, %swap3A_698], %add3A_696 {strides = array<i32>} : memref<128x128xf32, #tpu.memory_space<vmem>>, vector<8x128xf32>,
      %slice3A_700 = vector.extract_strided_slice %transpose3A_216 {offsets = [72, 0], sizes = [1, 128], strides = [1, 1]} : vector<128x128xf32> to vector<1x128xf32>
      %slice3A_701 = vector.extract_strided_slice %transpose3A_216 {offsets = [73, 0], sizes = [1, 128], strides = [1, 1]} : vector<128x128xf32> to vector<1x128xf32>
      %slice3A_702 = vector.extract_strided_slice %transpose3A_216 {offsets = [74, 0], sizes = [1, 128], strides = [1, 1]} : vector<128x128xf32> to vector<1x128xf32>
      %slice3A_703 = vector.extract_strided_slice %transpose3A_216 {offsets = [75, 0], sizes = [1, 128], strides = [1, 1]} : vector<128x128xf32> to vector<1x128xf32>
      %slice3A_704 = vector.extract_strided_slice %transpose3A_216 {offsets = [76, 0], sizes = [1, 128], strides = [1, 1]} : vector<128x128xf32> to vector<1x128xf32>
      %slice3A_705 = vector.extract_strided_slice %transpose3A_216 {offsets = [77, 0], sizes = [1, 128], strides = [1, 1]} : vector<128x128xf32> to vector<1x128xf32>
      %slice3A_706 = vector.extract_strided_slice %transpose3A_216 {offsets = [78, 0], sizes = [1, 128], strides = [1, 1]} : vector<128x128xf32> to vector<1x128xf32>
      %slice3A_707 = vector.extract_strided_slice %transpose3A_216 {offsets = [79, 0], sizes = [1, 128], strides = [1, 1]} : vector<128x128xf32> to vector<1x128xf32>
      %concatenate3A_708 = tpu.concatenate %slice3A_700, %slice3A_701, %slice3A_702, %slice3A_703, %slice3A_704, %slice3A_705, %slice3A_706, %slice3A_707 in 1 : vector<1x128xf32>, vector<1x128xf32>, vector<1x128xf32>, vector<1x128xf32>, vector<1x128xf32>, vector<1x128xf32>, vector<1x128xf32>, vector<1x128xf32> -> vector<1x1024xf32>
      %sub3A_709 = vector.broadcast %concatenate3A_708 : vector<1x1024xf32> to vector<50x1024xf32>
      %sub3A_710 = vector.broadcast %transpose3A : vector<50x1xf32> to vector<50x1024xf32>
      %sub3A_711 = arith.subf %sub3A_709, %sub3A_710 : vector<50x1024xf32>
      %integer_pow3A_712 = arith.mulf %sub3A_711, %sub3A_711 : vector<50x1024xf32>
      %mul3A_713 = vector.broadcast %get3A_2 : f32 to vector<50x1024xf32>
      %mul3A_714 = arith.mulf %mul3A_713, %integer_pow3A_712 : vector<50x1024xf32>
      %exp3A_715 = math.exp %mul3A_714 : vector<50x1024xf32>
      %slice3A_716 = vector.extract_strided_slice %select_n3A_208 {offsets = [0, 72], sizes = [128, 1], strides = [1, 1]} : vector<128x128xf32> to vector<128x1xf32>
      %slice3A_717 = vector.extract_strided_slice %select_n3A_208 {offsets = [0, 73], sizes = [128, 1], strides = [1, 1]} : vector<128x128xf32> to vector<128x1xf32>
      %slice3A_718 = vector.extract_strided_slice %select_n3A_208 {offsets = [0, 74], sizes = [128, 1], strides = [1, 1]} : vector<128x128xf32> to vector<128x1xf32>
      %slice3A_719 = vector.extract_strided_slice %select_n3A_208 {offsets = [0, 75], sizes = [128, 1], strides = [1, 1]} : vector<128x128xf32> to vector<128x1xf32>
      %slice3A_720 = vector.extract_strided_slice %select_n3A_208 {offsets = [0, 76], sizes = [128, 1], strides = [1, 1]} : vector<128x128xf32> to vector<128x1xf32>
      %slice3A_721 = vector.extract_strided_slice %select_n3A_208 {offsets = [0, 77], sizes = [128, 1], strides = [1, 1]} : vector<128x128xf32> to vector<128x1xf32>
      %slice3A_722 = vector.extract_strided_slice %select_n3A_208 {offsets = [0, 78], sizes = [128, 1], strides = [1, 1]} : vector<128x128xf32> to vector<128x1xf32>
      %slice3A_723 = vector.extract_strided_slice %select_n3A_208 {offsets = [0, 79], sizes = [128, 1], strides = [1, 1]} : vector<128x128xf32> to vector<128x1xf32>
      %concatenate3A_724 = tpu.concatenate %slice3A_716, %slice3A_717, %slice3A_718, %slice3A_719, %slice3A_720, %slice3A_721, %slice3A_722, %slice3A_723 in 0 : vector<128x1xf32>, vector<128x1xf32>, vector<128x1xf32>, vector<128x1xf32>, vector<128x1xf32>, vector<128x1xf32>, vector<128x1xf32>, vector<128x1xf32> -> vector<1024x1xf32>
      %dot_general3A_725 = arith.constant dense<0.000000e+00> : vector<1024x128xf32>
      %dot_general3A_726 = tpu.matmul %exp3A_715, %get3A_98, %dot_general3A_725 {dimension_numbers = #tpu.dot_dimension_numbers<[0], [0], [1], [1], [0, 1, 1, 1], [], []>, transpose_lhs_hint = false} : vector<50x1024xf32>, vector<50x128xf32>, vector<1024x128xf32> -> vector<1024x128xf32>
      %add3A_727 = vector.broadcast %get3A_101 : vector<1x128xf32> to vector<1024x128xf32>
      %add3A_728 = arith.addf %dot_general3A_726, %add3A_727 : vector<1024x128xf32>
      %exp3A_729 = math.exp %add3A_728 : vector<1024x128xf32>
      %mul3A_730 = arith.constant 5.000000e-01 : f32
      %mul3A_731 = vector.broadcast %mul3A_730 : f32 to vector<1024x128xf32>
      %mul3A_732 = arith.mulf %mul3A_731, %exp3A_729 : vector<1024x128xf32>
      %add3A_733 = arith.constant 5.000000e-01 : f32
      %add3A_734 = vector.broadcast %add3A_733 : f32 to vector<1024x128xf32>
      %add3A_735 = arith.addf %add3A_734, %mul3A_732 : vector<1024x128xf32>
      %log3A_736 = math.log %add3A_735 : vector<1024x128xf32>
      %dot_general3A_737 = arith.constant dense<0.000000e+00> : vector<1024x128xf32>
      %dot_general3A_738 = tpu.matmul %log3A_736, %get3A_104, %dot_general3A_737 {dimension_numbers = #tpu.dot_dimension_numbers<[1], [0], [0], [1], [0, 0, 1, 1], [], []>, transpose_lhs_hint = false} : vector<1024x128xf32>, vector<128x128xf32>, vector<1024x128xf32> -> vector<1024x128xf32>
      %add3A_739 = vector.broadcast %get3A_107 : vector<1x128xf32> to vector<1024x128xf32>
      %add3A_740 = arith.addf %dot_general3A_738, %add3A_739 : vector<1024x128xf32>
      %mul3A_741 = vector.broadcast %concatenate3A_724 : vector<1024x1xf32> to vector<1024x128xf32>
      %mul3A_742 = arith.mulf %add3A_740, %mul3A_741 : vector<1024x128xf32>
      %mul3A_743 = arith.mulf %mul3A_742, %concatenate3A : vector<1024x128xf32>
      %reshape3A_744 = vector.shape_cast %mul3A_743 : vector<1024x128xf32> to vector<8x128x128xf32>
      %reduce_sum3A_745 = arith.constant dense<0.000000e+00> : vector<8x128xf32>
      %reduce_sum3A_746 = vector.multi_reduction <add>, %reshape3A_744, %reduce_sum3A_745 [1] : vector<8x128x128xf32> to vector<8x128xf32>
      %get3A_747 = arith.constant 72 : index
      %get3A_748 = arith.constant 0 : index
      %get3A_749 = vector.load %arg17[%get3A_747, %get3A_748] : memref<128x128xf32, #tpu.memory_space<vmem>>, vector<8x128xf32>
      %add3A_750 = arith.addf %get3A_749, %reduce_sum3A_746 : vector<8x128xf32>
      %swap3A_751 = arith.constant 72 : index
      %swap3A_752 = arith.constant 0 : index
      %swap3A_753 = vector.load %arg17[%swap3A_751, %swap3A_752] : memref<128x128xf32, #tpu.memory_space<vmem>>, vector<8x128xf32>
      tpu.vector_store %arg17[%swap3A_751, %swap3A_752], %add3A_750 {strides = array<i32>} : memref<128x128xf32, #tpu.memory_space<vmem>>, vector<8x128xf32>,
      %slice3A_754 = vector.extract_strided_slice %transpose3A_216 {offsets = [80, 0], sizes = [1, 128], strides = [1, 1]} : vector<128x128xf32> to vector<1x128xf32>
      %slice3A_755 = vector.extract_strided_slice %transpose3A_216 {offsets = [81, 0], sizes = [1, 128], strides = [1, 1]} : vector<128x128xf32> to vector<1x128xf32>
      %slice3A_756 = vector.extract_strided_slice %transpose3A_216 {offsets = [82, 0], sizes = [1, 128], strides = [1, 1]} : vector<128x128xf32> to vector<1x128xf32>
      %slice3A_757 = vector.extract_strided_slice %transpose3A_216 {offsets = [83, 0], sizes = [1, 128], strides = [1, 1]} : vector<128x128xf32> to vector<1x128xf32>
      %slice3A_758 = vector.extract_strided_slice %transpose3A_216 {offsets = [84, 0], sizes = [1, 128], strides = [1, 1]} : vector<128x128xf32> to vector<1x128xf32>
      %slice3A_759 = vector.extract_strided_slice %transpose3A_216 {offsets = [85, 0], sizes = [1, 128], strides = [1, 1]} : vector<128x128xf32> to vector<1x128xf32>
      %slice3A_760 = vector.extract_strided_slice %transpose3A_216 {offsets = [86, 0], sizes = [1, 128], strides = [1, 1]} : vector<128x128xf32> to vector<1x128xf32>
      %slice3A_761 = vector.extract_strided_slice %transpose3A_216 {offsets = [87, 0], sizes = [1, 128], strides = [1, 1]} : vector<128x128xf32> to vector<1x128xf32>
      %concatenate3A_762 = tpu.concatenate %slice3A_754, %slice3A_755, %slice3A_756, %slice3A_757, %slice3A_758, %slice3A_759, %slice3A_760, %slice3A_761 in 1 : vector<1x128xf32>, vector<1x128xf32>, vector<1x128xf32>, vector<1x128xf32>, vector<1x128xf32>, vector<1x128xf32>, vector<1x128xf32>, vector<1x128xf32> -> vector<1x1024xf32>
      %sub3A_763 = vector.broadcast %concatenate3A_762 : vector<1x1024xf32> to vector<50x1024xf32>
      %sub3A_764 = vector.broadcast %transpose3A : vector<50x1xf32> to vector<50x1024xf32>
      %sub3A_765 = arith.subf %sub3A_763, %sub3A_764 : vector<50x1024xf32>
      %integer_pow3A_766 = arith.mulf %sub3A_765, %sub3A_765 : vector<50x1024xf32>
      %mul3A_767 = vector.broadcast %get3A_2 : f32 to vector<50x1024xf32>
      %mul3A_768 = arith.mulf %mul3A_767, %integer_pow3A_766 : vector<50x1024xf32>
      %exp3A_769 = math.exp %mul3A_768 : vector<50x1024xf32>
      %slice3A_770 = vector.extract_strided_slice %select_n3A_208 {offsets = [0, 80], sizes = [128, 1], strides = [1, 1]} : vector<128x128xf32> to vector<128x1xf32>
      %slice3A_771 = vector.extract_strided_slice %select_n3A_208 {offsets = [0, 81], sizes = [128, 1], strides = [1, 1]} : vector<128x128xf32> to vector<128x1xf32>
      %slice3A_772 = vector.extract_strided_slice %select_n3A_208 {offsets = [0, 82], sizes = [128, 1], strides = [1, 1]} : vector<128x128xf32> to vector<128x1xf32>
      %slice3A_773 = vector.extract_strided_slice %select_n3A_208 {offsets = [0, 83], sizes = [128, 1], strides = [1, 1]} : vector<128x128xf32> to vector<128x1xf32>
      %slice3A_774 = vector.extract_strided_slice %select_n3A_208 {offsets = [0, 84], sizes = [128, 1], strides = [1, 1]} : vector<128x128xf32> to vector<128x1xf32>
      %slice3A_775 = vector.extract_strided_slice %select_n3A_208 {offsets = [0, 85], sizes = [128, 1], strides = [1, 1]} : vector<128x128xf32> to vector<128x1xf32>
      %slice3A_776 = vector.extract_strided_slice %select_n3A_208 {offsets = [0, 86], sizes = [128, 1], strides = [1, 1]} : vector<128x128xf32> to vector<128x1xf32>
      %slice3A_777 = vector.extract_strided_slice %select_n3A_208 {offsets = [0, 87], sizes = [128, 1], strides = [1, 1]} : vector<128x128xf32> to vector<128x1xf32>
      %concatenate3A_778 = tpu.concatenate %slice3A_770, %slice3A_771, %slice3A_772, %slice3A_773, %slice3A_774, %slice3A_775, %slice3A_776, %slice3A_777 in 0 : vector<128x1xf32>, vector<128x1xf32>, vector<128x1xf32>, vector<128x1xf32>, vector<128x1xf32>, vector<128x1xf32>, vector<128x1xf32>, vector<128x1xf32> -> vector<1024x1xf32>
      %dot_general3A_779 = arith.constant dense<0.000000e+00> : vector<1024x128xf32>
      %dot_general3A_780 = tpu.matmul %exp3A_769, %get3A_98, %dot_general3A_779 {dimension_numbers = #tpu.dot_dimension_numbers<[0], [0], [1], [1], [0, 1, 1, 1], [], []>, transpose_lhs_hint = false} : vector<50x1024xf32>, vector<50x128xf32>, vector<1024x128xf32> -> vector<1024x128xf32>
      %add3A_781 = vector.broadcast %get3A_101 : vector<1x128xf32> to vector<1024x128xf32>
      %add3A_782 = arith.addf %dot_general3A_780, %add3A_781 : vector<1024x128xf32>
      %exp3A_783 = math.exp %add3A_782 : vector<1024x128xf32>
      %mul3A_784 = arith.constant 5.000000e-01 : f32
      %mul3A_785 = vector.broadcast %mul3A_784 : f32 to vector<1024x128xf32>
      %mul3A_786 = arith.mulf %mul3A_785, %exp3A_783 : vector<1024x128xf32>
      %add3A_787 = arith.constant 5.000000e-01 : f32
      %add3A_788 = vector.broadcast %add3A_787 : f32 to vector<1024x128xf32>
      %add3A_789 = arith.addf %add3A_788, %mul3A_786 : vector<1024x128xf32>
      %log3A_790 = math.log %add3A_789 : vector<1024x128xf32>
      %dot_general3A_791 = arith.constant dense<0.000000e+00> : vector<1024x128xf32>
      %dot_general3A_792 = tpu.matmul %log3A_790, %get3A_104, %dot_general3A_791 {dimension_numbers = #tpu.dot_dimension_numbers<[1], [0], [0], [1], [0, 0, 1, 1], [], []>, transpose_lhs_hint = false} : vector<1024x128xf32>, vector<128x128xf32>, vector<1024x128xf32> -> vector<1024x128xf32>
      %add3A_793 = vector.broadcast %get3A_107 : vector<1x128xf32> to vector<1024x128xf32>
      %add3A_794 = arith.addf %dot_general3A_792, %add3A_793 : vector<1024x128xf32>
      %mul3A_795 = vector.broadcast %concatenate3A_778 : vector<1024x1xf32> to vector<1024x128xf32>
      %mul3A_796 = arith.mulf %add3A_794, %mul3A_795 : vector<1024x128xf32>
      %mul3A_797 = arith.mulf %mul3A_796, %concatenate3A : vector<1024x128xf32>
      %reshape3A_798 = vector.shape_cast %mul3A_797 : vector<1024x128xf32> to vector<8x128x128xf32>
      %reduce_sum3A_799 = arith.constant dense<0.000000e+00> : vector<8x128xf32>
      %reduce_sum3A_800 = vector.multi_reduction <add>, %reshape3A_798, %reduce_sum3A_799 [1] : vector<8x128x128xf32> to vector<8x128xf32>
      %get3A_801 = arith.constant 80 : index
      %get3A_802 = arith.constant 0 : index
      %get3A_803 = vector.load %arg17[%get3A_801, %get3A_802] : memref<128x128xf32, #tpu.memory_space<vmem>>, vector<8x128xf32>
      %add3A_804 = arith.addf %get3A_803, %reduce_sum3A_800 : vector<8x128xf32>
      %swap3A_805 = arith.constant 80 : index
      %swap3A_806 = arith.constant 0 : index
      %swap3A_807 = vector.load %arg17[%swap3A_805, %swap3A_806] : memref<128x128xf32, #tpu.memory_space<vmem>>, vector<8x128xf32>
      tpu.vector_store %arg17[%swap3A_805, %swap3A_806], %add3A_804 {strides = array<i32>} : memref<128x128xf32, #tpu.memory_space<vmem>>, vector<8x128xf32>,
      %slice3A_808 = vector.extract_strided_slice %transpose3A_216 {offsets = [88, 0], sizes = [1, 128], strides = [1, 1]} : vector<128x128xf32> to vector<1x128xf32>
      %slice3A_809 = vector.extract_strided_slice %transpose3A_216 {offsets = [89, 0], sizes = [1, 128], strides = [1, 1]} : vector<128x128xf32> to vector<1x128xf32>
      %slice3A_810 = vector.extract_strided_slice %transpose3A_216 {offsets = [90, 0], sizes = [1, 128], strides = [1, 1]} : vector<128x128xf32> to vector<1x128xf32>
      %slice3A_811 = vector.extract_strided_slice %transpose3A_216 {offsets = [91, 0], sizes = [1, 128], strides = [1, 1]} : vector<128x128xf32> to vector<1x128xf32>
      %slice3A_812 = vector.extract_strided_slice %transpose3A_216 {offsets = [92, 0], sizes = [1, 128], strides = [1, 1]} : vector<128x128xf32> to vector<1x128xf32>
      %slice3A_813 = vector.extract_strided_slice %transpose3A_216 {offsets = [93, 0], sizes = [1, 128], strides = [1, 1]} : vector<128x128xf32> to vector<1x128xf32>
      %slice3A_814 = vector.extract_strided_slice %transpose3A_216 {offsets = [94, 0], sizes = [1, 128], strides = [1, 1]} : vector<128x128xf32> to vector<1x128xf32>
      %slice3A_815 = vector.extract_strided_slice %transpose3A_216 {offsets = [95, 0], sizes = [1, 128], strides = [1, 1]} : vector<128x128xf32> to vector<1x128xf32>
      %concatenate3A_816 = tpu.concatenate %slice3A_808, %slice3A_809, %slice3A_810, %slice3A_811, %slice3A_812, %slice3A_813, %slice3A_814, %slice3A_815 in 1 : vector<1x128xf32>, vector<1x128xf32>, vector<1x128xf32>, vector<1x128xf32>, vector<1x128xf32>, vector<1x128xf32>, vector<1x128xf32>, vector<1x128xf32> -> vector<1x1024xf32>
      %sub3A_817 = vector.broadcast %concatenate3A_816 : vector<1x1024xf32> to vector<50x1024xf32>
      %sub3A_818 = vector.broadcast %transpose3A : vector<50x1xf32> to vector<50x1024xf32>
      %sub3A_819 = arith.subf %sub3A_817, %sub3A_818 : vector<50x1024xf32>
      %integer_pow3A_820 = arith.mulf %sub3A_819, %sub3A_819 : vector<50x1024xf32>
      %mul3A_821 = vector.broadcast %get3A_2 : f32 to vector<50x1024xf32>
      %mul3A_822 = arith.mulf %mul3A_821, %integer_pow3A_820 : vector<50x1024xf32>
      %exp3A_823 = math.exp %mul3A_822 : vector<50x1024xf32>
      %slice3A_824 = vector.extract_strided_slice %select_n3A_208 {offsets = [0, 88], sizes = [128, 1], strides = [1, 1]} : vector<128x128xf32> to vector<128x1xf32>
      %slice3A_825 = vector.extract_strided_slice %select_n3A_208 {offsets = [0, 89], sizes = [128, 1], strides = [1, 1]} : vector<128x128xf32> to vector<128x1xf32>
      %slice3A_826 = vector.extract_strided_slice %select_n3A_208 {offsets = [0, 90], sizes = [128, 1], strides = [1, 1]} : vector<128x128xf32> to vector<128x1xf32>
      %slice3A_827 = vector.extract_strided_slice %select_n3A_208 {offsets = [0, 91], sizes = [128, 1], strides = [1, 1]} : vector<128x128xf32> to vector<128x1xf32>
      %slice3A_828 = vector.extract_strided_slice %select_n3A_208 {offsets = [0, 92], sizes = [128, 1], strides = [1, 1]} : vector<128x128xf32> to vector<128x1xf32>
      %slice3A_829 = vector.extract_strided_slice %select_n3A_208 {offsets = [0, 93], sizes = [128, 1], strides = [1, 1]} : vector<128x128xf32> to vector<128x1xf32>
      %slice3A_830 = vector.extract_strided_slice %select_n3A_208 {offsets = [0, 94], sizes = [128, 1], strides = [1, 1]} : vector<128x128xf32> to vector<128x1xf32>
      %slice3A_831 = vector.extract_strided_slice %select_n3A_208 {offsets = [0, 95], sizes = [128, 1], strides = [1, 1]} : vector<128x128xf32> to vector<128x1xf32>
      %concatenate3A_832 = tpu.concatenate %slice3A_824, %slice3A_825, %slice3A_826, %slice3A_827, %slice3A_828, %slice3A_829, %slice3A_830, %slice3A_831 in 0 : vector<128x1xf32>, vector<128x1xf32>, vector<128x1xf32>, vector<128x1xf32>, vector<128x1xf32>, vector<128x1xf32>, vector<128x1xf32>, vector<128x1xf32> -> vector<1024x1xf32>
      %dot_general3A_833 = arith.constant dense<0.000000e+00> : vector<1024x128xf32>
      %dot_general3A_834 = tpu.matmul %exp3A_823, %get3A_98, %dot_general3A_833 {dimension_numbers = #tpu.dot_dimension_numbers<[0], [0], [1], [1], [0, 1, 1, 1], [], []>, transpose_lhs_hint = false} : vector<50x1024xf32>, vector<50x128xf32>, vector<1024x128xf32> -> vector<1024x128xf32>
      %add3A_835 = vector.broadcast %get3A_101 : vector<1x128xf32> to vector<1024x128xf32>
      %add3A_836 = arith.addf %dot_general3A_834, %add3A_835 : vector<1024x128xf32>
      %exp3A_837 = math.exp %add3A_836 : vector<1024x128xf32>
      %mul3A_838 = arith.constant 5.000000e-01 : f32
      %mul3A_839 = vector.broadcast %mul3A_838 : f32 to vector<1024x128xf32>
      %mul3A_840 = arith.mulf %mul3A_839, %exp3A_837 : vector<1024x128xf32>
      %add3A_841 = arith.constant 5.000000e-01 : f32
      %add3A_842 = vector.broadcast %add3A_841 : f32 to vector<1024x128xf32>
      %add3A_843 = arith.addf %add3A_842, %mul3A_840 : vector<1024x128xf32>
      %log3A_844 = math.log %add3A_843 : vector<1024x128xf32>
      %dot_general3A_845 = arith.constant dense<0.000000e+00> : vector<1024x128xf32>
      %dot_general3A_846 = tpu.matmul %log3A_844, %get3A_104, %dot_general3A_845 {dimension_numbers = #tpu.dot_dimension_numbers<[1], [0], [0], [1], [0, 0, 1, 1], [], []>, transpose_lhs_hint = false} : vector<1024x128xf32>, vector<128x128xf32>, vector<1024x128xf32> -> vector<1024x128xf32>
      %add3A_847 = vector.broadcast %get3A_107 : vector<1x128xf32> to vector<1024x128xf32>
      %add3A_848 = arith.addf %dot_general3A_846, %add3A_847 : vector<1024x128xf32>
      %mul3A_849 = vector.broadcast %concatenate3A_832 : vector<1024x1xf32> to vector<1024x128xf32>
      %mul3A_850 = arith.mulf %add3A_848, %mul3A_849 : vector<1024x128xf32>
      %mul3A_851 = arith.mulf %mul3A_850, %concatenate3A : vector<1024x128xf32>
      %reshape3A_852 = vector.shape_cast %mul3A_851 : vector<1024x128xf32> to vector<8x128x128xf32>
      %reduce_sum3A_853 = arith.constant dense<0.000000e+00> : vector<8x128xf32>
      %reduce_sum3A_854 = vector.multi_reduction <add>, %reshape3A_852, %reduce_sum3A_853 [1] : vector<8x128x128xf32> to vector<8x128xf32>
      %get3A_855 = arith.constant 88 : index
      %get3A_856 = arith.constant 0 : index
      %get3A_857 = vector.load %arg17[%get3A_855, %get3A_856] : memref<128x128xf32, #tpu.memory_space<vmem>>, vector<8x128xf32>
      %add3A_858 = arith.addf %get3A_857, %reduce_sum3A_854 : vector<8x128xf32>
      %swap3A_859 = arith.constant 88 : index
      %swap3A_860 = arith.constant 0 : index
      %swap3A_861 = vector.load %arg17[%swap3A_859, %swap3A_860] : memref<128x128xf32, #tpu.memory_space<vmem>>, vector<8x128xf32>
      tpu.vector_store %arg17[%swap3A_859, %swap3A_860], %add3A_858 {strides = array<i32>} : memref<128x128xf32, #tpu.memory_space<vmem>>, vector<8x128xf32>,
      %slice3A_862 = vector.extract_strided_slice %transpose3A_216 {offsets = [96, 0], sizes = [1, 128], strides = [1, 1]} : vector<128x128xf32> to vector<1x128xf32>
      %slice3A_863 = vector.extract_strided_slice %transpose3A_216 {offsets = [97, 0], sizes = [1, 128], strides = [1, 1]} : vector<128x128xf32> to vector<1x128xf32>
      %slice3A_864 = vector.extract_strided_slice %transpose3A_216 {offsets = [98, 0], sizes = [1, 128], strides = [1, 1]} : vector<128x128xf32> to vector<1x128xf32>
      %slice3A_865 = vector.extract_strided_slice %transpose3A_216 {offsets = [99, 0], sizes = [1, 128], strides = [1, 1]} : vector<128x128xf32> to vector<1x128xf32>
      %slice3A_866 = vector.extract_strided_slice %transpose3A_216 {offsets = [100, 0], sizes = [1, 128], strides = [1, 1]} : vector<128x128xf32> to vector<1x128xf32>
      %slice3A_867 = vector.extract_strided_slice %transpose3A_216 {offsets = [101, 0], sizes = [1, 128], strides = [1, 1]} : vector<128x128xf32> to vector<1x128xf32>
      %slice3A_868 = vector.extract_strided_slice %transpose3A_216 {offsets = [102, 0], sizes = [1, 128], strides = [1, 1]} : vector<128x128xf32> to vector<1x128xf32>
      %slice3A_869 = vector.extract_strided_slice %transpose3A_216 {offsets = [103, 0], sizes = [1, 128], strides = [1, 1]} : vector<128x128xf32> to vector<1x128xf32>
      %concatenate3A_870 = tpu.concatenate %slice3A_862, %slice3A_863, %slice3A_864, %slice3A_865, %slice3A_866, %slice3A_867, %slice3A_868, %slice3A_869 in 1 : vector<1x128xf32>, vector<1x128xf32>, vector<1x128xf32>, vector<1x128xf32>, vector<1x128xf32>, vector<1x128xf32>, vector<1x128xf32>, vector<1x128xf32> -> vector<1x1024xf32>
      %sub3A_871 = vector.broadcast %concatenate3A_870 : vector<1x1024xf32> to vector<50x1024xf32>
      %sub3A_872 = vector.broadcast %transpose3A : vector<50x1xf32> to vector<50x1024xf32>
      %sub3A_873 = arith.subf %sub3A_871, %sub3A_872 : vector<50x1024xf32>
      %integer_pow3A_874 = arith.mulf %sub3A_873, %sub3A_873 : vector<50x1024xf32>
      %mul3A_875 = vector.broadcast %get3A_2 : f32 to vector<50x1024xf32>
      %mul3A_876 = arith.mulf %mul3A_875, %integer_pow3A_874 : vector<50x1024xf32>
      %exp3A_877 = math.exp %mul3A_876 : vector<50x1024xf32>
      %slice3A_878 = vector.extract_strided_slice %select_n3A_208 {offsets = [0, 96], sizes = [128, 1], strides = [1, 1]} : vector<128x128xf32> to vector<128x1xf32>
      %slice3A_879 = vector.extract_strided_slice %select_n3A_208 {offsets = [0, 97], sizes = [128, 1], strides = [1, 1]} : vector<128x128xf32> to vector<128x1xf32>
      %slice3A_880 = vector.extract_strided_slice %select_n3A_208 {offsets = [0, 98], sizes = [128, 1], strides = [1, 1]} : vector<128x128xf32> to vector<128x1xf32>
      %slice3A_881 = vector.extract_strided_slice %select_n3A_208 {offsets = [0, 99], sizes = [128, 1], strides = [1, 1]} : vector<128x128xf32> to vector<128x1xf32>
      %slice3A_882 = vector.extract_strided_slice %select_n3A_208 {offsets = [0, 100], sizes = [128, 1], strides = [1, 1]} : vector<128x128xf32> to vector<128x1xf32>
      %slice3A_883 = vector.extract_strided_slice %select_n3A_208 {offsets = [0, 101], sizes = [128, 1], strides = [1, 1]} : vector<128x128xf32> to vector<128x1xf32>
      %slice3A_884 = vector.extract_strided_slice %select_n3A_208 {offsets = [0, 102], sizes = [128, 1], strides = [1, 1]} : vector<128x128xf32> to vector<128x1xf32>
      %slice3A_885 = vector.extract_strided_slice %select_n3A_208 {offsets = [0, 103], sizes = [128, 1], strides = [1, 1]} : vector<128x128xf32> to vector<128x1xf32>
      %concatenate3A_886 = tpu.concatenate %slice3A_878, %slice3A_879, %slice3A_880, %slice3A_881, %slice3A_882, %slice3A_883, %slice3A_884, %slice3A_885 in 0 : vector<128x1xf32>, vector<128x1xf32>, vector<128x1xf32>, vector<128x1xf32>, vector<128x1xf32>, vector<128x1xf32>, vector<128x1xf32>, vector<128x1xf32> -> vector<1024x1xf32>
      %dot_general3A_887 = arith.constant dense<0.000000e+00> : vector<1024x128xf32>
      %dot_general3A_888 = tpu.matmul %exp3A_877, %get3A_98, %dot_general3A_887 {dimension_numbers = #tpu.dot_dimension_numbers<[0], [0], [1], [1], [0, 1, 1, 1], [], []>, transpose_lhs_hint = false} : vector<50x1024xf32>, vector<50x128xf32>, vector<1024x128xf32> -> vector<1024x128xf32>
      %add3A_889 = vector.broadcast %get3A_101 : vector<1x128xf32> to vector<1024x128xf32>
      %add3A_890 = arith.addf %dot_general3A_888, %add3A_889 : vector<1024x128xf32>
      %exp3A_891 = math.exp %add3A_890 : vector<1024x128xf32>
      %mul3A_892 = arith.constant 5.000000e-01 : f32
      %mul3A_893 = vector.broadcast %mul3A_892 : f32 to vector<1024x128xf32>
      %mul3A_894 = arith.mulf %mul3A_893, %exp3A_891 : vector<1024x128xf32>
      %add3A_895 = arith.constant 5.000000e-01 : f32
      %add3A_896 = vector.broadcast %add3A_895 : f32 to vector<1024x128xf32>
      %add3A_897 = arith.addf %add3A_896, %mul3A_894 : vector<1024x128xf32>
      %log3A_898 = math.log %add3A_897 : vector<1024x128xf32>
      %dot_general3A_899 = arith.constant dense<0.000000e+00> : vector<1024x128xf32>
      %dot_general3A_900 = tpu.matmul %log3A_898, %get3A_104, %dot_general3A_899 {dimension_numbers = #tpu.dot_dimension_numbers<[1], [0], [0], [1], [0, 0, 1, 1], [], []>, transpose_lhs_hint = false} : vector<1024x128xf32>, vector<128x128xf32>, vector<1024x128xf32> -> vector<1024x128xf32>
      %add3A_901 = vector.broadcast %get3A_107 : vector<1x128xf32> to vector<1024x128xf32>
      %add3A_902 = arith.addf %dot_general3A_900, %add3A_901 : vector<1024x128xf32>
      %mul3A_903 = vector.broadcast %concatenate3A_886 : vector<1024x1xf32> to vector<1024x128xf32>
      %mul3A_904 = arith.mulf %add3A_902, %mul3A_903 : vector<1024x128xf32>
      %mul3A_905 = arith.mulf %mul3A_904, %concatenate3A : vector<1024x128xf32>
      %reshape3A_906 = vector.shape_cast %mul3A_905 : vector<1024x128xf32> to vector<8x128x128xf32>
      %reduce_sum3A_907 = arith.constant dense<0.000000e+00> : vector<8x128xf32>
      %reduce_sum3A_908 = vector.multi_reduction <add>, %reshape3A_906, %reduce_sum3A_907 [1] : vector<8x128x128xf32> to vector<8x128xf32>
      %get3A_909 = arith.constant 96 : index
      %get3A_910 = arith.constant 0 : index
      %get3A_911 = vector.load %arg17[%get3A_909, %get3A_910] : memref<128x128xf32, #tpu.memory_space<vmem>>, vector<8x128xf32>
      %add3A_912 = arith.addf %get3A_911, %reduce_sum3A_908 : vector<8x128xf32>
      %swap3A_913 = arith.constant 96 : index
      %swap3A_914 = arith.constant 0 : index
      %swap3A_915 = vector.load %arg17[%swap3A_913, %swap3A_914] : memref<128x128xf32, #tpu.memory_space<vmem>>, vector<8x128xf32>
      tpu.vector_store %arg17[%swap3A_913, %swap3A_914], %add3A_912 {strides = array<i32>} : memref<128x128xf32, #tpu.memory_space<vmem>>, vector<8x128xf32>,
      %slice3A_916 = vector.extract_strided_slice %transpose3A_216 {offsets = [104, 0], sizes = [1, 128], strides = [1, 1]} : vector<128x128xf32> to vector<1x128xf32>
      %slice3A_917 = vector.extract_strided_slice %transpose3A_216 {offsets = [105, 0], sizes = [1, 128], strides = [1, 1]} : vector<128x128xf32> to vector<1x128xf32>
      %slice3A_918 = vector.extract_strided_slice %transpose3A_216 {offsets = [106, 0], sizes = [1, 128], strides = [1, 1]} : vector<128x128xf32> to vector<1x128xf32>
      %slice3A_919 = vector.extract_strided_slice %transpose3A_216 {offsets = [107, 0], sizes = [1, 128], strides = [1, 1]} : vector<128x128xf32> to vector<1x128xf32>
      %slice3A_920 = vector.extract_strided_slice %transpose3A_216 {offsets = [108, 0], sizes = [1, 128], strides = [1, 1]} : vector<128x128xf32> to vector<1x128xf32>
      %slice3A_921 = vector.extract_strided_slice %transpose3A_216 {offsets = [109, 0], sizes = [1, 128], strides = [1, 1]} : vector<128x128xf32> to vector<1x128xf32>
      %slice3A_922 = vector.extract_strided_slice %transpose3A_216 {offsets = [110, 0], sizes = [1, 128], strides = [1, 1]} : vector<128x128xf32> to vector<1x128xf32>
      %slice3A_923 = vector.extract_strided_slice %transpose3A_216 {offsets = [111, 0], sizes = [1, 128], strides = [1, 1]} : vector<128x128xf32> to vector<1x128xf32>
      %concatenate3A_924 = tpu.concatenate %slice3A_916, %slice3A_917, %slice3A_918, %slice3A_919, %slice3A_920, %slice3A_921, %slice3A_922, %slice3A_923 in 1 : vector<1x128xf32>, vector<1x128xf32>, vector<1x128xf32>, vector<1x128xf32>, vector<1x128xf32>, vector<1x128xf32>, vector<1x128xf32>, vector<1x128xf32> -> vector<1x1024xf32>
      %sub3A_925 = vector.broadcast %concatenate3A_924 : vector<1x1024xf32> to vector<50x1024xf32>
      %sub3A_926 = vector.broadcast %transpose3A : vector<50x1xf32> to vector<50x1024xf32>
      %sub3A_927 = arith.subf %sub3A_925, %sub3A_926 : vector<50x1024xf32>
      %integer_pow3A_928 = arith.mulf %sub3A_927, %sub3A_927 : vector<50x1024xf32>
      %mul3A_929 = vector.broadcast %get3A_2 : f32 to vector<50x1024xf32>
      %mul3A_930 = arith.mulf %mul3A_929, %integer_pow3A_928 : vector<50x1024xf32>
      %exp3A_931 = math.exp %mul3A_930 : vector<50x1024xf32>
      %slice3A_932 = vector.extract_strided_slice %select_n3A_208 {offsets = [0, 104], sizes = [128, 1], strides = [1, 1]} : vector<128x128xf32> to vector<128x1xf32>
      %slice3A_933 = vector.extract_strided_slice %select_n3A_208 {offsets = [0, 105], sizes = [128, 1], strides = [1, 1]} : vector<128x128xf32> to vector<128x1xf32>
      %slice3A_934 = vector.extract_strided_slice %select_n3A_208 {offsets = [0, 106], sizes = [128, 1], strides = [1, 1]} : vector<128x128xf32> to vector<128x1xf32>
      %slice3A_935 = vector.extract_strided_slice %select_n3A_208 {offsets = [0, 107], sizes = [128, 1], strides = [1, 1]} : vector<128x128xf32> to vector<128x1xf32>
      %slice3A_936 = vector.extract_strided_slice %select_n3A_208 {offsets = [0, 108], sizes = [128, 1], strides = [1, 1]} : vector<128x128xf32> to vector<128x1xf32>
      %slice3A_937 = vector.extract_strided_slice %select_n3A_208 {offsets = [0, 109], sizes = [128, 1], strides = [1, 1]} : vector<128x128xf32> to vector<128x1xf32>
      %slice3A_938 = vector.extract_strided_slice %select_n3A_208 {offsets = [0, 110], sizes = [128, 1], strides = [1, 1]} : vector<128x128xf32> to vector<128x1xf32>
      %slice3A_939 = vector.extract_strided_slice %select_n3A_208 {offsets = [0, 111], sizes = [128, 1], strides = [1, 1]} : vector<128x128xf32> to vector<128x1xf32>
      %concatenate3A_940 = tpu.concatenate %slice3A_932, %slice3A_933, %slice3A_934, %slice3A_935, %slice3A_936, %slice3A_937, %slice3A_938, %slice3A_939 in 0 : vector<128x1xf32>, vector<128x1xf32>, vector<128x1xf32>, vector<128x1xf32>, vector<128x1xf32>, vector<128x1xf32>, vector<128x1xf32>, vector<128x1xf32> -> vector<1024x1xf32>
      %dot_general3A_941 = arith.constant dense<0.000000e+00> : vector<1024x128xf32>
      %dot_general3A_942 = tpu.matmul %exp3A_931, %get3A_98, %dot_general3A_941 {dimension_numbers = #tpu.dot_dimension_numbers<[0], [0], [1], [1], [0, 1, 1, 1], [], []>, transpose_lhs_hint = false} : vector<50x1024xf32>, vector<50x128xf32>, vector<1024x128xf32> -> vector<1024x128xf32>
      %add3A_943 = vector.broadcast %get3A_101 : vector<1x128xf32> to vector<1024x128xf32>
      %add3A_944 = arith.addf %dot_general3A_942, %add3A_943 : vector<1024x128xf32>
      %exp3A_945 = math.exp %add3A_944 : vector<1024x128xf32>
      %mul3A_946 = arith.constant 5.000000e-01 : f32
      %mul3A_947 = vector.broadcast %mul3A_946 : f32 to vector<1024x128xf32>
      %mul3A_948 = arith.mulf %mul3A_947, %exp3A_945 : vector<1024x128xf32>
      %add3A_949 = arith.constant 5.000000e-01 : f32
      %add3A_950 = vector.broadcast %add3A_949 : f32 to vector<1024x128xf32>
      %add3A_951 = arith.addf %add3A_950, %mul3A_948 : vector<1024x128xf32>
      %log3A_952 = math.log %add3A_951 : vector<1024x128xf32>
      %dot_general3A_953 = arith.constant dense<0.000000e+00> : vector<1024x128xf32>
      %dot_general3A_954 = tpu.matmul %log3A_952, %get3A_104, %dot_general3A_953 {dimension_numbers = #tpu.dot_dimension_numbers<[1], [0], [0], [1], [0, 0, 1, 1], [], []>, transpose_lhs_hint = false} : vector<1024x128xf32>, vector<128x128xf32>, vector<1024x128xf32> -> vector<1024x128xf32>
      %add3A_955 = vector.broadcast %get3A_107 : vector<1x128xf32> to vector<1024x128xf32>
      %add3A_956 = arith.addf %dot_general3A_954, %add3A_955 : vector<1024x128xf32>
      %mul3A_957 = vector.broadcast %concatenate3A_940 : vector<1024x1xf32> to vector<1024x128xf32>
      %mul3A_958 = arith.mulf %add3A_956, %mul3A_957 : vector<1024x128xf32>
      %mul3A_959 = arith.mulf %mul3A_958, %concatenate3A : vector<1024x128xf32>
      %reshape3A_960 = vector.shape_cast %mul3A_959 : vector<1024x128xf32> to vector<8x128x128xf32>
      %reduce_sum3A_961 = arith.constant dense<0.000000e+00> : vector<8x128xf32>
      %reduce_sum3A_962 = vector.multi_reduction <add>, %reshape3A_960, %reduce_sum3A_961 [1] : vector<8x128x128xf32> to vector<8x128xf32>
      %get3A_963 = arith.constant 104 : index
      %get3A_964 = arith.constant 0 : index
      %get3A_965 = vector.load %arg17[%get3A_963, %get3A_964] : memref<128x128xf32, #tpu.memory_space<vmem>>, vector<8x128xf32>
      %add3A_966 = arith.addf %get3A_965, %reduce_sum3A_962 : vector<8x128xf32>
      %swap3A_967 = arith.constant 104 : index
      %swap3A_968 = arith.constant 0 : index
      %swap3A_969 = vector.load %arg17[%swap3A_967, %swap3A_968] : memref<128x128xf32, #tpu.memory_space<vmem>>, vector<8x128xf32>
      tpu.vector_store %arg17[%swap3A_967, %swap3A_968], %add3A_966 {strides = array<i32>} : memref<128x128xf32, #tpu.memory_space<vmem>>, vector<8x128xf32>,
      %slice3A_970 = vector.extract_strided_slice %transpose3A_216 {offsets = [112, 0], sizes = [1, 128], strides = [1, 1]} : vector<128x128xf32> to vector<1x128xf32>
      %slice3A_971 = vector.extract_strided_slice %transpose3A_216 {offsets = [113, 0], sizes = [1, 128], strides = [1, 1]} : vector<128x128xf32> to vector<1x128xf32>
      %slice3A_972 = vector.extract_strided_slice %transpose3A_216 {offsets = [114, 0], sizes = [1, 128], strides = [1, 1]} : vector<128x128xf32> to vector<1x128xf32>
      %slice3A_973 = vector.extract_strided_slice %transpose3A_216 {offsets = [115, 0], sizes = [1, 128], strides = [1, 1]} : vector<128x128xf32> to vector<1x128xf32>
      %slice3A_974 = vector.extract_strided_slice %transpose3A_216 {offsets = [116, 0], sizes = [1, 128], strides = [1, 1]} : vector<128x128xf32> to vector<1x128xf32>
      %slice3A_975 = vector.extract_strided_slice %transpose3A_216 {offsets = [117, 0], sizes = [1, 128], strides = [1, 1]} : vector<128x128xf32> to vector<1x128xf32>
      %slice3A_976 = vector.extract_strided_slice %transpose3A_216 {offsets = [118, 0], sizes = [1, 128], strides = [1, 1]} : vector<128x128xf32> to vector<1x128xf32>
      %slice3A_977 = vector.extract_strided_slice %transpose3A_216 {offsets = [119, 0], sizes = [1, 128], strides = [1, 1]} : vector<128x128xf32> to vector<1x128xf32>
      %concatenate3A_978 = tpu.concatenate %slice3A_970, %slice3A_971, %slice3A_972, %slice3A_973, %slice3A_974, %slice3A_975, %slice3A_976, %slice3A_977 in 1 : vector<1x128xf32>, vector<1x128xf32>, vector<1x128xf32>, vector<1x128xf32>, vector<1x128xf32>, vector<1x128xf32>, vector<1x128xf32>, vector<1x128xf32> -> vector<1x1024xf32>
      %sub3A_979 = vector.broadcast %concatenate3A_978 : vector<1x1024xf32> to vector<50x1024xf32>
      %sub3A_980 = vector.broadcast %transpose3A : vector<50x1xf32> to vector<50x1024xf32>
      %sub3A_981 = arith.subf %sub3A_979, %sub3A_980 : vector<50x1024xf32>
      %integer_pow3A_982 = arith.mulf %sub3A_981, %sub3A_981 : vector<50x1024xf32>
      %mul3A_983 = vector.broadcast %get3A_2 : f32 to vector<50x1024xf32>
      %mul3A_984 = arith.mulf %mul3A_983, %integer_pow3A_982 : vector<50x1024xf32>
      %exp3A_985 = math.exp %mul3A_984 : vector<50x1024xf32>
      %slice3A_986 = vector.extract_strided_slice %select_n3A_208 {offsets = [0, 112], sizes = [128, 1], strides = [1, 1]} : vector<128x128xf32> to vector<128x1xf32>
      %slice3A_987 = vector.extract_strided_slice %select_n3A_208 {offsets = [0, 113], sizes = [128, 1], strides = [1, 1]} : vector<128x128xf32> to vector<128x1xf32>
      %slice3A_988 = vector.extract_strided_slice %select_n3A_208 {offsets = [0, 114], sizes = [128, 1], strides = [1, 1]} : vector<128x128xf32> to vector<128x1xf32>
      %slice3A_989 = vector.extract_strided_slice %select_n3A_208 {offsets = [0, 115], sizes = [128, 1], strides = [1, 1]} : vector<128x128xf32> to vector<128x1xf32>
      %slice3A_990 = vector.extract_strided_slice %select_n3A_208 {offsets = [0, 116], sizes = [128, 1], strides = [1, 1]} : vector<128x128xf32> to vector<128x1xf32>
      %slice3A_991 = vector.extract_strided_slice %select_n3A_208 {offsets = [0, 117], sizes = [128, 1], strides = [1, 1]} : vector<128x128xf32> to vector<128x1xf32>
      %slice3A_992 = vector.extract_strided_slice %select_n3A_208 {offsets = [0, 118], sizes = [128, 1], strides = [1, 1]} : vector<128x128xf32> to vector<128x1xf32>
      %slice3A_993 = vector.extract_strided_slice %select_n3A_208 {offsets = [0, 119], sizes = [128, 1], strides = [1, 1]} : vector<128x128xf32> to vector<128x1xf32>
      %concatenate3A_994 = tpu.concatenate %slice3A_986, %slice3A_987, %slice3A_988, %slice3A_989, %slice3A_990, %slice3A_991, %slice3A_992, %slice3A_993 in 0 : vector<128x1xf32>, vector<128x1xf32>, vector<128x1xf32>, vector<128x1xf32>, vector<128x1xf32>, vector<128x1xf32>, vector<128x1xf32>, vector<128x1xf32> -> vector<1024x1xf32>
      %dot_general3A_995 = arith.constant dense<0.000000e+00> : vector<1024x128xf32>
      %dot_general3A_996 = tpu.matmul %exp3A_985, %get3A_98, %dot_general3A_995 {dimension_numbers = #tpu.dot_dimension_numbers<[0], [0], [1], [1], [0, 1, 1, 1], [], []>, transpose_lhs_hint = false} : vector<50x1024xf32>, vector<50x128xf32>, vector<1024x128xf32> -> vector<1024x128xf32>
      %add3A_997 = vector.broadcast %get3A_101 : vector<1x128xf32> to vector<1024x128xf32>
      %add3A_998 = arith.addf %dot_general3A_996, %add3A_997 : vector<1024x128xf32>
      %exp3A_999 = math.exp %add3A_998 : vector<1024x128xf32>
      %mul3A_1000 = arith.constant 5.000000e-01 : f32
      %mul3A_1001 = vector.broadcast %mul3A_1000 : f32 to vector<1024x128xf32>
      %mul3A_1002 = arith.mulf %mul3A_1001, %exp3A_999 : vector<1024x128xf32>
      %add3A_1003 = arith.constant 5.000000e-01 : f32
      %add3A_1004 = vector.broadcast %add3A_1003 : f32 to vector<1024x128xf32>
      %add3A_1005 = arith.addf %add3A_1004, %mul3A_1002 : vector<1024x128xf32>
      %log3A_1006 = math.log %add3A_1005 : vector<1024x128xf32>
      %dot_general3A_1007 = arith.constant dense<0.000000e+00> : vector<1024x128xf32>
      %dot_general3A_1008 = tpu.matmul %log3A_1006, %get3A_104, %dot_general3A_1007 {dimension_numbers = #tpu.dot_dimension_numbers<[1], [0], [0], [1], [0, 0, 1, 1], [], []>, transpose_lhs_hint = false} : vector<1024x128xf32>, vector<128x128xf32>, vector<1024x128xf32> -> vector<1024x128xf32>
      %add3A_1009 = vector.broadcast %get3A_107 : vector<1x128xf32> to vector<1024x128xf32>
      %add3A_1010 = arith.addf %dot_general3A_1008, %add3A_1009 : vector<1024x128xf32>
      %mul3A_1011 = vector.broadcast %concatenate3A_994 : vector<1024x1xf32> to vector<1024x128xf32>
      %mul3A_1012 = arith.mulf %add3A_1010, %mul3A_1011 : vector<1024x128xf32>
      %mul3A_1013 = arith.mulf %mul3A_1012, %concatenate3A : vector<1024x128xf32>
      %reshape3A_1014 = vector.shape_cast %mul3A_1013 : vector<1024x128xf32> to vector<8x128x128xf32>
      %reduce_sum3A_1015 = arith.constant dense<0.000000e+00> : vector<8x128xf32>
      %reduce_sum3A_1016 = vector.multi_reduction <add>, %reshape3A_1014, %reduce_sum3A_1015 [1] : vector<8x128x128xf32> to vector<8x128xf32>
      %get3A_1017 = arith.constant 112 : index
      %get3A_1018 = arith.constant 0 : index
      %get3A_1019 = vector.load %arg17[%get3A_1017, %get3A_1018] : memref<128x128xf32, #tpu.memory_space<vmem>>, vector<8x128xf32>
      %add3A_1020 = arith.addf %get3A_1019, %reduce_sum3A_1016 : vector<8x128xf32>
      %swap3A_1021 = arith.constant 112 : index
      %swap3A_1022 = arith.constant 0 : index
      %swap3A_1023 = vector.load %arg17[%swap3A_1021, %swap3A_1022] : memref<128x128xf32, #tpu.memory_space<vmem>>, vector<8x128xf32>
      tpu.vector_store %arg17[%swap3A_1021, %swap3A_1022], %add3A_1020 {strides = array<i32>} : memref<128x128xf32, #tpu.memory_space<vmem>>, vector<8x128xf32>,
      %slice3A_1024 = vector.extract_strided_slice %transpose3A_216 {offsets = [120, 0], sizes = [1, 128], strides = [1, 1]} : vector<128x128xf32> to vector<1x128xf32>
      %slice3A_1025 = vector.extract_strided_slice %transpose3A_216 {offsets = [121, 0], sizes = [1, 128], strides = [1, 1]} : vector<128x128xf32> to vector<1x128xf32>
      %slice3A_1026 = vector.extract_strided_slice %transpose3A_216 {offsets = [122, 0], sizes = [1, 128], strides = [1, 1]} : vector<128x128xf32> to vector<1x128xf32>
      %slice3A_1027 = vector.extract_strided_slice %transpose3A_216 {offsets = [123, 0], sizes = [1, 128], strides = [1, 1]} : vector<128x128xf32> to vector<1x128xf32>
      %slice3A_1028 = vector.extract_strided_slice %transpose3A_216 {offsets = [124, 0], sizes = [1, 128], strides = [1, 1]} : vector<128x128xf32> to vector<1x128xf32>
      %slice3A_1029 = vector.extract_strided_slice %transpose3A_216 {offsets = [125, 0], sizes = [1, 128], strides = [1, 1]} : vector<128x128xf32> to vector<1x128xf32>
      %slice3A_1030 = vector.extract_strided_slice %transpose3A_216 {offsets = [126, 0], sizes = [1, 128], strides = [1, 1]} : vector<128x128xf32> to vector<1x128xf32>
      %slice3A_1031 = vector.extract_strided_slice %transpose3A_216 {offsets = [127, 0], sizes = [1, 128], strides = [1, 1]} : vector<128x128xf32> to vector<1x128xf32>
      %concatenate3A_1032 = tpu.concatenate %slice3A_1024, %slice3A_1025, %slice3A_1026, %slice3A_1027, %slice3A_1028, %slice3A_1029, %slice3A_1030, %slice3A_1031 in 1 : vector<1x128xf32>, vector<1x128xf32>, vector<1x128xf32>, vector<1x128xf32>, vector<1x128xf32>, vector<1x128xf32>, vector<1x128xf32>, vector<1x128xf32> -> vector<1x1024xf32>
      %sub3A_1033 = vector.broadcast %concatenate3A_1032 : vector<1x1024xf32> to vector<50x1024xf32>
      %sub3A_1034 = vector.broadcast %transpose3A : vector<50x1xf32> to vector<50x1024xf32>
      %sub3A_1035 = arith.subf %sub3A_1033, %sub3A_1034 : vector<50x1024xf32>
      %integer_pow3A_1036 = arith.mulf %sub3A_1035, %sub3A_1035 : vector<50x1024xf32>
      %mul3A_1037 = vector.broadcast %get3A_2 : f32 to vector<50x1024xf32>
      %mul3A_1038 = arith.mulf %mul3A_1037, %integer_pow3A_1036 : vector<50x1024xf32>
      %exp3A_1039 = math.exp %mul3A_1038 : vector<50x1024xf32>
      %slice3A_1040 = vector.extract_strided_slice %select_n3A_208 {offsets = [0, 120], sizes = [128, 1], strides = [1, 1]} : vector<128x128xf32> to vector<128x1xf32>
      %slice3A_1041 = vector.extract_strided_slice %select_n3A_208 {offsets = [0, 121], sizes = [128, 1], strides = [1, 1]} : vector<128x128xf32> to vector<128x1xf32>
      %slice3A_1042 = vector.extract_strided_slice %select_n3A_208 {offsets = [0, 122], sizes = [128, 1], strides = [1, 1]} : vector<128x128xf32> to vector<128x1xf32>
      %slice3A_1043 = vector.extract_strided_slice %select_n3A_208 {offsets = [0, 123], sizes = [128, 1], strides = [1, 1]} : vector<128x128xf32> to vector<128x1xf32>
      %slice3A_1044 = vector.extract_strided_slice %select_n3A_208 {offsets = [0, 124], sizes = [128, 1], strides = [1, 1]} : vector<128x128xf32> to vector<128x1xf32>
      %slice3A_1045 = vector.extract_strided_slice %select_n3A_208 {offsets = [0, 125], sizes = [128, 1], strides = [1, 1]} : vector<128x128xf32> to vector<128x1xf32>
      %slice3A_1046 = vector.extract_strided_slice %select_n3A_208 {offsets = [0, 126], sizes = [128, 1], strides = [1, 1]} : vector<128x128xf32> to vector<128x1xf32>
      %slice3A_1047 = vector.extract_strided_slice %select_n3A_208 {offsets = [0, 127], sizes = [128, 1], strides = [1, 1]} : vector<128x128xf32> to vector<128x1xf32>
      %concatenate3A_1048 = tpu.concatenate %slice3A_1040, %slice3A_1041, %slice3A_1042, %slice3A_1043, %slice3A_1044, %slice3A_1045, %slice3A_1046, %slice3A_1047 in 0 : vector<128x1xf32>, vector<128x1xf32>, vector<128x1xf32>, vector<128x1xf32>, vector<128x1xf32>, vector<128x1xf32>, vector<128x1xf32>, vector<128x1xf32> -> vector<1024x1xf32>
      %dot_general3A_1049 = arith.constant dense<0.000000e+00> : vector<1024x128xf32>
      %dot_general3A_1050 = tpu.matmul %exp3A_1039, %get3A_98, %dot_general3A_1049 {dimension_numbers = #tpu.dot_dimension_numbers<[0], [0], [1], [1], [0, 1, 1, 1], [], []>, transpose_lhs_hint = false} : vector<50x1024xf32>, vector<50x128xf32>, vector<1024x128xf32> -> vector<1024x128xf32>
      %add3A_1051 = vector.broadcast %get3A_101 : vector<1x128xf32> to vector<1024x128xf32>
      %add3A_1052 = arith.addf %dot_general3A_1050, %add3A_1051 : vector<1024x128xf32>
      %exp3A_1053 = math.exp %add3A_1052 : vector<1024x128xf32>
      %mul3A_1054 = arith.constant 5.000000e-01 : f32
      %mul3A_1055 = vector.broadcast %mul3A_1054 : f32 to vector<1024x128xf32>
      %mul3A_1056 = arith.mulf %mul3A_1055, %exp3A_1053 : vector<1024x128xf32>
      %add3A_1057 = arith.constant 5.000000e-01 : f32
      %add3A_1058 = vector.broadcast %add3A_1057 : f32 to vector<1024x128xf32>
      %add3A_1059 = arith.addf %add3A_1058, %mul3A_1056 : vector<1024x128xf32>
      %log3A_1060 = math.log %add3A_1059 : vector<1024x128xf32>
      %dot_general3A_1061 = arith.constant dense<0.000000e+00> : vector<1024x128xf32>
      %dot_general3A_1062 = tpu.matmul %log3A_1060, %get3A_104, %dot_general3A_1061 {dimension_numbers = #tpu.dot_dimension_numbers<[1], [0], [0], [1], [0, 0, 1, 1], [], []>, transpose_lhs_hint = false} : vector<1024x128xf32>, vector<128x128xf32>, vector<1024x128xf32> -> vector<1024x128xf32>
      %add3A_1063 = vector.broadcast %get3A_107 : vector<1x128xf32> to vector<1024x128xf32>
      %add3A_1064 = arith.addf %dot_general3A_1062, %add3A_1063 : vector<1024x128xf32>
      %mul3A_1065 = vector.broadcast %concatenate3A_1048 : vector<1024x1xf32> to vector<1024x128xf32>
      %mul3A_1066 = arith.mulf %add3A_1064, %mul3A_1065 : vector<1024x128xf32>
      %mul3A_1067 = arith.mulf %mul3A_1066, %concatenate3A : vector<1024x128xf32>
      %reshape3A_1068 = vector.shape_cast %mul3A_1067 : vector<1024x128xf32> to vector<8x128x128xf32>
      %reduce_sum3A_1069 = arith.constant dense<0.000000e+00> : vector<8x128xf32>
      %reduce_sum3A_1070 = vector.multi_reduction <add>, %reshape3A_1068, %reduce_sum3A_1069 [1] : vector<8x128x128xf32> to vector<8x128xf32>
      %get3A_1071 = arith.constant 120 : index
      %get3A_1072 = arith.constant 0 : index
      %get3A_1073 = vector.load %arg17[%get3A_1071, %get3A_1072] : memref<128x128xf32, #tpu.memory_space<vmem>>, vector<8x128xf32>
      %add3A_1074 = arith.addf %get3A_1073, %reduce_sum3A_1070 : vector<8x128xf32>
      %swap3A_1075 = arith.constant 120 : index
      %swap3A_1076 = arith.constant 0 : index
      %swap3A_1077 = vector.load %arg17[%swap3A_1075, %swap3A_1076] : memref<128x128xf32, #tpu.memory_space<vmem>>, vector<8x128xf32>
      tpu.vector_store %arg17[%swap3A_1075, %swap3A_1076], %add3A_1074 {strides = array<i32>} : memref<128x128xf32, #tpu.memory_space<vmem>>, vector<8x128xf32>,
    }
    %while3A_115 = arith.constant 1 : i32
    scf.for %while3A_153 = %while3A_113 to %while3A_109 step %while3A_115  : i32 {
      %mul3A_154 = arith.constant 128 : i32
      %mul3A_155 = arith.muli %while3A_153, %mul3A_154 : i32
      %get3A_156 = arith.index_cast %mul3A_155 : i32 to index
      %get3A_157 = arith.constant 0 : index
      %get3A_158 = vector.load %arg3[%get3A_156, %get3A_157] : memref<4096x8xf32, #tpu.memory_space<vmem>>, vector<128x8xf32>
      %mul3A_159 = arith.mulf %get3A_158, %get3A_158 : vector<128x8xf32>
      %reduce_sum3A_160 = arith.constant dense<0.000000e+00> : vector<128xf32>
      %reduce_sum3A_161 = vector.multi_reduction <add>, %mul3A_159, %reduce_sum3A_160 [1] : vector<128x8xf32> to vector<128xf32>
      %broadcast_in_dim3A_162 = vector.shape_cast %reduce_sum3A_161 : vector<128xf32> to vector<128x1xf32>
      %dot_general3A_163 = arith.constant dense<0.000000e+00> : vector<128x128xf32>
      %dot_general3A_164 = tpu.matmul %get3A_158, %transpose3A_10, %dot_general3A_163 {dimension_numbers = #tpu.dot_dimension_numbers<[1], [0], [0], [1], [0, 0, 1, 1], [], []>, precision = #tpu.contract_precision<fp32>, transpose_lhs_hint = false} : vector<128x8xf32>, vector<8x128xf32>, vector<128x128xf32> -> vector<128x128xf32>
      %add3A_165 = vector.broadcast %broadcast_in_dim3A_162 : vector<128x1xf32> to vector<128x128xf32>
      %add3A_166 = vector.broadcast %broadcast_in_dim3A : vector<1x128xf32> to vector<128x128xf32>
      %add3A_167 = arith.addf %add3A_165, %add3A_166 : vector<128x128xf32>
      %mul3A_168 = arith.constant 2.000000e+00 : f32
      %mul3A_169 = vector.broadcast %mul3A_168 : f32 to vector<128x128xf32>
      %mul3A_170 = arith.mulf %mul3A_169, %dot_general3A_164 : vector<128x128xf32>
      %sub3A_171 = arith.subf %add3A_167, %mul3A_170 : vector<128x128xf32>
      %max3A = arith.constant 0.000000e+00 : f32
      %max3A_172 = vector.broadcast %max3A : f32 to vector<128x128xf32>
      %max3A_173 = arith.maximumf %sub3A_171, %max3A_172 : vector<128x128xf32>
      %add3A_174 = arith.constant 9.99999996E-13 : f32
      %add3A_175 = vector.broadcast %add3A_174 : f32 to vector<128x128xf32>
      %add3A_176 = arith.addf %max3A_173, %add3A_175 : vector<128x128xf32>
      %sqrt3A = math.sqrt %add3A_176 : vector<128x128xf32>
      %mul3A_177 = arith.constant 128 : i32
      %mul3A_178 = arith.muli %while3A_153, %mul3A_177 : i32
      %get3A_179 = arith.index_cast %mul3A_178 : i32 to index
      %get3A_180 = arith.constant 0 : index
      %get3A_181 = vector.load %arg5[%get3A_179, %get3A_180] : memref<4096x1xi32, #tpu.memory_space<vmem>>, vector<128x1xi32>
      %mul3A_182 = arith.constant 128 : i32
      %mul3A_183 = arith.muli %while3A_153, %mul3A_182 : i32
      %iota3A_184 = tpu.iota {dimensions = array<i32: 0>} : vector<128x1xi32>
      %add3A_185 = vector.broadcast %mul3A_183 : i32 to vector<128x1xi32>
      %add3A_186 = arith.addi %add3A_185, %iota3A_184 : vector<128x1xi32>
      %eq3A = vector.broadcast %get3A_181 : vector<128x1xi32> to vector<128x128xi32>
      %eq3A_187 = vector.broadcast %get3A_17 : vector<1x128xi32> to vector<128x128xi32>
      %eq3A_188 = arith.cmpi eq, %eq3A, %eq3A_187 : vector<128x128xi32>
      %le3A_189 = arith.constant 1.000000e+02 : f32
      %le3A_190 = vector.broadcast %le3A_189 : f32 to vector<128x128xf32>
      %le3A_191 = arith.cmpf ole, %sub3A_171, %le3A_190 : vector<128x128xf32>
      %and3A_192 = arith.andi %eq3A_188, %le3A_191 : vector<128x128xi1>
      %ne3A_193 = vector.broadcast %add3A_186 : vector<128x1xi32> to vector<128x128xi32>
      %ne3A_194 = vector.broadcast %add3A_20 : vector<1x128xi32> to vector<128x128xi32>
      %ne3A_195 = arith.cmpi ne, %ne3A_193, %ne3A_194 : vector<128x128xi32>
      %and3A_196 = arith.andi %and3A_192, %ne3A_195 : vector<128x128xi1>
      %mul3A_197 = arith.constant 0.314159274 : f32
      %mul3A_198 = vector.broadcast %mul3A_197 : f32 to vector<128x128xf32>
      %mul3A_199 = arith.mulf %sqrt3A, %mul3A_198 : vector<128x128xf32>
      %cos3A = math.cos %mul3A_199 : vector<128x128xf32>
      %add3A_200 = arith.constant 1.000000e+00 : f32
      %add3A_201 = vector.broadcast %add3A_200 : f32 to vector<128x128xf32>
      %add3A_202 = arith.addf %cos3A, %add3A_201 : vector<128x128xf32>
      %mul3A_203 = arith.constant 5.000000e-01 : f32
      %mul3A_204 = vector.broadcast %mul3A_203 : f32 to vector<128x128xf32>
      %mul3A_205 = arith.mulf %mul3A_204, %add3A_202 : vector<128x128xf32>
      %jit3A_206 = arith.constant 0.000000e+00 : f32
      %broadcast_in_dim3A_207 = vector.broadcast %jit3A_206 : f32 to vector<128x128xf32>
      %select_n3A_208 = arith.select %and3A_196, %mul3A_205, %broadcast_in_dim3A_207 : vector<128x128xi1>, vector<128x128xf32>
      %mul3A_209 = arith.constant 128 : i32
      %mul3A_210 = arith.muli %while3A_153, %mul3A_209 : i32
      %get3A_211 = arith.index_cast %mul3A_210 : i32 to index
      %get3A_212 = arith.constant 0 : index
      %get3A_213 = vector.load %arg6[%get3A_211, %get3A_212] : memref<4096x128xf32, #tpu.memory_space<vmem>>, vector<128x128xf32>
      %dot_general3A_214 = arith.constant dense<0.000000e+00> : vector<128x128xf32>
      %dot_general3A_215 = tpu.matmul %get3A_213, %get3A_95, %dot_general3A_214 {dimension_numbers = #tpu.dot_dimension_numbers<[1], [0], [0], [1], [0, 0, 1, 1], [], []>, precision = #tpu.contract_precision<fp32>, transpose_lhs_hint = false} : vector<128x128xf32>, vector<128x128xf32>, vector<128x128xf32> -> vector<128x128xf32>
      %concatenate3A = tpu.concatenate %dot_general3A_215, %dot_general3A_215, %dot_general3A_215, %dot_general3A_215, %dot_general3A_215, %dot_general3A_215, %dot_general3A_215, %dot_general3A_215 in 0 : vector<128x128xf32>, vector<128x128xf32>, vector<128x128xf32>, vector<128x128xf32>, vector<128x128xf32>, vector<128x128xf32>, vector<128x128xf32>, vector<128x128xf32> -> vector<1024x128xf32>
      %transpose3A_216 = tpu.transpose %sqrt3A, [1, 0] : vector<128x128xf32> -> vector<128x128xf32>
      %slice3A = vector.extract_strided_slice %transpose3A_216 {offsets = [0, 0], sizes = [1, 128], strides = [1, 1]} : vector<128x128xf32> to vector<1x128xf32>
      %slice3A_217 = vector.extract_strided_slice %transpose3A_216 {offsets = [1, 0], sizes = [1, 128], strides = [1, 1]} : vector<128x128xf32> to vector<1x128xf32>
      %slice3A_218 = vector.extract_strided_slice %transpose3A_216 {offsets = [2, 0], sizes = [1, 128], strides = [1, 1]} : vector<128x128xf32> to vector<1x128xf32>
      %slice3A_219 = vector.extract_strided_slice %transpose3A_216 {offsets = [3, 0], sizes = [1, 128], strides = [1, 1]} : vector<128x128xf32> to vector<1x128xf32>
      %slice3A_220 = vector.extract_strided_slice %transpose3A_216 {offsets = [4, 0], sizes = [1, 128], strides = [1, 1]} : vector<128x128xf32> to vector<1x128xf32>
      %slice3A_221 = vector.extract_strided_slice %transpose3A_216 {offsets = [5, 0], sizes = [1, 128], strides = [1, 1]} : vector<128x128xf32> to vector<1x128xf32>
      %slice3A_222 = vector.extract_strided_slice %transpose3A_216 {offsets = [6, 0], sizes = [1, 128], strides = [1, 1]} : vector<128x128xf32> to vector<1x128xf32>
      %slice3A_223 = vector.extract_strided_slice %transpose3A_216 {offsets = [7, 0], sizes = [1, 128], strides = [1, 1]} : vector<128x128xf32> to vector<1x128xf32>
      %concatenate3A_224 = tpu.concatenate %slice3A, %slice3A_217, %slice3A_218, %slice3A_219, %slice3A_220, %slice3A_221, %slice3A_222, %slice3A_223 in 1 : vector<1x128xf32>, vector<1x128xf32>, vector<1x128xf32>, vector<1x128xf32>, vector<1x128xf32>, vector<1x128xf32>, vector<1x128xf32>, vector<1x128xf32> -> vector<1x1024xf32>
      %sub3A_225 = vector.broadcast %concatenate3A_224 : vector<1x1024xf32> to vector<50x1024xf32>
      %sub3A_226 = vector.broadcast %transpose3A : vector<50x1xf32> to vector<50x1024xf32>
      %sub3A_227 = arith.subf %sub3A_225, %sub3A_226 : vector<50x1024xf32>
      %integer_pow3A = arith.mulf %sub3A_227, %sub3A_227 : vector<50x1024xf32>
      %mul3A_228 = vector.broadcast %get3A_2 : f32 to vector<50x1024xf32>
      %mul3A_229 = arith.mulf %mul3A_228, %integer_pow3A : vector<50x1024xf32>
      %exp3A_230 = math.exp %mul3A_229 : vector<50x1024xf32>
      %slice3A_231 = vector.extract_strided_slice %select_n3A_208 {offsets = [0, 0], sizes = [128, 1], strides = [1, 1]} : vector<128x128xf32> to vector<128x1xf32>
      %slice3A_232 = vector.extract_strided_slice %select_n3A_208 {offsets = [0, 1], sizes = [128, 1], strides = [1, 1]} : vector<128x128xf32> to vector<128x1xf32>
      %slice3A_233 = vector.extract_strided_slice %select_n3A_208 {offsets = [0, 2], sizes = [128, 1], strides = [1, 1]} : vector<128x128xf32> to vector<128x1xf32>
      %slice3A_234 = vector.extract_strided_slice %select_n3A_208 {offsets = [0, 3], sizes = [128, 1], strides = [1, 1]} : vector<128x128xf32> to vector<128x1xf32>
      %slice3A_235 = vector.extract_strided_slice %select_n3A_208 {offsets = [0, 4], sizes = [128, 1], strides = [1, 1]} : vector<128x128xf32> to vector<128x1xf32>
      %slice3A_236 = vector.extract_strided_slice %select_n3A_208 {offsets = [0, 5], sizes = [128, 1], strides = [1, 1]} : vector<128x128xf32> to vector<128x1xf32>
      %slice3A_237 = vector.extract_strided_slice %select_n3A_208 {offsets = [0, 6], sizes = [128, 1], strides = [1, 1]} : vector<128x128xf32> to vector<128x1xf32>
      %slice3A_238 = vector.extract_strided_slice %select_n3A_208 {offsets = [0, 7], sizes = [128, 1], strides = [1, 1]} : vector<128x128xf32> to vector<128x1xf32>
      %concatenate3A_239 = tpu.concatenate %slice3A_231, %slice3A_232, %slice3A_233, %slice3A_234, %slice3A_235, %slice3A_236, %slice3A_237, %slice3A_238 in 0 : vector<128x1xf32>, vector<128x1xf32>, vector<128x1xf32>, vector<128x1xf32>, vector<128x1xf32>, vector<128x1xf32>, vector<128x1xf32>, vector<128x1xf32> -> vector<1024x1xf32>
      %dot_general3A_240 = arith.constant dense<0.000000e+00> : vector<1024x128xf32>
      %dot_general3A_241 = tpu.matmul %exp3A_230, %get3A_98, %dot_general3A_240 {dimension_numbers = #tpu.dot_dimension_numbers<[0], [0], [1], [1], [0, 1, 1, 1], [], []>, transpose_lhs_hint = false} : vector<50x1024xf32>, vector<50x128xf32>, vector<1024x128xf32> -> vector<1024x128xf32>
      %add3A_242 = vector.broadcast %get3A_101 : vector<1x128xf32> to vector<1024x128xf32>
      %add3A_243 = arith.addf %dot_general3A_241, %add3A_242 : vector<1024x128xf32>
      %exp3A_244 = math.exp %add3A_243 : vector<1024x128xf32>
      %mul3A_245 = arith.constant 5.000000e-01 : f32
      %mul3A_246 = vector.broadcast %mul3A_245 : f32 to vector<1024x128xf32>
      %mul3A_247 = arith.mulf %mul3A_246, %exp3A_244 : vector<1024x128xf32>
      %add3A_248 = arith.constant 5.000000e-01 : f32
      %add3A_249 = vector.broadcast %add3A_248 : f32 to vector<1024x128xf32>
      %add3A_250 = arith.addf %add3A_249, %mul3A_247 : vector<1024x128xf32>
      %log3A_251 = math.log %add3A_250 : vector<1024x128xf32>
      %dot_general3A_252 = arith.constant dense<0.000000e+00> : vector<1024x128xf32>
      %dot_general3A_253 = tpu.matmul %log3A_251, %get3A_104, %dot_general3A_252 {dimension_numbers = #tpu.dot_dimension_numbers<[1], [0], [0], [1], [0, 0, 1, 1], [], []>, transpose_lhs_hint = false} : vector<1024x128xf32>, vector<128x128xf32>, vector<1024x128xf32> -> vector<1024x128xf32>
      %add3A_254 = vector.broadcast %get3A_107 : vector<1x128xf32> to vector<1024x128xf32>
      %add3A_255 = arith.addf %dot_general3A_253, %add3A_254 : vector<1024x128xf32>
      %mul3A_256 = vector.broadcast %concatenate3A_239 : vector<1024x1xf32> to vector<1024x128xf32>
      %mul3A_257 = arith.mulf %add3A_255, %mul3A_256 : vector<1024x128xf32>
      %mul3A_258 = arith.mulf %mul3A_257, %concatenate3A : vector<1024x128xf32>
      %reshape3A = vector.shape_cast %mul3A_258 : vector<1024x128xf32> to vector<8x128x128xf32>
      %reduce_sum3A_259 = arith.constant dense<0.000000e+00> : vector<8x128xf32>
      %reduce_sum3A_260 = vector.multi_reduction <add>, %reshape3A, %reduce_sum3A_259 [1] : vector<8x128x128xf32> to vector<8x128xf32>
      %get3A_261 = arith.constant 0 : index
      %get3A_262 = arith.constant 0 : index
      %get3A_263 = vector.load %arg17[%get3A_261, %get3A_262] : memref<128x128xf32, #tpu.memory_space<vmem>>, vector<8x128xf32>
      %add3A_264 = arith.addf %get3A_263, %reduce_sum3A_260 : vector<8x128xf32>
      %swap3A_265 = arith.constant 0 : index
      %swap3A_266 = arith.constant 0 : index
      %swap3A_267 = vector.load %arg17[%swap3A_265, %swap3A_266] : memref<128x128xf32, #tpu.memory_space<vmem>>, vector<8x128xf32>
      tpu.vector_store %arg17[%swap3A_265, %swap3A_266], %add3A_264 {strides = array<i32>} : memref<128x128xf32, #tpu.memory_space<vmem>>, vector<8x128xf32>,
      %slice3A_268 = vector.extract_strided_slice %transpose3A_216 {offsets = [8, 0], sizes = [1, 128], strides = [1, 1]} : vector<128x128xf32> to vector<1x128xf32>
      %slice3A_269 = vector.extract_strided_slice %transpose3A_216 {offsets = [9, 0], sizes = [1, 128], strides = [1, 1]} : vector<128x128xf32> to vector<1x128xf32>
      %slice3A_270 = vector.extract_strided_slice %transpose3A_216 {offsets = [10, 0], sizes = [1, 128], strides = [1, 1]} : vector<128x128xf32> to vector<1x128xf32>
      %slice3A_271 = vector.extract_strided_slice %transpose3A_216 {offsets = [11, 0], sizes = [1, 128], strides = [1, 1]} : vector<128x128xf32> to vector<1x128xf32>
      %slice3A_272 = vector.extract_strided_slice %transpose3A_216 {offsets = [12, 0], sizes = [1, 128], strides = [1, 1]} : vector<128x128xf32> to vector<1x128xf32>
      %slice3A_273 = vector.extract_strided_slice %transpose3A_216 {offsets = [13, 0], sizes = [1, 128], strides = [1, 1]} : vector<128x128xf32> to vector<1x128xf32>
      %slice3A_274 = vector.extract_strided_slice %transpose3A_216 {offsets = [14, 0], sizes = [1, 128], strides = [1, 1]} : vector<128x128xf32> to vector<1x128xf32>
      %slice3A_275 = vector.extract_strided_slice %transpose3A_216 {offsets = [15, 0], sizes = [1, 128], strides = [1, 1]} : vector<128x128xf32> to vector<1x128xf32>
      %concatenate3A_276 = tpu.concatenate %slice3A_268, %slice3A_269, %slice3A_270, %slice3A_271, %slice3A_272, %slice3A_273, %slice3A_274, %slice3A_275 in 1 : vector<1x128xf32>, vector<1x128xf32>, vector<1x128xf32>, vector<1x128xf32>, vector<1x128xf32>, vector<1x128xf32>, vector<1x128xf32>, vector<1x128xf32> -> vector<1x1024xf32>
      %sub3A_277 = vector.broadcast %concatenate3A_276 : vector<1x1024xf32> to vector<50x1024xf32>
      %sub3A_278 = vector.broadcast %transpose3A : vector<50x1xf32> to vector<50x1024xf32>
      %sub3A_279 = arith.subf %sub3A_277, %sub3A_278 : vector<50x1024xf32>
      %integer_pow3A_280 = arith.mulf %sub3A_279, %sub3A_279 : vector<50x1024xf32>
      %mul3A_281 = vector.broadcast %get3A_2 : f32 to vector<50x1024xf32>
      %mul3A_282 = arith.mulf %mul3A_281, %integer_pow3A_280 : vector<50x1024xf32>
      %exp3A_283 = math.exp %mul3A_282 : vector<50x1024xf32>
      %slice3A_284 = vector.extract_strided_slice %select_n3A_208 {offsets = [0, 8], sizes = [128, 1], strides = [1, 1]} : vector<128x128xf32> to vector<128x1xf32>
      %slice3A_285 = vector.extract_strided_slice %select_n3A_208 {offsets = [0, 9], sizes = [128, 1], strides = [1, 1]} : vector<128x128xf32> to vector<128x1xf32>
      %slice3A_286 = vector.extract_strided_slice %select_n3A_208 {offsets = [0, 10], sizes = [128, 1], strides = [1, 1]} : vector<128x128xf32> to vector<128x1xf32>
      %slice3A_287 = vector.extract_strided_slice %select_n3A_208 {offsets = [0, 11], sizes = [128, 1], strides = [1, 1]} : vector<128x128xf32> to vector<128x1xf32>
      %slice3A_288 = vector.extract_strided_slice %select_n3A_208 {offsets = [0, 12], sizes = [128, 1], strides = [1, 1]} : vector<128x128xf32> to vector<128x1xf32>
      %slice3A_289 = vector.extract_strided_slice %select_n3A_208 {offsets = [0, 13], sizes = [128, 1], strides = [1, 1]} : vector<128x128xf32> to vector<128x1xf32>
      %slice3A_290 = vector.extract_strided_slice %select_n3A_208 {offsets = [0, 14], sizes = [128, 1], strides = [1, 1]} : vector<128x128xf32> to vector<128x1xf32>
      %slice3A_291 = vector.extract_strided_slice %select_n3A_208 {offsets = [0, 15], sizes = [128, 1], strides = [1, 1]} : vector<128x128xf32> to vector<128x1xf32>
      %concatenate3A_292 = tpu.concatenate %slice3A_284, %slice3A_285, %slice3A_286, %slice3A_287, %slice3A_288, %slice3A_289, %slice3A_290, %slice3A_291 in 0 : vector<128x1xf32>, vector<128x1xf32>, vector<128x1xf32>, vector<128x1xf32>, vector<128x1xf32>, vector<128x1xf32>, vector<128x1xf32>, vector<128x1xf32> -> vector<1024x1xf32>
      %dot_general3A_293 = arith.constant dense<0.000000e+00> : vector<1024x128xf32>
      %dot_general3A_294 = tpu.matmul %exp3A_283, %get3A_98, %dot_general3A_293 {dimension_numbers = #tpu.dot_dimension_numbers<[0], [0], [1], [1], [0, 1, 1, 1], [], []>, transpose_lhs_hint = false} : vector<50x1024xf32>, vector<50x128xf32>, vector<1024x128xf32> -> vector<1024x128xf32>
      %add3A_295 = vector.broadcast %get3A_101 : vector<1x128xf32> to vector<1024x128xf32>
      %add3A_296 = arith.addf %dot_general3A_294, %add3A_295 : vector<1024x128xf32>
      %exp3A_297 = math.exp %add3A_296 : vector<1024x128xf32>
      %mul3A_298 = arith.constant 5.000000e-01 : f32
      %mul3A_299 = vector.broadcast %mul3A_298 : f32 to vector<1024x128xf32>
      %mul3A_300 = arith.mulf %mul3A_299, %exp3A_297 : vector<1024x128xf32>
      %add3A_301 = arith.constant 5.000000e-01 : f32
      %add3A_302 = vector.broadcast %add3A_301 : f32 to vector<1024x128xf32>
      %add3A_303 = arith.addf %add3A_302, %mul3A_300 : vector<1024x128xf32>
      %log3A_304 = math.log %add3A_303 : vector<1024x128xf32>
      %dot_general3A_305 = arith.constant dense<0.000000e+00> : vector<1024x128xf32>
      %dot_general3A_306 = tpu.matmul %log3A_304, %get3A_104, %dot_general3A_305 {dimension_numbers = #tpu.dot_dimension_numbers<[1], [0], [0], [1], [0, 0, 1, 1], [], []>, transpose_lhs_hint = false} : vector<1024x128xf32>, vector<128x128xf32>, vector<1024x128xf32> -> vector<1024x128xf32>
      %add3A_307 = vector.broadcast %get3A_107 : vector<1x128xf32> to vector<1024x128xf32>
      %add3A_308 = arith.addf %dot_general3A_306, %add3A_307 : vector<1024x128xf32>
      %mul3A_309 = vector.broadcast %concatenate3A_292 : vector<1024x1xf32> to vector<1024x128xf32>
      %mul3A_310 = arith.mulf %add3A_308, %mul3A_309 : vector<1024x128xf32>
      %mul3A_311 = arith.mulf %mul3A_310, %concatenate3A : vector<1024x128xf32>
      %reshape3A_312 = vector.shape_cast %mul3A_311 : vector<1024x128xf32> to vector<8x128x128xf32>
      %reduce_sum3A_313 = arith.constant dense<0.000000e+00> : vector<8x128xf32>
      %reduce_sum3A_314 = vector.multi_reduction <add>, %reshape3A_312, %reduce_sum3A_313 [1] : vector<8x128x128xf32> to vector<8x128xf32>
      %get3A_315 = arith.constant 8 : index
      %get3A_316 = arith.constant 0 : index
      %get3A_317 = vector.load %arg17[%get3A_315, %get3A_316] : memref<128x128xf32, #tpu.memory_space<vmem>>, vector<8x128xf32>
      %add3A_318 = arith.addf %get3A_317, %reduce_sum3A_314 : vector<8x128xf32>
      %swap3A_319 = arith.constant 8 : index
      %swap3A_320 = arith.constant 0 : index
      %swap3A_321 = vector.load %arg17[%swap3A_319, %swap3A_320] : memref<128x128xf32, #tpu.memory_space<vmem>>, vector<8x128xf32>
      tpu.vector_store %arg17[%swap3A_319, %swap3A_320], %add3A_318 {strides = array<i32>} : memref<128x128xf32, #tpu.memory_space<vmem>>, vector<8x128xf32>,
      %slice3A_322 = vector.extract_strided_slice %transpose3A_216 {offsets = [16, 0], sizes = [1, 128], strides = [1, 1]} : vector<128x128xf32> to vector<1x128xf32>
      %slice3A_323 = vector.extract_strided_slice %transpose3A_216 {offsets = [17, 0], sizes = [1, 128], strides = [1, 1]} : vector<128x128xf32> to vector<1x128xf32>
      %slice3A_324 = vector.extract_strided_slice %transpose3A_216 {offsets = [18, 0], sizes = [1, 128], strides = [1, 1]} : vector<128x128xf32> to vector<1x128xf32>
      %slice3A_325 = vector.extract_strided_slice %transpose3A_216 {offsets = [19, 0], sizes = [1, 128], strides = [1, 1]} : vector<128x128xf32> to vector<1x128xf32>
      %slice3A_326 = vector.extract_strided_slice %transpose3A_216 {offsets = [20, 0], sizes = [1, 128], strides = [1, 1]} : vector<128x128xf32> to vector<1x128xf32>
      %slice3A_327 = vector.extract_strided_slice %transpose3A_216 {offsets = [21, 0], sizes = [1, 128], strides = [1, 1]} : vector<128x128xf32> to vector<1x128xf32>
      %slice3A_328 = vector.extract_strided_slice %transpose3A_216 {offsets = [22, 0], sizes = [1, 128], strides = [1, 1]} : vector<128x128xf32> to vector<1x128xf32>
      %slice3A_329 = vector.extract_strided_slice %transpose3A_216 {offsets = [23, 0], sizes = [1, 128], strides = [1, 1]} : vector<128x128xf32> to vector<1x128xf32>
      %concatenate3A_330 = tpu.concatenate %slice3A_322, %slice3A_323, %slice3A_324, %slice3A_325, %slice3A_326, %slice3A_327, %slice3A_328, %slice3A_329 in 1 : vector<1x128xf32>, vector<1x128xf32>, vector<1x128xf32>, vector<1x128xf32>, vector<1x128xf32>, vector<1x128xf32>, vector<1x128xf32>, vector<1x128xf32> -> vector<1x1024xf32>
      %sub3A_331 = vector.broadcast %concatenate3A_330 : vector<1x1024xf32> to vector<50x1024xf32>
      %sub3A_332 = vector.broadcast %transpose3A : vector<50x1xf32> to vector<50x1024xf32>
      %sub3A_333 = arith.subf %sub3A_331, %sub3A_332 : vector<50x1024xf32>
      %integer_pow3A_334 = arith.mulf %sub3A_333, %sub3A_333 : vector<50x1024xf32>
      %mul3A_335 = vector.broadcast %get3A_2 : f32 to vector<50x1024xf32>
      %mul3A_336 = arith.mulf %mul3A_335, %integer_pow3A_334 : vector<50x1024xf32>
      %exp3A_337 = math.exp %mul3A_336 : vector<50x1024xf32>
      %slice3A_338 = vector.extract_strided_slice %select_n3A_208 {offsets = [0, 16], sizes = [128, 1], strides = [1, 1]} : vector<128x128xf32> to vector<128x1xf32>
      %slice3A_339 = vector.extract_strided_slice %select_n3A_208 {offsets = [0, 17], sizes = [128, 1], strides = [1, 1]} : vector<128x128xf32> to vector<128x1xf32>
      %slice3A_340 = vector.extract_strided_slice %select_n3A_208 {offsets = [0, 18], sizes = [128, 1], strides = [1, 1]} : vector<128x128xf32> to vector<128x1xf32>
      %slice3A_341 = vector.extract_strided_slice %select_n3A_208 {offsets = [0, 19], sizes = [128, 1], strides = [1, 1]} : vector<128x128xf32> to vector<128x1xf32>
      %slice3A_342 = vector.extract_strided_slice %select_n3A_208 {offsets = [0, 20], sizes = [128, 1], strides = [1, 1]} : vector<128x128xf32> to vector<128x1xf32>
      %slice3A_343 = vector.extract_strided_slice %select_n3A_208 {offsets = [0, 21], sizes = [128, 1], strides = [1, 1]} : vector<128x128xf32> to vector<128x1xf32>
      %slice3A_344 = vector.extract_strided_slice %select_n3A_208 {offsets = [0, 22], sizes = [128, 1], strides = [1, 1]} : vector<128x128xf32> to vector<128x1xf32>
      %slice3A_345 = vector.extract_strided_slice %select_n3A_208 {offsets = [0, 23], sizes = [128, 1], strides = [1, 1]} : vector<128x128xf32> to vector<128x1xf32>
      %concatenate3A_346 = tpu.concatenate %slice3A_338, %slice3A_339, %slice3A_340, %slice3A_341, %slice3A_342, %slice3A_343, %slice3A_344, %slice3A_345 in 0 : vector<128x1xf32>, vector<128x1xf32>, vector<128x1xf32>, vector<128x1xf32>, vector<128x1xf32>, vector<128x1xf32>, vector<128x1xf32>, vector<128x1xf32> -> vector<1024x1xf32>
      %dot_general3A_347 = arith.constant dense<0.000000e+00> : vector<1024x128xf32>
      %dot_general3A_348 = tpu.matmul %exp3A_337, %get3A_98, %dot_general3A_347 {dimension_numbers = #tpu.dot_dimension_numbers<[0], [0], [1], [1], [0, 1, 1, 1], [], []>, transpose_lhs_hint = false} : vector<50x1024xf32>, vector<50x128xf32>, vector<1024x128xf32> -> vector<1024x128xf32>
      %add3A_349 = vector.broadcast %get3A_101 : vector<1x128xf32> to vector<1024x128xf32>
      %add3A_350 = arith.addf %dot_general3A_348, %add3A_349 : vector<1024x128xf32>
      %exp3A_351 = math.exp %add3A_350 : vector<1024x128xf32>
      %mul3A_352 = arith.constant 5.000000e-01 : f32
      %mul3A_353 = vector.broadcast %mul3A_352 : f32 to vector<1024x128xf32>
      %mul3A_354 = arith.mulf %mul3A_353, %exp3A_351 : vector<1024x128xf32>
      %add3A_355 = arith.constant 5.000000e-01 : f32
      %add3A_356 = vector.broadcast %add3A_355 : f32 to vector<1024x128xf32>
      %add3A_357 = arith.addf %add3A_356, %mul3A_354 : vector<1024x128xf32>
      %log3A_358 = math.log %add3A_357 : vector<1024x128xf32>
      %dot_general3A_359 = arith.constant dense<0.000000e+00> : vector<1024x128xf32>
      %dot_general3A_360 = tpu.matmul %log3A_358, %get3A_104, %dot_general3A_359 {dimension_numbers = #tpu.dot_dimension_numbers<[1], [0], [0], [1], [0, 0, 1, 1], [], []>, transpose_lhs_hint = false} : vector<1024x128xf32>, vector<128x128xf32>, vector<1024x128xf32> -> vector<1024x128xf32>
      %add3A_361 = vector.broadcast %get3A_107 : vector<1x128xf32> to vector<1024x128xf32>
      %add3A_362 = arith.addf %dot_general3A_360, %add3A_361 : vector<1024x128xf32>
      %mul3A_363 = vector.broadcast %concatenate3A_346 : vector<1024x1xf32> to vector<1024x128xf32>
      %mul3A_364 = arith.mulf %add3A_362, %mul3A_363 : vector<1024x128xf32>
      %mul3A_365 = arith.mulf %mul3A_364, %concatenate3A : vector<1024x128xf32>
      %reshape3A_366 = vector.shape_cast %mul3A_365 : vector<1024x128xf32> to vector<8x128x128xf32>
      %reduce_sum3A_367 = arith.constant dense<0.000000e+00> : vector<8x128xf32>
      %reduce_sum3A_368 = vector.multi_reduction <add>, %reshape3A_366, %reduce_sum3A_367 [1] : vector<8x128x128xf32> to vector<8x128xf32>
      %get3A_369 = arith.constant 16 : index
      %get3A_370 = arith.constant 0 : index
      %get3A_371 = vector.load %arg17[%get3A_369, %get3A_370] : memref<128x128xf32, #tpu.memory_space<vmem>>, vector<8x128xf32>
      %add3A_372 = arith.addf %get3A_371, %reduce_sum3A_368 : vector<8x128xf32>
      %swap3A_373 = arith.constant 16 : index
      %swap3A_374 = arith.constant 0 : index
      %swap3A_375 = vector.load %arg17[%swap3A_373, %swap3A_374] : memref<128x128xf32, #tpu.memory_space<vmem>>, vector<8x128xf32>
      tpu.vector_store %arg17[%swap3A_373, %swap3A_374], %add3A_372 {strides = array<i32>} : memref<128x128xf32, #tpu.memory_space<vmem>>, vector<8x128xf32>,
      %slice3A_376 = vector.extract_strided_slice %transpose3A_216 {offsets = [24, 0], sizes = [1, 128], strides = [1, 1]} : vector<128x128xf32> to vector<1x128xf32>
      %slice3A_377 = vector.extract_strided_slice %transpose3A_216 {offsets = [25, 0], sizes = [1, 128], strides = [1, 1]} : vector<128x128xf32> to vector<1x128xf32>
      %slice3A_378 = vector.extract_strided_slice %transpose3A_216 {offsets = [26, 0], sizes = [1, 128], strides = [1, 1]} : vector<128x128xf32> to vector<1x128xf32>
      %slice3A_379 = vector.extract_strided_slice %transpose3A_216 {offsets = [27, 0], sizes = [1, 128], strides = [1, 1]} : vector<128x128xf32> to vector<1x128xf32>
      %slice3A_380 = vector.extract_strided_slice %transpose3A_216 {offsets = [28, 0], sizes = [1, 128], strides = [1, 1]} : vector<128x128xf32> to vector<1x128xf32>
      %slice3A_381 = vector.extract_strided_slice %transpose3A_216 {offsets = [29, 0], sizes = [1, 128], strides = [1, 1]} : vector<128x128xf32> to vector<1x128xf32>
      %slice3A_382 = vector.extract_strided_slice %transpose3A_216 {offsets = [30, 0], sizes = [1, 128], strides = [1, 1]} : vector<128x128xf32> to vector<1x128xf32>
      %slice3A_383 = vector.extract_strided_slice %transpose3A_216 {offsets = [31, 0], sizes = [1, 128], strides = [1, 1]} : vector<128x128xf32> to vector<1x128xf32>
      %concatenate3A_384 = tpu.concatenate %slice3A_376, %slice3A_377, %slice3A_378, %slice3A_379, %slice3A_380, %slice3A_381, %slice3A_382, %slice3A_383 in 1 : vector<1x128xf32>, vector<1x128xf32>, vector<1x128xf32>, vector<1x128xf32>, vector<1x128xf32>, vector<1x128xf32>, vector<1x128xf32>, vector<1x128xf32> -> vector<1x1024xf32>
      %sub3A_385 = vector.broadcast %concatenate3A_384 : vector<1x1024xf32> to vector<50x1024xf32>
      %sub3A_386 = vector.broadcast %transpose3A : vector<50x1xf32> to vector<50x1024xf32>
      %sub3A_387 = arith.subf %sub3A_385, %sub3A_386 : vector<50x1024xf32>
      %integer_pow3A_388 = arith.mulf %sub3A_387, %sub3A_387 : vector<50x1024xf32>
      %mul3A_389 = vector.broadcast %get3A_2 : f32 to vector<50x1024xf32>
      %mul3A_390 = arith.mulf %mul3A_389, %integer_pow3A_388 : vector<50x1024xf32>
      %exp3A_391 = math.exp %mul3A_390 : vector<50x1024xf32>
      %slice3A_392 = vector.extract_strided_slice %select_n3A_208 {offsets = [0, 24], sizes = [128, 1], strides = [1, 1]} : vector<128x128xf32> to vector<128x1xf32>
      %slice3A_393 = vector.extract_strided_slice %select_n3A_208 {offsets = [0, 25], sizes = [128, 1], strides = [1, 1]} : vector<128x128xf32> to vector<128x1xf32>
      %slice3A_394 = vector.extract_strided_slice %select_n3A_208 {offsets = [0, 26], sizes = [128, 1], strides = [1, 1]} : vector<128x128xf32> to vector<128x1xf32>
      %slice3A_395 = vector.extract_strided_slice %select_n3A_208 {offsets = [0, 27], sizes = [128, 1], strides = [1, 1]} : vector<128x128xf32> to vector<128x1xf32>
      %slice3A_396 = vector.extract_strided_slice %select_n3A_208 {offsets = [0, 28], sizes = [128, 1], strides = [1, 1]} : vector<128x128xf32> to vector<128x1xf32>
      %slice3A_397 = vector.extract_strided_slice %select_n3A_208 {offsets = [0, 29], sizes = [128, 1], strides = [1, 1]} : vector<128x128xf32> to vector<128x1xf32>
      %slice3A_398 = vector.extract_strided_slice %select_n3A_208 {offsets = [0, 30], sizes = [128, 1], strides = [1, 1]} : vector<128x128xf32> to vector<128x1xf32>
      %slice3A_399 = vector.extract_strided_slice %select_n3A_208 {offsets = [0, 31], sizes = [128, 1], strides = [1, 1]} : vector<128x128xf32> to vector<128x1xf32>
      %concatenate3A_400 = tpu.concatenate %slice3A_392, %slice3A_393, %slice3A_394, %slice3A_395, %slice3A_396, %slice3A_397, %slice3A_398, %slice3A_399 in 0 : vector<128x1xf32>, vector<128x1xf32>, vector<128x1xf32>, vector<128x1xf32>, vector<128x1xf32>, vector<128x1xf32>, vector<128x1xf32>, vector<128x1xf32> -> vector<1024x1xf32>
      %dot_general3A_401 = arith.constant dense<0.000000e+00> : vector<1024x128xf32>
      %dot_general3A_402 = tpu.matmul %exp3A_391, %get3A_98, %dot_general3A_401 {dimension_numbers = #tpu.dot_dimension_numbers<[0], [0], [1], [1], [0, 1, 1, 1], [], []>, transpose_lhs_hint = false} : vector<50x1024xf32>, vector<50x128xf32>, vector<1024x128xf32> -> vector<1024x128xf32>
      %add3A_403 = vector.broadcast %get3A_101 : vector<1x128xf32> to vector<1024x128xf32>
      %add3A_404 = arith.addf %dot_general3A_402, %add3A_403 : vector<1024x128xf32>
      %exp3A_405 = math.exp %add3A_404 : vector<1024x128xf32>
      %mul3A_406 = arith.constant 5.000000e-01 : f32
      %mul3A_407 = vector.broadcast %mul3A_406 : f32 to vector<1024x128xf32>
      %mul3A_408 = arith.mulf %mul3A_407, %exp3A_405 : vector<1024x128xf32>
      %add3A_409 = arith.constant 5.000000e-01 : f32
      %add3A_410 = vector.broadcast %add3A_409 : f32 to vector<1024x128xf32>
      %add3A_411 = arith.addf %add3A_410, %mul3A_408 : vector<1024x128xf32>
      %log3A_412 = math.log %add3A_411 : vector<1024x128xf32>
      %dot_general3A_413 = arith.constant dense<0.000000e+00> : vector<1024x128xf32>
      %dot_general3A_414 = tpu.matmul %log3A_412, %get3A_104, %dot_general3A_413 {dimension_numbers = #tpu.dot_dimension_numbers<[1], [0], [0], [1], [0, 0, 1, 1], [], []>, transpose_lhs_hint = false} : vector<1024x128xf32>, vector<128x128xf32>, vector<1024x128xf32> -> vector<1024x128xf32>
      %add3A_415 = vector.broadcast %get3A_107 : vector<1x128xf32> to vector<1024x128xf32>
      %add3A_416 = arith.addf %dot_general3A_414, %add3A_415 : vector<1024x128xf32>
      %mul3A_417 = vector.broadcast %concatenate3A_400 : vector<1024x1xf32> to vector<1024x128xf32>
      %mul3A_418 = arith.mulf %add3A_416, %mul3A_417 : vector<1024x128xf32>
      %mul3A_419 = arith.mulf %mul3A_418, %concatenate3A : vector<1024x128xf32>
      %reshape3A_420 = vector.shape_cast %mul3A_419 : vector<1024x128xf32> to vector<8x128x128xf32>
      %reduce_sum3A_421 = arith.constant dense<0.000000e+00> : vector<8x128xf32>
      %reduce_sum3A_422 = vector.multi_reduction <add>, %reshape3A_420, %reduce_sum3A_421 [1] : vector<8x128x128xf32> to vector<8x128xf32>
      %get3A_423 = arith.constant 24 : index
      %get3A_424 = arith.constant 0 : index
      %get3A_425 = vector.load %arg17[%get3A_423, %get3A_424] : memref<128x128xf32, #tpu.memory_space<vmem>>, vector<8x128xf32>
      %add3A_426 = arith.addf %get3A_425, %reduce_sum3A_422 : vector<8x128xf32>
      %swap3A_427 = arith.constant 24 : index
      %swap3A_428 = arith.constant 0 : index
      %swap3A_429 = vector.load %arg17[%swap3A_427, %swap3A_428] : memref<128x128xf32, #tpu.memory_space<vmem>>, vector<8x128xf32>
      tpu.vector_store %arg17[%swap3A_427, %swap3A_428], %add3A_426 {strides = array<i32>} : memref<128x128xf32, #tpu.memory_space<vmem>>, vector<8x128xf32>,
      %slice3A_430 = vector.extract_strided_slice %transpose3A_216 {offsets = [32, 0], sizes = [1, 128], strides = [1, 1]} : vector<128x128xf32> to vector<1x128xf32>
      %slice3A_431 = vector.extract_strided_slice %transpose3A_216 {offsets = [33, 0], sizes = [1, 128], strides = [1, 1]} : vector<128x128xf32> to vector<1x128xf32>
      %slice3A_432 = vector.extract_strided_slice %transpose3A_216 {offsets = [34, 0], sizes = [1, 128], strides = [1, 1]} : vector<128x128xf32> to vector<1x128xf32>
      %slice3A_433 = vector.extract_strided_slice %transpose3A_216 {offsets = [35, 0], sizes = [1, 128], strides = [1, 1]} : vector<128x128xf32> to vector<1x128xf32>
      %slice3A_434 = vector.extract_strided_slice %transpose3A_216 {offsets = [36, 0], sizes = [1, 128], strides = [1, 1]} : vector<128x128xf32> to vector<1x128xf32>
      %slice3A_435 = vector.extract_strided_slice %transpose3A_216 {offsets = [37, 0], sizes = [1, 128], strides = [1, 1]} : vector<128x128xf32> to vector<1x128xf32>
      %slice3A_436 = vector.extract_strided_slice %transpose3A_216 {offsets = [38, 0], sizes = [1, 128], strides = [1, 1]} : vector<128x128xf32> to vector<1x128xf32>
      %slice3A_437 = vector.extract_strided_slice %transpose3A_216 {offsets = [39, 0], sizes = [1, 128], strides = [1, 1]} : vector<128x128xf32> to vector<1x128xf32>
      %concatenate3A_438 = tpu.concatenate %slice3A_430, %slice3A_431, %slice3A_432, %slice3A_433, %slice3A_434, %slice3A_435, %slice3A_436, %slice3A_437 in 1 : vector<1x128xf32>, vector<1x128xf32>, vector<1x128xf32>, vector<1x128xf32>, vector<1x128xf32>, vector<1x128xf32>, vector<1x128xf32>, vector<1x128xf32> -> vector<1x1024xf32>
      %sub3A_439 = vector.broadcast %concatenate3A_438 : vector<1x1024xf32> to vector<50x1024xf32>
      %sub3A_440 = vector.broadcast %transpose3A : vector<50x1xf32> to vector<50x1024xf32>
      %sub3A_441 = arith.subf %sub3A_439, %sub3A_440 : vector<50x1024xf32>
      %integer_pow3A_442 = arith.mulf %sub3A_441, %sub3A_441 : vector<50x1024xf32>
      %mul3A_443 = vector.broadcast %get3A_2 : f32 to vector<50x1024xf32>
      %mul3A_444 = arith.mulf %mul3A_443, %integer_pow3A_442 : vector<50x1024xf32>
      %exp3A_445 = math.exp %mul3A_444 : vector<50x1024xf32>
      %slice3A_446 = vector.extract_strided_slice %select_n3A_208 {offsets = [0, 32], sizes = [128, 1], strides = [1, 1]} : vector<128x128xf32> to vector<128x1xf32>
      %slice3A_447 = vector.extract_strided_slice %select_n3A_208 {offsets = [0, 33], sizes = [128, 1], strides = [1, 1]} : vector<128x128xf32> to vector<128x1xf32>
      %slice3A_448 = vector.extract_strided_slice %select_n3A_208 {offsets = [0, 34], sizes = [128, 1], strides = [1, 1]} : vector<128x128xf32> to vector<128x1xf32>
      %slice3A_449 = vector.extract_strided_slice %select_n3A_208 {offsets = [0, 35], sizes = [128, 1], strides = [1, 1]} : vector<128x128xf32> to vector<128x1xf32>
      %slice3A_450 = vector.extract_strided_slice %select_n3A_208 {offsets = [0, 36], sizes = [128, 1], strides = [1, 1]} : vector<128x128xf32> to vector<128x1xf32>
      %slice3A_451 = vector.extract_strided_slice %select_n3A_208 {offsets = [0, 37], sizes = [128, 1], strides = [1, 1]} : vector<128x128xf32> to vector<128x1xf32>
      %slice3A_452 = vector.extract_strided_slice %select_n3A_208 {offsets = [0, 38], sizes = [128, 1], strides = [1, 1]} : vector<128x128xf32> to vector<128x1xf32>
      %slice3A_453 = vector.extract_strided_slice %select_n3A_208 {offsets = [0, 39], sizes = [128, 1], strides = [1, 1]} : vector<128x128xf32> to vector<128x1xf32>
      %concatenate3A_454 = tpu.concatenate %slice3A_446, %slice3A_447, %slice3A_448, %slice3A_449, %slice3A_450, %slice3A_451, %slice3A_452, %slice3A_453 in 0 : vector<128x1xf32>, vector<128x1xf32>, vector<128x1xf32>, vector<128x1xf32>, vector<128x1xf32>, vector<128x1xf32>, vector<128x1xf32>, vector<128x1xf32> -> vector<1024x1xf32>
      %dot_general3A_455 = arith.constant dense<0.000000e+00> : vector<1024x128xf32>
      %dot_general3A_456 = tpu.matmul %exp3A_445, %get3A_98, %dot_general3A_455 {dimension_numbers = #tpu.dot_dimension_numbers<[0], [0], [1], [1], [0, 1, 1, 1], [], []>, transpose_lhs_hint = false} : vector<50x1024xf32>, vector<50x128xf32>, vector<1024x128xf32> -> vector<1024x128xf32>
      %add3A_457 = vector.broadcast %get3A_101 : vector<1x128xf32> to vector<1024x128xf32>
      %add3A_458 = arith.addf %dot_general3A_456, %add3A_457 : vector<1024x128xf32>
      %exp3A_459 = math.exp %add3A_458 : vector<1024x128xf32>
      %mul3A_460 = arith.constant 5.000000e-01 : f32
      %mul3A_461 = vector.broadcast %mul3A_460 : f32 to vector<1024x128xf32>
      %mul3A_462 = arith.mulf %mul3A_461, %exp3A_459 : vector<1024x128xf32>
      %add3A_463 = arith.constant 5.000000e-01 : f32
      %add3A_464 = vector.broadcast %add3A_463 : f32 to vector<1024x128xf32>
      %add3A_465 = arith.addf %add3A_464, %mul3A_462 : vector<1024x128xf32>
      %log3A_466 = math.log %add3A_465 : vector<1024x128xf32>
      %dot_general3A_467 = arith.constant dense<0.000000e+00> : vector<1024x128xf32>
      %dot_general3A_468 = tpu.matmul %log3A_466, %get3A_104, %dot_general3A_467 {dimension_numbers = #tpu.dot_dimension_numbers<[1], [0], [0], [1], [0, 0, 1, 1], [], []>, transpose_lhs_hint = false} : vector<1024x128xf32>, vector<128x128xf32>, vector<1024x128xf32> -> vector<1024x128xf32>
      %add3A_469 = vector.broadcast %get3A_107 : vector<1x128xf32> to vector<1024x128xf32>
      %add3A_470 = arith.addf %dot_general3A_468, %add3A_469 : vector<1024x128xf32>
      %mul3A_471 = vector.broadcast %concatenate3A_454 : vector<1024x1xf32> to vector<1024x128xf32>
      %mul3A_472 = arith.mulf %add3A_470, %mul3A_471 : vector<1024x128xf32>
      %mul3A_473 = arith.mulf %mul3A_472, %concatenate3A : vector<1024x128xf32>
      %reshape3A_474 = vector.shape_cast %mul3A_473 : vector<1024x128xf32> to vector<8x128x128xf32>
      %reduce_sum3A_475 = arith.constant dense<0.000000e+00> : vector<8x128xf32>
      %reduce_sum3A_476 = vector.multi_reduction <add>, %reshape3A_474, %reduce_sum3A_475 [1] : vector<8x128x128xf32> to vector<8x128xf32>
      %get3A_477 = arith.constant 32 : index
      %get3A_478 = arith.constant 0 : index
      %get3A_479 = vector.load %arg17[%get3A_477, %get3A_478] : memref<128x128xf32, #tpu.memory_space<vmem>>, vector<8x128xf32>
      %add3A_480 = arith.addf %get3A_479, %reduce_sum3A_476 : vector<8x128xf32>
      %swap3A_481 = arith.constant 32 : index
      %swap3A_482 = arith.constant 0 : index
      %swap3A_483 = vector.load %arg17[%swap3A_481, %swap3A_482] : memref<128x128xf32, #tpu.memory_space<vmem>>, vector<8x128xf32>
      tpu.vector_store %arg17[%swap3A_481, %swap3A_482], %add3A_480 {strides = array<i32>} : memref<128x128xf32, #tpu.memory_space<vmem>>, vector<8x128xf32>,
      %slice3A_484 = vector.extract_strided_slice %transpose3A_216 {offsets = [40, 0], sizes = [1, 128], strides = [1, 1]} : vector<128x128xf32> to vector<1x128xf32>
      %slice3A_485 = vector.extract_strided_slice %transpose3A_216 {offsets = [41, 0], sizes = [1, 128], strides = [1, 1]} : vector<128x128xf32> to vector<1x128xf32>
      %slice3A_486 = vector.extract_strided_slice %transpose3A_216 {offsets = [42, 0], sizes = [1, 128], strides = [1, 1]} : vector<128x128xf32> to vector<1x128xf32>
      %slice3A_487 = vector.extract_strided_slice %transpose3A_216 {offsets = [43, 0], sizes = [1, 128], strides = [1, 1]} : vector<128x128xf32> to vector<1x128xf32>
      %slice3A_488 = vector.extract_strided_slice %transpose3A_216 {offsets = [44, 0], sizes = [1, 128], strides = [1, 1]} : vector<128x128xf32> to vector<1x128xf32>
      %slice3A_489 = vector.extract_strided_slice %transpose3A_216 {offsets = [45, 0], sizes = [1, 128], strides = [1, 1]} : vector<128x128xf32> to vector<1x128xf32>
      %slice3A_490 = vector.extract_strided_slice %transpose3A_216 {offsets = [46, 0], sizes = [1, 128], strides = [1, 1]} : vector<128x128xf32> to vector<1x128xf32>
      %slice3A_491 = vector.extract_strided_slice %transpose3A_216 {offsets = [47, 0], sizes = [1, 128], strides = [1, 1]} : vector<128x128xf32> to vector<1x128xf32>
      %concatenate3A_492 = tpu.concatenate %slice3A_484, %slice3A_485, %slice3A_486, %slice3A_487, %slice3A_488, %slice3A_489, %slice3A_490, %slice3A_491 in 1 : vector<1x128xf32>, vector<1x128xf32>, vector<1x128xf32>, vector<1x128xf32>, vector<1x128xf32>, vector<1x128xf32>, vector<1x128xf32>, vector<1x128xf32> -> vector<1x1024xf32>
      %sub3A_493 = vector.broadcast %concatenate3A_492 : vector<1x1024xf32> to vector<50x1024xf32>
      %sub3A_494 = vector.broadcast %transpose3A : vector<50x1xf32> to vector<50x1024xf32>
      %sub3A_495 = arith.subf %sub3A_493, %sub3A_494 : vector<50x1024xf32>
      %integer_pow3A_496 = arith.mulf %sub3A_495, %sub3A_495 : vector<50x1024xf32>
      %mul3A_497 = vector.broadcast %get3A_2 : f32 to vector<50x1024xf32>
      %mul3A_498 = arith.mulf %mul3A_497, %integer_pow3A_496 : vector<50x1024xf32>
      %exp3A_499 = math.exp %mul3A_498 : vector<50x1024xf32>
      %slice3A_500 = vector.extract_strided_slice %select_n3A_208 {offsets = [0, 40], sizes = [128, 1], strides = [1, 1]} : vector<128x128xf32> to vector<128x1xf32>
      %slice3A_501 = vector.extract_strided_slice %select_n3A_208 {offsets = [0, 41], sizes = [128, 1], strides = [1, 1]} : vector<128x128xf32> to vector<128x1xf32>
      %slice3A_502 = vector.extract_strided_slice %select_n3A_208 {offsets = [0, 42], sizes = [128, 1], strides = [1, 1]} : vector<128x128xf32> to vector<128x1xf32>
      %slice3A_503 = vector.extract_strided_slice %select_n3A_208 {offsets = [0, 43], sizes = [128, 1], strides = [1, 1]} : vector<128x128xf32> to vector<128x1xf32>
      %slice3A_504 = vector.extract_strided_slice %select_n3A_208 {offsets = [0, 44], sizes = [128, 1], strides = [1, 1]} : vector<128x128xf32> to vector<128x1xf32>
      %slice3A_505 = vector.extract_strided_slice %select_n3A_208 {offsets = [0, 45], sizes = [128, 1], strides = [1, 1]} : vector<128x128xf32> to vector<128x1xf32>
      %slice3A_506 = vector.extract_strided_slice %select_n3A_208 {offsets = [0, 46], sizes = [128, 1], strides = [1, 1]} : vector<128x128xf32> to vector<128x1xf32>
      %slice3A_507 = vector.extract_strided_slice %select_n3A_208 {offsets = [0, 47], sizes = [128, 1], strides = [1, 1]} : vector<128x128xf32> to vector<128x1xf32>
      %concatenate3A_508 = tpu.concatenate %slice3A_500, %slice3A_501, %slice3A_502, %slice3A_503, %slice3A_504, %slice3A_505, %slice3A_506, %slice3A_507 in 0 : vector<128x1xf32>, vector<128x1xf32>, vector<128x1xf32>, vector<128x1xf32>, vector<128x1xf32>, vector<128x1xf32>, vector<128x1xf32>, vector<128x1xf32> -> vector<1024x1xf32>
      %dot_general3A_509 = arith.constant dense<0.000000e+00> : vector<1024x128xf32>
      %dot_general3A_510 = tpu.matmul %exp3A_499, %get3A_98, %dot_general3A_509 {dimension_numbers = #tpu.dot_dimension_numbers<[0], [0], [1], [1], [0, 1, 1, 1], [], []>, transpose_lhs_hint = false} : vector<50x1024xf32>, vector<50x128xf32>, vector<1024x128xf32> -> vector<1024x128xf32>
      %add3A_511 = vector.broadcast %get3A_101 : vector<1x128xf32> to vector<1024x128xf32>
      %add3A_512 = arith.addf %dot_general3A_510, %add3A_511 : vector<1024x128xf32>
      %exp3A_513 = math.exp %add3A_512 : vector<1024x128xf32>
      %mul3A_514 = arith.constant 5.000000e-01 : f32
      %mul3A_515 = vector.broadcast %mul3A_514 : f32 to vector<1024x128xf32>
      %mul3A_516 = arith.mulf %mul3A_515, %exp3A_513 : vector<1024x128xf32>
      %add3A_517 = arith.constant 5.000000e-01 : f32
      %add3A_518 = vector.broadcast %add3A_517 : f32 to vector<1024x128xf32>
      %add3A_519 = arith.addf %add3A_518, %mul3A_516 : vector<1024x128xf32>
      %log3A_520 = math.log %add3A_519 : vector<1024x128xf32>
      %dot_general3A_521 = arith.constant dense<0.000000e+00> : vector<1024x128xf32>
      %dot_general3A_522 = tpu.matmul %log3A_520, %get3A_104, %dot_general3A_521 {dimension_numbers = #tpu.dot_dimension_numbers<[1], [0], [0], [1], [0, 0, 1, 1], [], []>, transpose_lhs_hint = false} : vector<1024x128xf32>, vector<128x128xf32>, vector<1024x128xf32> -> vector<1024x128xf32>
      %add3A_523 = vector.broadcast %get3A_107 : vector<1x128xf32> to vector<1024x128xf32>
      %add3A_524 = arith.addf %dot_general3A_522, %add3A_523 : vector<1024x128xf32>
      %mul3A_525 = vector.broadcast %concatenate3A_508 : vector<1024x1xf32> to vector<1024x128xf32>
      %mul3A_526 = arith.mulf %add3A_524, %mul3A_525 : vector<1024x128xf32>
      %mul3A_527 = arith.mulf %mul3A_526, %concatenate3A : vector<1024x128xf32>
      %reshape3A_528 = vector.shape_cast %mul3A_527 : vector<1024x128xf32> to vector<8x128x128xf32>
      %reduce_sum3A_529 = arith.constant dense<0.000000e+00> : vector<8x128xf32>
      %reduce_sum3A_530 = vector.multi_reduction <add>, %reshape3A_528, %reduce_sum3A_529 [1] : vector<8x128x128xf32> to vector<8x128xf32>
      %get3A_531 = arith.constant 40 : index
      %get3A_532 = arith.constant 0 : index
      %get3A_533 = vector.load %arg17[%get3A_531, %get3A_532] : memref<128x128xf32, #tpu.memory_space<vmem>>, vector<8x128xf32>
      %add3A_534 = arith.addf %get3A_533, %reduce_sum3A_530 : vector<8x128xf32>
      %swap3A_535 = arith.constant 40 : index
      %swap3A_536 = arith.constant 0 : index
      %swap3A_537 = vector.load %arg17[%swap3A_535, %swap3A_536] : memref<128x128xf32, #tpu.memory_space<vmem>>, vector<8x128xf32>
      tpu.vector_store %arg17[%swap3A_535, %swap3A_536], %add3A_534 {strides = array<i32>} : memref<128x128xf32, #tpu.memory_space<vmem>>, vector<8x128xf32>,
      %slice3A_538 = vector.extract_strided_slice %transpose3A_216 {offsets = [48, 0], sizes = [1, 128], strides = [1, 1]} : vector<128x128xf32> to vector<1x128xf32>
      %slice3A_539 = vector.extract_strided_slice %transpose3A_216 {offsets = [49, 0], sizes = [1, 128], strides = [1, 1]} : vector<128x128xf32> to vector<1x128xf32>
      %slice3A_540 = vector.extract_strided_slice %transpose3A_216 {offsets = [50, 0], sizes = [1, 128], strides = [1, 1]} : vector<128x128xf32> to vector<1x128xf32>
      %slice3A_541 = vector.extract_strided_slice %transpose3A_216 {offsets = [51, 0], sizes = [1, 128], strides = [1, 1]} : vector<128x128xf32> to vector<1x128xf32>
      %slice3A_542 = vector.extract_strided_slice %transpose3A_216 {offsets = [52, 0], sizes = [1, 128], strides = [1, 1]} : vector<128x128xf32> to vector<1x128xf32>
      %slice3A_543 = vector.extract_strided_slice %transpose3A_216 {offsets = [53, 0], sizes = [1, 128], strides = [1, 1]} : vector<128x128xf32> to vector<1x128xf32>
      %slice3A_544 = vector.extract_strided_slice %transpose3A_216 {offsets = [54, 0], sizes = [1, 128], strides = [1, 1]} : vector<128x128xf32> to vector<1x128xf32>
      %slice3A_545 = vector.extract_strided_slice %transpose3A_216 {offsets = [55, 0], sizes = [1, 128], strides = [1, 1]} : vector<128x128xf32> to vector<1x128xf32>
      %concatenate3A_546 = tpu.concatenate %slice3A_538, %slice3A_539, %slice3A_540, %slice3A_541, %slice3A_542, %slice3A_543, %slice3A_544, %slice3A_545 in 1 : vector<1x128xf32>, vector<1x128xf32>, vector<1x128xf32>, vector<1x128xf32>, vector<1x128xf32>, vector<1x128xf32>, vector<1x128xf32>, vector<1x128xf32> -> vector<1x1024xf32>
      %sub3A_547 = vector.broadcast %concatenate3A_546 : vector<1x1024xf32> to vector<50x1024xf32>
      %sub3A_548 = vector.broadcast %transpose3A : vector<50x1xf32> to vector<50x1024xf32>
      %sub3A_549 = arith.subf %sub3A_547, %sub3A_548 : vector<50x1024xf32>
      %integer_pow3A_550 = arith.mulf %sub3A_549, %sub3A_549 : vector<50x1024xf32>
      %mul3A_551 = vector.broadcast %get3A_2 : f32 to vector<50x1024xf32>
      %mul3A_552 = arith.mulf %mul3A_551, %integer_pow3A_550 : vector<50x1024xf32>
      %exp3A_553 = math.exp %mul3A_552 : vector<50x1024xf32>
      %slice3A_554 = vector.extract_strided_slice %select_n3A_208 {offsets = [0, 48], sizes = [128, 1], strides = [1, 1]} : vector<128x128xf32> to vector<128x1xf32>
      %slice3A_555 = vector.extract_strided_slice %select_n3A_208 {offsets = [0, 49], sizes = [128, 1], strides = [1, 1]} : vector<128x128xf32> to vector<128x1xf32>
      %slice3A_556 = vector.extract_strided_slice %select_n3A_208 {offsets = [0, 50], sizes = [128, 1], strides = [1, 1]} : vector<128x128xf32> to vector<128x1xf32>
      %slice3A_557 = vector.extract_strided_slice %select_n3A_208 {offsets = [0, 51], sizes = [128, 1], strides = [1, 1]} : vector<128x128xf32> to vector<128x1xf32>
      %slice3A_558 = vector.extract_strided_slice %select_n3A_208 {offsets = [0, 52], sizes = [128, 1], strides = [1, 1]} : vector<128x128xf32> to vector<128x1xf32>
      %slice3A_559 = vector.extract_strided_slice %select_n3A_208 {offsets = [0, 53], sizes = [128, 1], strides = [1, 1]} : vector<128x128xf32> to vector<128x1xf32>
      %slice3A_560 = vector.extract_strided_slice %select_n3A_208 {offsets = [0, 54], sizes = [128, 1], strides = [1, 1]} : vector<128x128xf32> to vector<128x1xf32>
      %slice3A_561 = vector.extract_strided_slice %select_n3A_208 {offsets = [0, 55], sizes = [128, 1], strides = [1, 1]} : vector<128x128xf32> to vector<128x1xf32>
      %concatenate3A_562 = tpu.concatenate %slice3A_554, %slice3A_555, %slice3A_556, %slice3A_557, %slice3A_558, %slice3A_559, %slice3A_560, %slice3A_561 in 0 : vector<128x1xf32>, vector<128x1xf32>, vector<128x1xf32>, vector<128x1xf32>, vector<128x1xf32>, vector<128x1xf32>, vector<128x1xf32>, vector<128x1xf32> -> vector<1024x1xf32>
      %dot_general3A_563 = arith.constant dense<0.000000e+00> : vector<1024x128xf32>
      %dot_general3A_564 = tpu.matmul %exp3A_553, %get3A_98, %dot_general3A_563 {dimension_numbers = #tpu.dot_dimension_numbers<[0], [0], [1], [1], [0, 1, 1, 1], [], []>, transpose_lhs_hint = false} : vector<50x1024xf32>, vector<50x128xf32>, vector<1024x128xf32> -> vector<1024x128xf32>
      %add3A_565 = vector.broadcast %get3A_101 : vector<1x128xf32> to vector<1024x128xf32>
      %add3A_566 = arith.addf %dot_general3A_564, %add3A_565 : vector<1024x128xf32>
      %exp3A_567 = math.exp %add3A_566 : vector<1024x128xf32>
      %mul3A_568 = arith.constant 5.000000e-01 : f32
      %mul3A_569 = vector.broadcast %mul3A_568 : f32 to vector<1024x128xf32>
      %mul3A_570 = arith.mulf %mul3A_569, %exp3A_567 : vector<1024x128xf32>
      %add3A_571 = arith.constant 5.000000e-01 : f32
      %add3A_572 = vector.broadcast %add3A_571 : f32 to vector<1024x128xf32>
      %add3A_573 = arith.addf %add3A_572, %mul3A_570 : vector<1024x128xf32>
      %log3A_574 = math.log %add3A_573 : vector<1024x128xf32>
      %dot_general3A_575 = arith.constant dense<0.000000e+00> : vector<1024x128xf32>
      %dot_general3A_576 = tpu.matmul %log3A_574, %get3A_104, %dot_general3A_575 {dimension_numbers = #tpu.dot_dimension_numbers<[1], [0], [0], [1], [0, 0, 1, 1], [], []>, transpose_lhs_hint = false} : vector<1024x128xf32>, vector<128x128xf32>, vector<1024x128xf32> -> vector<1024x128xf32>
      %add3A_577 = vector.broadcast %get3A_107 : vector<1x128xf32> to vector<1024x128xf32>
      %add3A_578 = arith.addf %dot_general3A_576, %add3A_577 : vector<1024x128xf32>
      %mul3A_579 = vector.broadcast %concatenate3A_562 : vector<1024x1xf32> to vector<1024x128xf32>
      %mul3A_580 = arith.mulf %add3A_578, %mul3A_579 : vector<1024x128xf32>
      %mul3A_581 = arith.mulf %mul3A_580, %concatenate3A : vector<1024x128xf32>
      %reshape3A_582 = vector.shape_cast %mul3A_581 : vector<1024x128xf32> to vector<8x128x128xf32>
      %reduce_sum3A_583 = arith.constant dense<0.000000e+00> : vector<8x128xf32>
      %reduce_sum3A_584 = vector.multi_reduction <add>, %reshape3A_582, %reduce_sum3A_583 [1] : vector<8x128x128xf32> to vector<8x128xf32>
      %get3A_585 = arith.constant 48 : index
      %get3A_586 = arith.constant 0 : index
      %get3A_587 = vector.load %arg17[%get3A_585, %get3A_586] : memref<128x128xf32, #tpu.memory_space<vmem>>, vector<8x128xf32>
      %add3A_588 = arith.addf %get3A_587, %reduce_sum3A_584 : vector<8x128xf32>
      %swap3A_589 = arith.constant 48 : index
      %swap3A_590 = arith.constant 0 : index
      %swap3A_591 = vector.load %arg17[%swap3A_589, %swap3A_590] : memref<128x128xf32, #tpu.memory_space<vmem>>, vector<8x128xf32>
      tpu.vector_store %arg17[%swap3A_589, %swap3A_590], %add3A_588 {strides = array<i32>} : memref<128x128xf32, #tpu.memory_space<vmem>>, vector<8x128xf32>,
      %slice3A_592 = vector.extract_strided_slice %transpose3A_216 {offsets = [56, 0], sizes = [1, 128], strides = [1, 1]} : vector<128x128xf32> to vector<1x128xf32>
      %slice3A_593 = vector.extract_strided_slice %transpose3A_216 {offsets = [57, 0], sizes = [1, 128], strides = [1, 1]} : vector<128x128xf32> to vector<1x128xf32>
      %slice3A_594 = vector.extract_strided_slice %transpose3A_216 {offsets = [58, 0], sizes = [1, 128], strides = [1, 1]} : vector<128x128xf32> to vector<1x128xf32>
      %slice3A_595 = vector.extract_strided_slice %transpose3A_216 {offsets = [59, 0], sizes = [1, 128], strides = [1, 1]} : vector<128x128xf32> to vector<1x128xf32>
      %slice3A_596 = vector.extract_strided_slice %transpose3A_216 {offsets = [60, 0], sizes = [1, 128], strides = [1, 1]} : vector<128x128xf32> to vector<1x128xf32>
      %slice3A_597 = vector.extract_strided_slice %transpose3A_216 {offsets = [61, 0], sizes = [1, 128], strides = [1, 1]} : vector<128x128xf32> to vector<1x128xf32>
      %slice3A_598 = vector.extract_strided_slice %transpose3A_216 {offsets = [62, 0], sizes = [1, 128], strides = [1, 1]} : vector<128x128xf32> to vector<1x128xf32>
      %slice3A_599 = vector.extract_strided_slice %transpose3A_216 {offsets = [63, 0], sizes = [1, 128], strides = [1, 1]} : vector<128x128xf32> to vector<1x128xf32>
      %concatenate3A_600 = tpu.concatenate %slice3A_592, %slice3A_593, %slice3A_594, %slice3A_595, %slice3A_596, %slice3A_597, %slice3A_598, %slice3A_599 in 1 : vector<1x128xf32>, vector<1x128xf32>, vector<1x128xf32>, vector<1x128xf32>, vector<1x128xf32>, vector<1x128xf32>, vector<1x128xf32>, vector<1x128xf32> -> vector<1x1024xf32>
      %sub3A_601 = vector.broadcast %concatenate3A_600 : vector<1x1024xf32> to vector<50x1024xf32>
      %sub3A_602 = vector.broadcast %transpose3A : vector<50x1xf32> to vector<50x1024xf32>
      %sub3A_603 = arith.subf %sub3A_601, %sub3A_602 : vector<50x1024xf32>
      %integer_pow3A_604 = arith.mulf %sub3A_603, %sub3A_603 : vector<50x1024xf32>
      %mul3A_605 = vector.broadcast %get3A_2 : f32 to vector<50x1024xf32>
      %mul3A_606 = arith.mulf %mul3A_605, %integer_pow3A_604 : vector<50x1024xf32>
      %exp3A_607 = math.exp %mul3A_606 : vector<50x1024xf32>
      %slice3A_608 = vector.extract_strided_slice %select_n3A_208 {offsets = [0, 56], sizes = [128, 1], strides = [1, 1]} : vector<128x128xf32> to vector<128x1xf32>
      %slice3A_609 = vector.extract_strided_slice %select_n3A_208 {offsets = [0, 57], sizes = [128, 1], strides = [1, 1]} : vector<128x128xf32> to vector<128x1xf32>
      %slice3A_610 = vector.extract_strided_slice %select_n3A_208 {offsets = [0, 58], sizes = [128, 1], strides = [1, 1]} : vector<128x128xf32> to vector<128x1xf32>
      %slice3A_611 = vector.extract_strided_slice %select_n3A_208 {offsets = [0, 59], sizes = [128, 1], strides = [1, 1]} : vector<128x128xf32> to vector<128x1xf32>
      %slice3A_612 = vector.extract_strided_slice %select_n3A_208 {offsets = [0, 60], sizes = [128, 1], strides = [1, 1]} : vector<128x128xf32> to vector<128x1xf32>
      %slice3A_613 = vector.extract_strided_slice %select_n3A_208 {offsets = [0, 61], sizes = [128, 1], strides = [1, 1]} : vector<128x128xf32> to vector<128x1xf32>
      %slice3A_614 = vector.extract_strided_slice %select_n3A_208 {offsets = [0, 62], sizes = [128, 1], strides = [1, 1]} : vector<128x128xf32> to vector<128x1xf32>
      %slice3A_615 = vector.extract_strided_slice %select_n3A_208 {offsets = [0, 63], sizes = [128, 1], strides = [1, 1]} : vector<128x128xf32> to vector<128x1xf32>
      %concatenate3A_616 = tpu.concatenate %slice3A_608, %slice3A_609, %slice3A_610, %slice3A_611, %slice3A_612, %slice3A_613, %slice3A_614, %slice3A_615 in 0 : vector<128x1xf32>, vector<128x1xf32>, vector<128x1xf32>, vector<128x1xf32>, vector<128x1xf32>, vector<128x1xf32>, vector<128x1xf32>, vector<128x1xf32> -> vector<1024x1xf32>
      %dot_general3A_617 = arith.constant dense<0.000000e+00> : vector<1024x128xf32>
      %dot_general3A_618 = tpu.matmul %exp3A_607, %get3A_98, %dot_general3A_617 {dimension_numbers = #tpu.dot_dimension_numbers<[0], [0], [1], [1], [0, 1, 1, 1], [], []>, transpose_lhs_hint = false} : vector<50x1024xf32>, vector<50x128xf32>, vector<1024x128xf32> -> vector<1024x128xf32>
      %add3A_619 = vector.broadcast %get3A_101 : vector<1x128xf32> to vector<1024x128xf32>
      %add3A_620 = arith.addf %dot_general3A_618, %add3A_619 : vector<1024x128xf32>
      %exp3A_621 = math.exp %add3A_620 : vector<1024x128xf32>
      %mul3A_622 = arith.constant 5.000000e-01 : f32
      %mul3A_623 = vector.broadcast %mul3A_622 : f32 to vector<1024x128xf32>
      %mul3A_624 = arith.mulf %mul3A_623, %exp3A_621 : vector<1024x128xf32>
      %add3A_625 = arith.constant 5.000000e-01 : f32
      %add3A_626 = vector.broadcast %add3A_625 : f32 to vector<1024x128xf32>
      %add3A_627 = arith.addf %add3A_626, %mul3A_624 : vector<1024x128xf32>
      %log3A_628 = math.log %add3A_627 : vector<1024x128xf32>
      %dot_general3A_629 = arith.constant dense<0.000000e+00> : vector<1024x128xf32>
      %dot_general3A_630 = tpu.matmul %log3A_628, %get3A_104, %dot_general3A_629 {dimension_numbers = #tpu.dot_dimension_numbers<[1], [0], [0], [1], [0, 0, 1, 1], [], []>, transpose_lhs_hint = false} : vector<1024x128xf32>, vector<128x128xf32>, vector<1024x128xf32> -> vector<1024x128xf32>
      %add3A_631 = vector.broadcast %get3A_107 : vector<1x128xf32> to vector<1024x128xf32>
      %add3A_632 = arith.addf %dot_general3A_630, %add3A_631 : vector<1024x128xf32>
      %mul3A_633 = vector.broadcast %concatenate3A_616 : vector<1024x1xf32> to vector<1024x128xf32>
      %mul3A_634 = arith.mulf %add3A_632, %mul3A_633 : vector<1024x128xf32>
      %mul3A_635 = arith.mulf %mul3A_634, %concatenate3A : vector<1024x128xf32>
      %reshape3A_636 = vector.shape_cast %mul3A_635 : vector<1024x128xf32> to vector<8x128x128xf32>
      %reduce_sum3A_637 = arith.constant dense<0.000000e+00> : vector<8x128xf32>
      %reduce_sum3A_638 = vector.multi_reduction <add>, %reshape3A_636, %reduce_sum3A_637 [1] : vector<8x128x128xf32> to vector<8x128xf32>
      %get3A_639 = arith.constant 56 : index
      %get3A_640 = arith.constant 0 : index
      %get3A_641 = vector.load %arg17[%get3A_639, %get3A_640] : memref<128x128xf32, #tpu.memory_space<vmem>>, vector<8x128xf32>
      %add3A_642 = arith.addf %get3A_641, %reduce_sum3A_638 : vector<8x128xf32>
      %swap3A_643 = arith.constant 56 : index
      %swap3A_644 = arith.constant 0 : index
      %swap3A_645 = vector.load %arg17[%swap3A_643, %swap3A_644] : memref<128x128xf32, #tpu.memory_space<vmem>>, vector<8x128xf32>
      tpu.vector_store %arg17[%swap3A_643, %swap3A_644], %add3A_642 {strides = array<i32>} : memref<128x128xf32, #tpu.memory_space<vmem>>, vector<8x128xf32>,
      %slice3A_646 = vector.extract_strided_slice %transpose3A_216 {offsets = [64, 0], sizes = [1, 128], strides = [1, 1]} : vector<128x128xf32> to vector<1x128xf32>
      %slice3A_647 = vector.extract_strided_slice %transpose3A_216 {offsets = [65, 0], sizes = [1, 128], strides = [1, 1]} : vector<128x128xf32> to vector<1x128xf32>
      %slice3A_648 = vector.extract_strided_slice %transpose3A_216 {offsets = [66, 0], sizes = [1, 128], strides = [1, 1]} : vector<128x128xf32> to vector<1x128xf32>
      %slice3A_649 = vector.extract_strided_slice %transpose3A_216 {offsets = [67, 0], sizes = [1, 128], strides = [1, 1]} : vector<128x128xf32> to vector<1x128xf32>
      %slice3A_650 = vector.extract_strided_slice %transpose3A_216 {offsets = [68, 0], sizes = [1, 128], strides = [1, 1]} : vector<128x128xf32> to vector<1x128xf32>
      %slice3A_651 = vector.extract_strided_slice %transpose3A_216 {offsets = [69, 0], sizes = [1, 128], strides = [1, 1]} : vector<128x128xf32> to vector<1x128xf32>
      %slice3A_652 = vector.extract_strided_slice %transpose3A_216 {offsets = [70, 0], sizes = [1, 128], strides = [1, 1]} : vector<128x128xf32> to vector<1x128xf32>
      %slice3A_653 = vector.extract_strided_slice %transpose3A_216 {offsets = [71, 0], sizes = [1, 128], strides = [1, 1]} : vector<128x128xf32> to vector<1x128xf32>
      %concatenate3A_654 = tpu.concatenate %slice3A_646, %slice3A_647, %slice3A_648, %slice3A_649, %slice3A_650, %slice3A_651, %slice3A_652, %slice3A_653 in 1 : vector<1x128xf32>, vector<1x128xf32>, vector<1x128xf32>, vector<1x128xf32>, vector<1x128xf32>, vector<1x128xf32>, vector<1x128xf32>, vector<1x128xf32> -> vector<1x1024xf32>
      %sub3A_655 = vector.broadcast %concatenate3A_654 : vector<1x1024xf32> to vector<50x1024xf32>
      %sub3A_656 = vector.broadcast %transpose3A : vector<50x1xf32> to vector<50x1024xf32>
      %sub3A_657 = arith.subf %sub3A_655, %sub3A_656 : vector<50x1024xf32>
      %integer_pow3A_658 = arith.mulf %sub3A_657, %sub3A_657 : vector<50x1024xf32>
      %mul3A_659 = vector.broadcast %get3A_2 : f32 to vector<50x1024xf32>
      %mul3A_660 = arith.mulf %mul3A_659, %integer_pow3A_658 : vector<50x1024xf32>
      %exp3A_661 = math.exp %mul3A_660 : vector<50x1024xf32>
      %slice3A_662 = vector.extract_strided_slice %select_n3A_208 {offsets = [0, 64], sizes = [128, 1], strides = [1, 1]} : vector<128x128xf32> to vector<128x1xf32>
      %slice3A_663 = vector.extract_strided_slice %select_n3A_208 {offsets = [0, 65], sizes = [128, 1], strides = [1, 1]} : vector<128x128xf32> to vector<128x1xf32>
      %slice3A_664 = vector.extract_strided_slice %select_n3A_208 {offsets = [0, 66], sizes = [128, 1], strides = [1, 1]} : vector<128x128xf32> to vector<128x1xf32>
      %slice3A_665 = vector.extract_strided_slice %select_n3A_208 {offsets = [0, 67], sizes = [128, 1], strides = [1, 1]} : vector<128x128xf32> to vector<128x1xf32>
      %slice3A_666 = vector.extract_strided_slice %select_n3A_208 {offsets = [0, 68], sizes = [128, 1], strides = [1, 1]} : vector<128x128xf32> to vector<128x1xf32>
      %slice3A_667 = vector.extract_strided_slice %select_n3A_208 {offsets = [0, 69], sizes = [128, 1], strides = [1, 1]} : vector<128x128xf32> to vector<128x1xf32>
      %slice3A_668 = vector.extract_strided_slice %select_n3A_208 {offsets = [0, 70], sizes = [128, 1], strides = [1, 1]} : vector<128x128xf32> to vector<128x1xf32>
      %slice3A_669 = vector.extract_strided_slice %select_n3A_208 {offsets = [0, 71], sizes = [128, 1], strides = [1, 1]} : vector<128x128xf32> to vector<128x1xf32>
      %concatenate3A_670 = tpu.concatenate %slice3A_662, %slice3A_663, %slice3A_664, %slice3A_665, %slice3A_666, %slice3A_667, %slice3A_668, %slice3A_669 in 0 : vector<128x1xf32>, vector<128x1xf32>, vector<128x1xf32>, vector<128x1xf32>, vector<128x1xf32>, vector<128x1xf32>, vector<128x1xf32>, vector<128x1xf32> -> vector<1024x1xf32>
      %dot_general3A_671 = arith.constant dense<0.000000e+00> : vector<1024x128xf32>
      %dot_general3A_672 = tpu.matmul %exp3A_661, %get3A_98, %dot_general3A_671 {dimension_numbers = #tpu.dot_dimension_numbers<[0], [0], [1], [1], [0, 1, 1, 1], [], []>, transpose_lhs_hint = false} : vector<50x1024xf32>, vector<50x128xf32>, vector<1024x128xf32> -> vector<1024x128xf32>
      %add3A_673 = vector.broadcast %get3A_101 : vector<1x128xf32> to vector<1024x128xf32>
      %add3A_674 = arith.addf %dot_general3A_672, %add3A_673 : vector<1024x128xf32>
      %exp3A_675 = math.exp %add3A_674 : vector<1024x128xf32>
      %mul3A_676 = arith.constant 5.000000e-01 : f32
      %mul3A_677 = vector.broadcast %mul3A_676 : f32 to vector<1024x128xf32>
      %mul3A_678 = arith.mulf %mul3A_677, %exp3A_675 : vector<1024x128xf32>
      %add3A_679 = arith.constant 5.000000e-01 : f32
      %add3A_680 = vector.broadcast %add3A_679 : f32 to vector<1024x128xf32>
      %add3A_681 = arith.addf %add3A_680, %mul3A_678 : vector<1024x128xf32>
      %log3A_682 = math.log %add3A_681 : vector<1024x128xf32>
      %dot_general3A_683 = arith.constant dense<0.000000e+00> : vector<1024x128xf32>
      %dot_general3A_684 = tpu.matmul %log3A_682, %get3A_104, %dot_general3A_683 {dimension_numbers = #tpu.dot_dimension_numbers<[1], [0], [0], [1], [0, 0, 1, 1], [], []>, transpose_lhs_hint = false} : vector<1024x128xf32>, vector<128x128xf32>, vector<1024x128xf32> -> vector<1024x128xf32>
      %add3A_685 = vector.broadcast %get3A_107 : vector<1x128xf32> to vector<1024x128xf32>
      %add3A_686 = arith.addf %dot_general3A_684, %add3A_685 : vector<1024x128xf32>
      %mul3A_687 = vector.broadcast %concatenate3A_670 : vector<1024x1xf32> to vector<1024x128xf32>
      %mul3A_688 = arith.mulf %add3A_686, %mul3A_687 : vector<1024x128xf32>
      %mul3A_689 = arith.mulf %mul3A_688, %concatenate3A : vector<1024x128xf32>
      %reshape3A_690 = vector.shape_cast %mul3A_689 : vector<1024x128xf32> to vector<8x128x128xf32>
      %reduce_sum3A_691 = arith.constant dense<0.000000e+00> : vector<8x128xf32>
      %reduce_sum3A_692 = vector.multi_reduction <add>, %reshape3A_690, %reduce_sum3A_691 [1] : vector<8x128x128xf32> to vector<8x128xf32>
      %get3A_693 = arith.constant 64 : index
      %get3A_694 = arith.constant 0 : index
      %get3A_695 = vector.load %arg17[%get3A_693, %get3A_694] : memref<128x128xf32, #tpu.memory_space<vmem>>, vector<8x128xf32>
      %add3A_696 = arith.addf %get3A_695, %reduce_sum3A_692 : vector<8x128xf32>
      %swap3A_697 = arith.constant 64 : index
      %swap3A_698 = arith.constant 0 : index
      %swap3A_699 = vector.load %arg17[%swap3A_697, %swap3A_698] : memref<128x128xf32, #tpu.memory_space<vmem>>, vector<8x128xf32>
      tpu.vector_store %arg17[%swap3A_697, %swap3A_698], %add3A_696 {strides = array<i32>} : memref<128x128xf32, #tpu.memory_space<vmem>>, vector<8x128xf32>,
      %slice3A_700 = vector.extract_strided_slice %transpose3A_216 {offsets = [72, 0], sizes = [1, 128], strides = [1, 1]} : vector<128x128xf32> to vector<1x128xf32>
      %slice3A_701 = vector.extract_strided_slice %transpose3A_216 {offsets = [73, 0], sizes = [1, 128], strides = [1, 1]} : vector<128x128xf32> to vector<1x128xf32>
      %slice3A_702 = vector.extract_strided_slice %transpose3A_216 {offsets = [74, 0], sizes = [1, 128], strides = [1, 1]} : vector<128x128xf32> to vector<1x128xf32>
      %slice3A_703 = vector.extract_strided_slice %transpose3A_216 {offsets = [75, 0], sizes = [1, 128], strides = [1, 1]} : vector<128x128xf32> to vector<1x128xf32>
      %slice3A_704 = vector.extract_strided_slice %transpose3A_216 {offsets = [76, 0], sizes = [1, 128], strides = [1, 1]} : vector<128x128xf32> to vector<1x128xf32>
      %slice3A_705 = vector.extract_strided_slice %transpose3A_216 {offsets = [77, 0], sizes = [1, 128], strides = [1, 1]} : vector<128x128xf32> to vector<1x128xf32>
      %slice3A_706 = vector.extract_strided_slice %transpose3A_216 {offsets = [78, 0], sizes = [1, 128], strides = [1, 1]} : vector<128x128xf32> to vector<1x128xf32>
      %slice3A_707 = vector.extract_strided_slice %transpose3A_216 {offsets = [79, 0], sizes = [1, 128], strides = [1, 1]} : vector<128x128xf32> to vector<1x128xf32>
      %concatenate3A_708 = tpu.concatenate %slice3A_700, %slice3A_701, %slice3A_702, %slice3A_703, %slice3A_704, %slice3A_705, %slice3A_706, %slice3A_707 in 1 : vector<1x128xf32>, vector<1x128xf32>, vector<1x128xf32>, vector<1x128xf32>, vector<1x128xf32>, vector<1x128xf32>, vector<1x128xf32>, vector<1x128xf32> -> vector<1x1024xf32>
      %sub3A_709 = vector.broadcast %concatenate3A_708 : vector<1x1024xf32> to vector<50x1024xf32>
      %sub3A_710 = vector.broadcast %transpose3A : vector<50x1xf32> to vector<50x1024xf32>
      %sub3A_711 = arith.subf %sub3A_709, %sub3A_710 : vector<50x1024xf32>
      %integer_pow3A_712 = arith.mulf %sub3A_711, %sub3A_711 : vector<50x1024xf32>
      %mul3A_713 = vector.broadcast %get3A_2 : f32 to vector<50x1024xf32>
      %mul3A_714 = arith.mulf %mul3A_713, %integer_pow3A_712 : vector<50x1024xf32>
      %exp3A_715 = math.exp %mul3A_714 : vector<50x1024xf32>
      %slice3A_716 = vector.extract_strided_slice %select_n3A_208 {offsets = [0, 72], sizes = [128, 1], strides = [1, 1]} : vector<128x128xf32> to vector<128x1xf32>
      %slice3A_717 = vector.extract_strided_slice %select_n3A_208 {offsets = [0, 73], sizes = [128, 1], strides = [1, 1]} : vector<128x128xf32> to vector<128x1xf32>
      %slice3A_718 = vector.extract_strided_slice %select_n3A_208 {offsets = [0, 74], sizes = [128, 1], strides = [1, 1]} : vector<128x128xf32> to vector<128x1xf32>
      %slice3A_719 = vector.extract_strided_slice %select_n3A_208 {offsets = [0, 75], sizes = [128, 1], strides = [1, 1]} : vector<128x128xf32> to vector<128x1xf32>
      %slice3A_720 = vector.extract_strided_slice %select_n3A_208 {offsets = [0, 76], sizes = [128, 1], strides = [1, 1]} : vector<128x128xf32> to vector<128x1xf32>
      %slice3A_721 = vector.extract_strided_slice %select_n3A_208 {offsets = [0, 77], sizes = [128, 1], strides = [1, 1]} : vector<128x128xf32> to vector<128x1xf32>
      %slice3A_722 = vector.extract_strided_slice %select_n3A_208 {offsets = [0, 78], sizes = [128, 1], strides = [1, 1]} : vector<128x128xf32> to vector<128x1xf32>
      %slice3A_723 = vector.extract_strided_slice %select_n3A_208 {offsets = [0, 79], sizes = [128, 1], strides = [1, 1]} : vector<128x128xf32> to vector<128x1xf32>
      %concatenate3A_724 = tpu.concatenate %slice3A_716, %slice3A_717, %slice3A_718, %slice3A_719, %slice3A_720, %slice3A_721, %slice3A_722, %slice3A_723 in 0 : vector<128x1xf32>, vector<128x1xf32>, vector<128x1xf32>, vector<128x1xf32>, vector<128x1xf32>, vector<128x1xf32>, vector<128x1xf32>, vector<128x1xf32> -> vector<1024x1xf32>
      %dot_general3A_725 = arith.constant dense<0.000000e+00> : vector<1024x128xf32>
      %dot_general3A_726 = tpu.matmul %exp3A_715, %get3A_98, %dot_general3A_725 {dimension_numbers = #tpu.dot_dimension_numbers<[0], [0], [1], [1], [0, 1, 1, 1], [], []>, transpose_lhs_hint = false} : vector<50x1024xf32>, vector<50x128xf32>, vector<1024x128xf32> -> vector<1024x128xf32>
      %add3A_727 = vector.broadcast %get3A_101 : vector<1x128xf32> to vector<1024x128xf32>
      %add3A_728 = arith.addf %dot_general3A_726, %add3A_727 : vector<1024x128xf32>
      %exp3A_729 = math.exp %add3A_728 : vector<1024x128xf32>
      %mul3A_730 = arith.constant 5.000000e-01 : f32
      %mul3A_731 = vector.broadcast %mul3A_730 : f32 to vector<1024x128xf32>
      %mul3A_732 = arith.mulf %mul3A_731, %exp3A_729 : vector<1024x128xf32>
      %add3A_733 = arith.constant 5.000000e-01 : f32
      %add3A_734 = vector.broadcast %add3A_733 : f32 to vector<1024x128xf32>
      %add3A_735 = arith.addf %add3A_734, %mul3A_732 : vector<1024x128xf32>
      %log3A_736 = math.log %add3A_735 : vector<1024x128xf32>
      %dot_general3A_737 = arith.constant dense<0.000000e+00> : vector<1024x128xf32>
      %dot_general3A_738 = tpu.matmul %log3A_736, %get3A_104, %dot_general3A_737 {dimension_numbers = #tpu.dot_dimension_numbers<[1], [0], [0], [1], [0, 0, 1, 1], [], []>, transpose_lhs_hint = false} : vector<1024x128xf32>, vector<128x128xf32>, vector<1024x128xf32> -> vector<1024x128xf32>
      %add3A_739 = vector.broadcast %get3A_107 : vector<1x128xf32> to vector<1024x128xf32>
      %add3A_740 = arith.addf %dot_general3A_738, %add3A_739 : vector<1024x128xf32>
      %mul3A_741 = vector.broadcast %concatenate3A_724 : vector<1024x1xf32> to vector<1024x128xf32>
      %mul3A_742 = arith.mulf %add3A_740, %mul3A_741 : vector<1024x128xf32>
      %mul3A_743 = arith.mulf %mul3A_742, %concatenate3A : vector<1024x128xf32>
      %reshape3A_744 = vector.shape_cast %mul3A_743 : vector<1024x128xf32> to vector<8x128x128xf32>
      %reduce_sum3A_745 = arith.constant dense<0.000000e+00> : vector<8x128xf32>
      %reduce_sum3A_746 = vector.multi_reduction <add>, %reshape3A_744, %reduce_sum3A_745 [1] : vector<8x128x128xf32> to vector<8x128xf32>
      %get3A_747 = arith.constant 72 : index
      %get3A_748 = arith.constant 0 : index
      %get3A_749 = vector.load %arg17[%get3A_747, %get3A_748] : memref<128x128xf32, #tpu.memory_space<vmem>>, vector<8x128xf32>
      %add3A_750 = arith.addf %get3A_749, %reduce_sum3A_746 : vector<8x128xf32>
      %swap3A_751 = arith.constant 72 : index
      %swap3A_752 = arith.constant 0 : index
      %swap3A_753 = vector.load %arg17[%swap3A_751, %swap3A_752] : memref<128x128xf32, #tpu.memory_space<vmem>>, vector<8x128xf32>
      tpu.vector_store %arg17[%swap3A_751, %swap3A_752], %add3A_750 {strides = array<i32>} : memref<128x128xf32, #tpu.memory_space<vmem>>, vector<8x128xf32>,
      %slice3A_754 = vector.extract_strided_slice %transpose3A_216 {offsets = [80, 0], sizes = [1, 128], strides = [1, 1]} : vector<128x128xf32> to vector<1x128xf32>
      %slice3A_755 = vector.extract_strided_slice %transpose3A_216 {offsets = [81, 0], sizes = [1, 128], strides = [1, 1]} : vector<128x128xf32> to vector<1x128xf32>
      %slice3A_756 = vector.extract_strided_slice %transpose3A_216 {offsets = [82, 0], sizes = [1, 128], strides = [1, 1]} : vector<128x128xf32> to vector<1x128xf32>
      %slice3A_757 = vector.extract_strided_slice %transpose3A_216 {offsets = [83, 0], sizes = [1, 128], strides = [1, 1]} : vector<128x128xf32> to vector<1x128xf32>
      %slice3A_758 = vector.extract_strided_slice %transpose3A_216 {offsets = [84, 0], sizes = [1, 128], strides = [1, 1]} : vector<128x128xf32> to vector<1x128xf32>
      %slice3A_759 = vector.extract_strided_slice %transpose3A_216 {offsets = [85, 0], sizes = [1, 128], strides = [1, 1]} : vector<128x128xf32> to vector<1x128xf32>
      %slice3A_760 = vector.extract_strided_slice %transpose3A_216 {offsets = [86, 0], sizes = [1, 128], strides = [1, 1]} : vector<128x128xf32> to vector<1x128xf32>
      %slice3A_761 = vector.extract_strided_slice %transpose3A_216 {offsets = [87, 0], sizes = [1, 128], strides = [1, 1]} : vector<128x128xf32> to vector<1x128xf32>
      %concatenate3A_762 = tpu.concatenate %slice3A_754, %slice3A_755, %slice3A_756, %slice3A_757, %slice3A_758, %slice3A_759, %slice3A_760, %slice3A_761 in 1 : vector<1x128xf32>, vector<1x128xf32>, vector<1x128xf32>, vector<1x128xf32>, vector<1x128xf32>, vector<1x128xf32>, vector<1x128xf32>, vector<1x128xf32> -> vector<1x1024xf32>
      %sub3A_763 = vector.broadcast %concatenate3A_762 : vector<1x1024xf32> to vector<50x1024xf32>
      %sub3A_764 = vector.broadcast %transpose3A : vector<50x1xf32> to vector<50x1024xf32>
      %sub3A_765 = arith.subf %sub3A_763, %sub3A_764 : vector<50x1024xf32>
      %integer_pow3A_766 = arith.mulf %sub3A_765, %sub3A_765 : vector<50x1024xf32>
      %mul3A_767 = vector.broadcast %get3A_2 : f32 to vector<50x1024xf32>
      %mul3A_768 = arith.mulf %mul3A_767, %integer_pow3A_766 : vector<50x1024xf32>
      %exp3A_769 = math.exp %mul3A_768 : vector<50x1024xf32>
      %slice3A_770 = vector.extract_strided_slice %select_n3A_208 {offsets = [0, 80], sizes = [128, 1], strides = [1, 1]} : vector<128x128xf32> to vector<128x1xf32>
      %slice3A_771 = vector.extract_strided_slice %select_n3A_208 {offsets = [0, 81], sizes = [128, 1], strides = [1, 1]} : vector<128x128xf32> to vector<128x1xf32>
      %slice3A_772 = vector.extract_strided_slice %select_n3A_208 {offsets = [0, 82], sizes = [128, 1], strides = [1, 1]} : vector<128x128xf32> to vector<128x1xf32>
      %slice3A_773 = vector.extract_strided_slice %select_n3A_208 {offsets = [0, 83], sizes = [128, 1], strides = [1, 1]} : vector<128x128xf32> to vector<128x1xf32>
      %slice3A_774 = vector.extract_strided_slice %select_n3A_208 {offsets = [0, 84], sizes = [128, 1], strides = [1, 1]} : vector<128x128xf32> to vector<128x1xf32>
      %slice3A_775 = vector.extract_strided_slice %select_n3A_208 {offsets = [0, 85], sizes = [128, 1], strides = [1, 1]} : vector<128x128xf32> to vector<128x1xf32>
      %slice3A_776 = vector.extract_strided_slice %select_n3A_208 {offsets = [0, 86], sizes = [128, 1], strides = [1, 1]} : vector<128x128xf32> to vector<128x1xf32>
      %slice3A_777 = vector.extract_strided_slice %select_n3A_208 {offsets = [0, 87], sizes = [128, 1], strides = [1, 1]} : vector<128x128xf32> to vector<128x1xf32>
      %concatenate3A_778 = tpu.concatenate %slice3A_770, %slice3A_771, %slice3A_772, %slice3A_773, %slice3A_774, %slice3A_775, %slice3A_776, %slice3A_777 in 0 : vector<128x1xf32>, vector<128x1xf32>, vector<128x1xf32>, vector<128x1xf32>, vector<128x1xf32>, vector<128x1xf32>, vector<128x1xf32>, vector<128x1xf32> -> vector<1024x1xf32>
      %dot_general3A_779 = arith.constant dense<0.000000e+00> : vector<1024x128xf32>
      %dot_general3A_780 = tpu.matmul %exp3A_769, %get3A_98, %dot_general3A_779 {dimension_numbers = #tpu.dot_dimension_numbers<[0], [0], [1], [1], [0, 1, 1, 1], [], []>, transpose_lhs_hint = false} : vector<50x1024xf32>, vector<50x128xf32>, vector<1024x128xf32> -> vector<1024x128xf32>
      %add3A_781 = vector.broadcast %get3A_101 : vector<1x128xf32> to vector<1024x128xf32>
      %add3A_782 = arith.addf %dot_general3A_780, %add3A_781 : vector<1024x128xf32>
      %exp3A_783 = math.exp %add3A_782 : vector<1024x128xf32>
      %mul3A_784 = arith.constant 5.000000e-01 : f32
      %mul3A_785 = vector.broadcast %mul3A_784 : f32 to vector<1024x128xf32>
      %mul3A_786 = arith.mulf %mul3A_785, %exp3A_783 : vector<1024x128xf32>
      %add3A_787 = arith.constant 5.000000e-01 : f32
      %add3A_788 = vector.broadcast %add3A_787 : f32 to vector<1024x128xf32>
      %add3A_789 = arith.addf %add3A_788, %mul3A_786 : vector<1024x128xf32>
      %log3A_790 = math.log %add3A_789 : vector<1024x128xf32>
      %dot_general3A_791 = arith.constant dense<0.000000e+00> : vector<1024x128xf32>
      %dot_general3A_792 = tpu.matmul %log3A_790, %get3A_104, %dot_general3A_791 {dimension_numbers = #tpu.dot_dimension_numbers<[1], [0], [0], [1], [0, 0, 1, 1], [], []>, transpose_lhs_hint = false} : vector<1024x128xf32>, vector<128x128xf32>, vector<1024x128xf32> -> vector<1024x128xf32>
      %add3A_793 = vector.broadcast %get3A_107 : vector<1x128xf32> to vector<1024x128xf32>
      %add3A_794 = arith.addf %dot_general3A_792, %add3A_793 : vector<1024x128xf32>
      %mul3A_795 = vector.broadcast %concatenate3A_778 : vector<1024x1xf32> to vector<1024x128xf32>
      %mul3A_796 = arith.mulf %add3A_794, %mul3A_795 : vector<1024x128xf32>
      %mul3A_797 = arith.mulf %mul3A_796, %concatenate3A : vector<1024x128xf32>
      %reshape3A_798 = vector.shape_cast %mul3A_797 : vector<1024x128xf32> to vector<8x128x128xf32>
      %reduce_sum3A_799 = arith.constant dense<0.000000e+00> : vector<8x128xf32>
      %reduce_sum3A_800 = vector.multi_reduction <add>, %reshape3A_798, %reduce_sum3A_799 [1] : vector<8x128x128xf32> to vector<8x128xf32>
      %get3A_801 = arith.constant 80 : index
      %get3A_802 = arith.constant 0 : index
      %get3A_803 = vector.load %arg17[%get3A_801, %get3A_802] : memref<128x128xf32, #tpu.memory_space<vmem>>, vector<8x128xf32>
      %add3A_804 = arith.addf %get3A_803, %reduce_sum3A_800 : vector<8x128xf32>
      %swap3A_805 = arith.constant 80 : index
      %swap3A_806 = arith.constant 0 : index
      %swap3A_807 = vector.load %arg17[%swap3A_805, %swap3A_806] : memref<128x128xf32, #tpu.memory_space<vmem>>, vector<8x128xf32>
      tpu.vector_store %arg17[%swap3A_805, %swap3A_806], %add3A_804 {strides = array<i32>} : memref<128x128xf32, #tpu.memory_space<vmem>>, vector<8x128xf32>,
      %slice3A_808 = vector.extract_strided_slice %transpose3A_216 {offsets = [88, 0], sizes = [1, 128], strides = [1, 1]} : vector<128x128xf32> to vector<1x128xf32>
      %slice3A_809 = vector.extract_strided_slice %transpose3A_216 {offsets = [89, 0], sizes = [1, 128], strides = [1, 1]} : vector<128x128xf32> to vector<1x128xf32>
      %slice3A_810 = vector.extract_strided_slice %transpose3A_216 {offsets = [90, 0], sizes = [1, 128], strides = [1, 1]} : vector<128x128xf32> to vector<1x128xf32>
      %slice3A_811 = vector.extract_strided_slice %transpose3A_216 {offsets = [91, 0], sizes = [1, 128], strides = [1, 1]} : vector<128x128xf32> to vector<1x128xf32>
      %slice3A_812 = vector.extract_strided_slice %transpose3A_216 {offsets = [92, 0], sizes = [1, 128], strides = [1, 1]} : vector<128x128xf32> to vector<1x128xf32>
      %slice3A_813 = vector.extract_strided_slice %transpose3A_216 {offsets = [93, 0], sizes = [1, 128], strides = [1, 1]} : vector<128x128xf32> to vector<1x128xf32>
      %slice3A_814 = vector.extract_strided_slice %transpose3A_216 {offsets = [94, 0], sizes = [1, 128], strides = [1, 1]} : vector<128x128xf32> to vector<1x128xf32>
      %slice3A_815 = vector.extract_strided_slice %transpose3A_216 {offsets = [95, 0], sizes = [1, 128], strides = [1, 1]} : vector<128x128xf32> to vector<1x128xf32>
      %concatenate3A_816 = tpu.concatenate %slice3A_808, %slice3A_809, %slice3A_810, %slice3A_811, %slice3A_812, %slice3A_813, %slice3A_814, %slice3A_815 in 1 : vector<1x128xf32>, vector<1x128xf32>, vector<1x128xf32>, vector<1x128xf32>, vector<1x128xf32>, vector<1x128xf32>, vector<1x128xf32>, vector<1x128xf32> -> vector<1x1024xf32>
      %sub3A_817 = vector.broadcast %concatenate3A_816 : vector<1x1024xf32> to vector<50x1024xf32>
      %sub3A_818 = vector.broadcast %transpose3A : vector<50x1xf32> to vector<50x1024xf32>
      %sub3A_819 = arith.subf %sub3A_817, %sub3A_818 : vector<50x1024xf32>
      %integer_pow3A_820 = arith.mulf %sub3A_819, %sub3A_819 : vector<50x1024xf32>
      %mul3A_821 = vector.broadcast %get3A_2 : f32 to vector<50x1024xf32>
      %mul3A_822 = arith.mulf %mul3A_821, %integer_pow3A_820 : vector<50x1024xf32>
      %exp3A_823 = math.exp %mul3A_822 : vector<50x1024xf32>
      %slice3A_824 = vector.extract_strided_slice %select_n3A_208 {offsets = [0, 88], sizes = [128, 1], strides = [1, 1]} : vector<128x128xf32> to vector<128x1xf32>
      %slice3A_825 = vector.extract_strided_slice %select_n3A_208 {offsets = [0, 89], sizes = [128, 1], strides = [1, 1]} : vector<128x128xf32> to vector<128x1xf32>
      %slice3A_826 = vector.extract_strided_slice %select_n3A_208 {offsets = [0, 90], sizes = [128, 1], strides = [1, 1]} : vector<128x128xf32> to vector<128x1xf32>
      %slice3A_827 = vector.extract_strided_slice %select_n3A_208 {offsets = [0, 91], sizes = [128, 1], strides = [1, 1]} : vector<128x128xf32> to vector<128x1xf32>
      %slice3A_828 = vector.extract_strided_slice %select_n3A_208 {offsets = [0, 92], sizes = [128, 1], strides = [1, 1]} : vector<128x128xf32> to vector<128x1xf32>
      %slice3A_829 = vector.extract_strided_slice %select_n3A_208 {offsets = [0, 93], sizes = [128, 1], strides = [1, 1]} : vector<128x128xf32> to vector<128x1xf32>
      %slice3A_830 = vector.extract_strided_slice %select_n3A_208 {offsets = [0, 94], sizes = [128, 1], strides = [1, 1]} : vector<128x128xf32> to vector<128x1xf32>
      %slice3A_831 = vector.extract_strided_slice %select_n3A_208 {offsets = [0, 95], sizes = [128, 1], strides = [1, 1]} : vector<128x128xf32> to vector<128x1xf32>
      %concatenate3A_832 = tpu.concatenate %slice3A_824, %slice3A_825, %slice3A_826, %slice3A_827, %slice3A_828, %slice3A_829, %slice3A_830, %slice3A_831 in 0 : vector<128x1xf32>, vector<128x1xf32>, vector<128x1xf32>, vector<128x1xf32>, vector<128x1xf32>, vector<128x1xf32>, vector<128x1xf32>, vector<128x1xf32> -> vector<1024x1xf32>
      %dot_general3A_833 = arith.constant dense<0.000000e+00> : vector<1024x128xf32>
      %dot_general3A_834 = tpu.matmul %exp3A_823, %get3A_98, %dot_general3A_833 {dimension_numbers = #tpu.dot_dimension_numbers<[0], [0], [1], [1], [0, 1, 1, 1], [], []>, transpose_lhs_hint = false} : vector<50x1024xf32>, vector<50x128xf32>, vector<1024x128xf32> -> vector<1024x128xf32>
      %add3A_835 = vector.broadcast %get3A_101 : vector<1x128xf32> to vector<1024x128xf32>
      %add3A_836 = arith.addf %dot_general3A_834, %add3A_835 : vector<1024x128xf32>
      %exp3A_837 = math.exp %add3A_836 : vector<1024x128xf32>
      %mul3A_838 = arith.constant 5.000000e-01 : f32
      %mul3A_839 = vector.broadcast %mul3A_838 : f32 to vector<1024x128xf32>
      %mul3A_840 = arith.mulf %mul3A_839, %exp3A_837 : vector<1024x128xf32>
      %add3A_841 = arith.constant 5.000000e-01 : f32
      %add3A_842 = vector.broadcast %add3A_841 : f32 to vector<1024x128xf32>
      %add3A_843 = arith.addf %add3A_842, %mul3A_840 : vector<1024x128xf32>
      %log3A_844 = math.log %add3A_843 : vector<1024x128xf32>
      %dot_general3A_845 = arith.constant dense<0.000000e+00> : vector<1024x128xf32>
      %dot_general3A_846 = tpu.matmul %log3A_844, %get3A_104, %dot_general3A_845 {dimension_numbers = #tpu.dot_dimension_numbers<[1], [0], [0], [1], [0, 0, 1, 1], [], []>, transpose_lhs_hint = false} : vector<1024x128xf32>, vector<128x128xf32>, vector<1024x128xf32> -> vector<1024x128xf32>
      %add3A_847 = vector.broadcast %get3A_107 : vector<1x128xf32> to vector<1024x128xf32>
      %add3A_848 = arith.addf %dot_general3A_846, %add3A_847 : vector<1024x128xf32>
      %mul3A_849 = vector.broadcast %concatenate3A_832 : vector<1024x1xf32> to vector<1024x128xf32>
      %mul3A_850 = arith.mulf %add3A_848, %mul3A_849 : vector<1024x128xf32>
      %mul3A_851 = arith.mulf %mul3A_850, %concatenate3A : vector<1024x128xf32>
      %reshape3A_852 = vector.shape_cast %mul3A_851 : vector<1024x128xf32> to vector<8x128x128xf32>
      %reduce_sum3A_853 = arith.constant dense<0.000000e+00> : vector<8x128xf32>
      %reduce_sum3A_854 = vector.multi_reduction <add>, %reshape3A_852, %reduce_sum3A_853 [1] : vector<8x128x128xf32> to vector<8x128xf32>
      %get3A_855 = arith.constant 88 : index
      %get3A_856 = arith.constant 0 : index
      %get3A_857 = vector.load %arg17[%get3A_855, %get3A_856] : memref<128x128xf32, #tpu.memory_space<vmem>>, vector<8x128xf32>
      %add3A_858 = arith.addf %get3A_857, %reduce_sum3A_854 : vector<8x128xf32>
      %swap3A_859 = arith.constant 88 : index
      %swap3A_860 = arith.constant 0 : index
      %swap3A_861 = vector.load %arg17[%swap3A_859, %swap3A_860] : memref<128x128xf32, #tpu.memory_space<vmem>>, vector<8x128xf32>
      tpu.vector_store %arg17[%swap3A_859, %swap3A_860], %add3A_858 {strides = array<i32>} : memref<128x128xf32, #tpu.memory_space<vmem>>, vector<8x128xf32>,
      %slice3A_862 = vector.extract_strided_slice %transpose3A_216 {offsets = [96, 0], sizes = [1, 128], strides = [1, 1]} : vector<128x128xf32> to vector<1x128xf32>
      %slice3A_863 = vector.extract_strided_slice %transpose3A_216 {offsets = [97, 0], sizes = [1, 128], strides = [1, 1]} : vector<128x128xf32> to vector<1x128xf32>
      %slice3A_864 = vector.extract_strided_slice %transpose3A_216 {offsets = [98, 0], sizes = [1, 128], strides = [1, 1]} : vector<128x128xf32> to vector<1x128xf32>
      %slice3A_865 = vector.extract_strided_slice %transpose3A_216 {offsets = [99, 0], sizes = [1, 128], strides = [1, 1]} : vector<128x128xf32> to vector<1x128xf32>
      %slice3A_866 = vector.extract_strided_slice %transpose3A_216 {offsets = [100, 0], sizes = [1, 128], strides = [1, 1]} : vector<128x128xf32> to vector<1x128xf32>
      %slice3A_867 = vector.extract_strided_slice %transpose3A_216 {offsets = [101, 0], sizes = [1, 128], strides = [1, 1]} : vector<128x128xf32> to vector<1x128xf32>
      %slice3A_868 = vector.extract_strided_slice %transpose3A_216 {offsets = [102, 0], sizes = [1, 128], strides = [1, 1]} : vector<128x128xf32> to vector<1x128xf32>
      %slice3A_869 = vector.extract_strided_slice %transpose3A_216 {offsets = [103, 0], sizes = [1, 128], strides = [1, 1]} : vector<128x128xf32> to vector<1x128xf32>
      %concatenate3A_870 = tpu.concatenate %slice3A_862, %slice3A_863, %slice3A_864, %slice3A_865, %slice3A_866, %slice3A_867, %slice3A_868, %slice3A_869 in 1 : vector<1x128xf32>, vector<1x128xf32>, vector<1x128xf32>, vector<1x128xf32>, vector<1x128xf32>, vector<1x128xf32>, vector<1x128xf32>, vector<1x128xf32> -> vector<1x1024xf32>
      %sub3A_871 = vector.broadcast %concatenate3A_870 : vector<1x1024xf32> to vector<50x1024xf32>
      %sub3A_872 = vector.broadcast %transpose3A : vector<50x1xf32> to vector<50x1024xf32>
      %sub3A_873 = arith.subf %sub3A_871, %sub3A_872 : vector<50x1024xf32>
      %integer_pow3A_874 = arith.mulf %sub3A_873, %sub3A_873 : vector<50x1024xf32>
      %mul3A_875 = vector.broadcast %get3A_2 : f32 to vector<50x1024xf32>
      %mul3A_876 = arith.mulf %mul3A_875, %integer_pow3A_874 : vector<50x1024xf32>
      %exp3A_877 = math.exp %mul3A_876 : vector<50x1024xf32>
      %slice3A_878 = vector.extract_strided_slice %select_n3A_208 {offsets = [0, 96], sizes = [128, 1], strides = [1, 1]} : vector<128x128xf32> to vector<128x1xf32>
      %slice3A_879 = vector.extract_strided_slice %select_n3A_208 {offsets = [0, 97], sizes = [128, 1], strides = [1, 1]} : vector<128x128xf32> to vector<128x1xf32>
      %slice3A_880 = vector.extract_strided_slice %select_n3A_208 {offsets = [0, 98], sizes = [128, 1], strides = [1, 1]} : vector<128x128xf32> to vector<128x1xf32>
      %slice3A_881 = vector.extract_strided_slice %select_n3A_208 {offsets = [0, 99], sizes = [128, 1], strides = [1, 1]} : vector<128x128xf32> to vector<128x1xf32>
      %slice3A_882 = vector.extract_strided_slice %select_n3A_208 {offsets = [0, 100], sizes = [128, 1], strides = [1, 1]} : vector<128x128xf32> to vector<128x1xf32>
      %slice3A_883 = vector.extract_strided_slice %select_n3A_208 {offsets = [0, 101], sizes = [128, 1], strides = [1, 1]} : vector<128x128xf32> to vector<128x1xf32>
      %slice3A_884 = vector.extract_strided_slice %select_n3A_208 {offsets = [0, 102], sizes = [128, 1], strides = [1, 1]} : vector<128x128xf32> to vector<128x1xf32>
      %slice3A_885 = vector.extract_strided_slice %select_n3A_208 {offsets = [0, 103], sizes = [128, 1], strides = [1, 1]} : vector<128x128xf32> to vector<128x1xf32>
      %concatenate3A_886 = tpu.concatenate %slice3A_878, %slice3A_879, %slice3A_880, %slice3A_881, %slice3A_882, %slice3A_883, %slice3A_884, %slice3A_885 in 0 : vector<128x1xf32>, vector<128x1xf32>, vector<128x1xf32>, vector<128x1xf32>, vector<128x1xf32>, vector<128x1xf32>, vector<128x1xf32>, vector<128x1xf32> -> vector<1024x1xf32>
      %dot_general3A_887 = arith.constant dense<0.000000e+00> : vector<1024x128xf32>
      %dot_general3A_888 = tpu.matmul %exp3A_877, %get3A_98, %dot_general3A_887 {dimension_numbers = #tpu.dot_dimension_numbers<[0], [0], [1], [1], [0, 1, 1, 1], [], []>, transpose_lhs_hint = false} : vector<50x1024xf32>, vector<50x128xf32>, vector<1024x128xf32> -> vector<1024x128xf32>
      %add3A_889 = vector.broadcast %get3A_101 : vector<1x128xf32> to vector<1024x128xf32>
      %add3A_890 = arith.addf %dot_general3A_888, %add3A_889 : vector<1024x128xf32>
      %exp3A_891 = math.exp %add3A_890 : vector<1024x128xf32>
      %mul3A_892 = arith.constant 5.000000e-01 : f32
      %mul3A_893 = vector.broadcast %mul3A_892 : f32 to vector<1024x128xf32>
      %mul3A_894 = arith.mulf %mul3A_893, %exp3A_891 : vector<1024x128xf32>
      %add3A_895 = arith.constant 5.000000e-01 : f32
      %add3A_896 = vector.broadcast %add3A_895 : f32 to vector<1024x128xf32>
      %add3A_897 = arith.addf %add3A_896, %mul3A_894 : vector<1024x128xf32>
      %log3A_898 = math.log %add3A_897 : vector<1024x128xf32>
      %dot_general3A_899 = arith.constant dense<0.000000e+00> : vector<1024x128xf32>
      %dot_general3A_900 = tpu.matmul %log3A_898, %get3A_104, %dot_general3A_899 {dimension_numbers = #tpu.dot_dimension_numbers<[1], [0], [0], [1], [0, 0, 1, 1], [], []>, transpose_lhs_hint = false} : vector<1024x128xf32>, vector<128x128xf32>, vector<1024x128xf32> -> vector<1024x128xf32>
      %add3A_901 = vector.broadcast %get3A_107 : vector<1x128xf32> to vector<1024x128xf32>
      %add3A_902 = arith.addf %dot_general3A_900, %add3A_901 : vector<1024x128xf32>
      %mul3A_903 = vector.broadcast %concatenate3A_886 : vector<1024x1xf32> to vector<1024x128xf32>
      %mul3A_904 = arith.mulf %add3A_902, %mul3A_903 : vector<1024x128xf32>
      %mul3A_905 = arith.mulf %mul3A_904, %concatenate3A : vector<1024x128xf32>
      %reshape3A_906 = vector.shape_cast %mul3A_905 : vector<1024x128xf32> to vector<8x128x128xf32>
      %reduce_sum3A_907 = arith.constant dense<0.000000e+00> : vector<8x128xf32>
      %reduce_sum3A_908 = vector.multi_reduction <add>, %reshape3A_906, %reduce_sum3A_907 [1] : vector<8x128x128xf32> to vector<8x128xf32>
      %get3A_909 = arith.constant 96 : index
      %get3A_910 = arith.constant 0 : index
      %get3A_911 = vector.load %arg17[%get3A_909, %get3A_910] : memref<128x128xf32, #tpu.memory_space<vmem>>, vector<8x128xf32>
      %add3A_912 = arith.addf %get3A_911, %reduce_sum3A_908 : vector<8x128xf32>
      %swap3A_913 = arith.constant 96 : index
      %swap3A_914 = arith.constant 0 : index
      %swap3A_915 = vector.load %arg17[%swap3A_913, %swap3A_914] : memref<128x128xf32, #tpu.memory_space<vmem>>, vector<8x128xf32>
      tpu.vector_store %arg17[%swap3A_913, %swap3A_914], %add3A_912 {strides = array<i32>} : memref<128x128xf32, #tpu.memory_space<vmem>>, vector<8x128xf32>,
      %slice3A_916 = vector.extract_strided_slice %transpose3A_216 {offsets = [104, 0], sizes = [1, 128], strides = [1, 1]} : vector<128x128xf32> to vector<1x128xf32>
      %slice3A_917 = vector.extract_strided_slice %transpose3A_216 {offsets = [105, 0], sizes = [1, 128], strides = [1, 1]} : vector<128x128xf32> to vector<1x128xf32>
      %slice3A_918 = vector.extract_strided_slice %transpose3A_216 {offsets = [106, 0], sizes = [1, 128], strides = [1, 1]} : vector<128x128xf32> to vector<1x128xf32>
      %slice3A_919 = vector.extract_strided_slice %transpose3A_216 {offsets = [107, 0], sizes = [1, 128], strides = [1, 1]} : vector<128x128xf32> to vector<1x128xf32>
      %slice3A_920 = vector.extract_strided_slice %transpose3A_216 {offsets = [108, 0], sizes = [1, 128], strides = [1, 1]} : vector<128x128xf32> to vector<1x128xf32>
      %slice3A_921 = vector.extract_strided_slice %transpose3A_216 {offsets = [109, 0], sizes = [1, 128], strides = [1, 1]} : vector<128x128xf32> to vector<1x128xf32>
      %slice3A_922 = vector.extract_strided_slice %transpose3A_216 {offsets = [110, 0], sizes = [1, 128], strides = [1, 1]} : vector<128x128xf32> to vector<1x128xf32>
      %slice3A_923 = vector.extract_strided_slice %transpose3A_216 {offsets = [111, 0], sizes = [1, 128], strides = [1, 1]} : vector<128x128xf32> to vector<1x128xf32>
      %concatenate3A_924 = tpu.concatenate %slice3A_916, %slice3A_917, %slice3A_918, %slice3A_919, %slice3A_920, %slice3A_921, %slice3A_922, %slice3A_923 in 1 : vector<1x128xf32>, vector<1x128xf32>, vector<1x128xf32>, vector<1x128xf32>, vector<1x128xf32>, vector<1x128xf32>, vector<1x128xf32>, vector<1x128xf32> -> vector<1x1024xf32>
      %sub3A_925 = vector.broadcast %concatenate3A_924 : vector<1x1024xf32> to vector<50x1024xf32>
      %sub3A_926 = vector.broadcast %transpose3A : vector<50x1xf32> to vector<50x1024xf32>
      %sub3A_927 = arith.subf %sub3A_925, %sub3A_926 : vector<50x1024xf32>
      %integer_pow3A_928 = arith.mulf %sub3A_927, %sub3A_927 : vector<50x1024xf32>
      %mul3A_929 = vector.broadcast %get3A_2 : f32 to vector<50x1024xf32>
      %mul3A_930 = arith.mulf %mul3A_929, %integer_pow3A_928 : vector<50x1024xf32>
      %exp3A_931 = math.exp %mul3A_930 : vector<50x1024xf32>
      %slice3A_932 = vector.extract_strided_slice %select_n3A_208 {offsets = [0, 104], sizes = [128, 1], strides = [1, 1]} : vector<128x128xf32> to vector<128x1xf32>
      %slice3A_933 = vector.extract_strided_slice %select_n3A_208 {offsets = [0, 105], sizes = [128, 1], strides = [1, 1]} : vector<128x128xf32> to vector<128x1xf32>
      %slice3A_934 = vector.extract_strided_slice %select_n3A_208 {offsets = [0, 106], sizes = [128, 1], strides = [1, 1]} : vector<128x128xf32> to vector<128x1xf32>
      %slice3A_935 = vector.extract_strided_slice %select_n3A_208 {offsets = [0, 107], sizes = [128, 1], strides = [1, 1]} : vector<128x128xf32> to vector<128x1xf32>
      %slice3A_936 = vector.extract_strided_slice %select_n3A_208 {offsets = [0, 108], sizes = [128, 1], strides = [1, 1]} : vector<128x128xf32> to vector<128x1xf32>
      %slice3A_937 = vector.extract_strided_slice %select_n3A_208 {offsets = [0, 109], sizes = [128, 1], strides = [1, 1]} : vector<128x128xf32> to vector<128x1xf32>
      %slice3A_938 = vector.extract_strided_slice %select_n3A_208 {offsets = [0, 110], sizes = [128, 1], strides = [1, 1]} : vector<128x128xf32> to vector<128x1xf32>
      %slice3A_939 = vector.extract_strided_slice %select_n3A_208 {offsets = [0, 111], sizes = [128, 1], strides = [1, 1]} : vector<128x128xf32> to vector<128x1xf32>
      %concatenate3A_940 = tpu.concatenate %slice3A_932, %slice3A_933, %slice3A_934, %slice3A_935, %slice3A_936, %slice3A_937, %slice3A_938, %slice3A_939 in 0 : vector<128x1xf32>, vector<128x1xf32>, vector<128x1xf32>, vector<128x1xf32>, vector<128x1xf32>, vector<128x1xf32>, vector<128x1xf32>, vector<128x1xf32> -> vector<1024x1xf32>
      %dot_general3A_941 = arith.constant dense<0.000000e+00> : vector<1024x128xf32>
      %dot_general3A_942 = tpu.matmul %exp3A_931, %get3A_98, %dot_general3A_941 {dimension_numbers = #tpu.dot_dimension_numbers<[0], [0], [1], [1], [0, 1, 1, 1], [], []>, transpose_lhs_hint = false} : vector<50x1024xf32>, vector<50x128xf32>, vector<1024x128xf32> -> vector<1024x128xf32>
      %add3A_943 = vector.broadcast %get3A_101 : vector<1x128xf32> to vector<1024x128xf32>
      %add3A_944 = arith.addf %dot_general3A_942, %add3A_943 : vector<1024x128xf32>
      %exp3A_945 = math.exp %add3A_944 : vector<1024x128xf32>
      %mul3A_946 = arith.constant 5.000000e-01 : f32
      %mul3A_947 = vector.broadcast %mul3A_946 : f32 to vector<1024x128xf32>
      %mul3A_948 = arith.mulf %mul3A_947, %exp3A_945 : vector<1024x128xf32>
      %add3A_949 = arith.constant 5.000000e-01 : f32
      %add3A_950 = vector.broadcast %add3A_949 : f32 to vector<1024x128xf32>
      %add3A_951 = arith.addf %add3A_950, %mul3A_948 : vector<1024x128xf32>
      %log3A_952 = math.log %add3A_951 : vector<1024x128xf32>
      %dot_general3A_953 = arith.constant dense<0.000000e+00> : vector<1024x128xf32>
      %dot_general3A_954 = tpu.matmul %log3A_952, %get3A_104, %dot_general3A_953 {dimension_numbers = #tpu.dot_dimension_numbers<[1], [0], [0], [1], [0, 0, 1, 1], [], []>, transpose_lhs_hint = false} : vector<1024x128xf32>, vector<128x128xf32>, vector<1024x128xf32> -> vector<1024x128xf32>
      %add3A_955 = vector.broadcast %get3A_107 : vector<1x128xf32> to vector<1024x128xf32>
      %add3A_956 = arith.addf %dot_general3A_954, %add3A_955 : vector<1024x128xf32>
      %mul3A_957 = vector.broadcast %concatenate3A_940 : vector<1024x1xf32> to vector<1024x128xf32>
      %mul3A_958 = arith.mulf %add3A_956, %mul3A_957 : vector<1024x128xf32>
      %mul3A_959 = arith.mulf %mul3A_958, %concatenate3A : vector<1024x128xf32>
      %reshape3A_960 = vector.shape_cast %mul3A_959 : vector<1024x128xf32> to vector<8x128x128xf32>
      %reduce_sum3A_961 = arith.constant dense<0.000000e+00> : vector<8x128xf32>
      %reduce_sum3A_962 = vector.multi_reduction <add>, %reshape3A_960, %reduce_sum3A_961 [1] : vector<8x128x128xf32> to vector<8x128xf32>
      %get3A_963 = arith.constant 104 : index
      %get3A_964 = arith.constant 0 : index
      %get3A_965 = vector.load %arg17[%get3A_963, %get3A_964] : memref<128x128xf32, #tpu.memory_space<vmem>>, vector<8x128xf32>
      %add3A_966 = arith.addf %get3A_965, %reduce_sum3A_962 : vector<8x128xf32>
      %swap3A_967 = arith.constant 104 : index
      %swap3A_968 = arith.constant 0 : index
      %swap3A_969 = vector.load %arg17[%swap3A_967, %swap3A_968] : memref<128x128xf32, #tpu.memory_space<vmem>>, vector<8x128xf32>
      tpu.vector_store %arg17[%swap3A_967, %swap3A_968], %add3A_966 {strides = array<i32>} : memref<128x128xf32, #tpu.memory_space<vmem>>, vector<8x128xf32>,
      %slice3A_970 = vector.extract_strided_slice %transpose3A_216 {offsets = [112, 0], sizes = [1, 128], strides = [1, 1]} : vector<128x128xf32> to vector<1x128xf32>
      %slice3A_971 = vector.extract_strided_slice %transpose3A_216 {offsets = [113, 0], sizes = [1, 128], strides = [1, 1]} : vector<128x128xf32> to vector<1x128xf32>
      %slice3A_972 = vector.extract_strided_slice %transpose3A_216 {offsets = [114, 0], sizes = [1, 128], strides = [1, 1]} : vector<128x128xf32> to vector<1x128xf32>
      %slice3A_973 = vector.extract_strided_slice %transpose3A_216 {offsets = [115, 0], sizes = [1, 128], strides = [1, 1]} : vector<128x128xf32> to vector<1x128xf32>
      %slice3A_974 = vector.extract_strided_slice %transpose3A_216 {offsets = [116, 0], sizes = [1, 128], strides = [1, 1]} : vector<128x128xf32> to vector<1x128xf32>
      %slice3A_975 = vector.extract_strided_slice %transpose3A_216 {offsets = [117, 0], sizes = [1, 128], strides = [1, 1]} : vector<128x128xf32> to vector<1x128xf32>
      %slice3A_976 = vector.extract_strided_slice %transpose3A_216 {offsets = [118, 0], sizes = [1, 128], strides = [1, 1]} : vector<128x128xf32> to vector<1x128xf32>
      %slice3A_977 = vector.extract_strided_slice %transpose3A_216 {offsets = [119, 0], sizes = [1, 128], strides = [1, 1]} : vector<128x128xf32> to vector<1x128xf32>
      %concatenate3A_978 = tpu.concatenate %slice3A_970, %slice3A_971, %slice3A_972, %slice3A_973, %slice3A_974, %slice3A_975, %slice3A_976, %slice3A_977 in 1 : vector<1x128xf32>, vector<1x128xf32>, vector<1x128xf32>, vector<1x128xf32>, vector<1x128xf32>, vector<1x128xf32>, vector<1x128xf32>, vector<1x128xf32> -> vector<1x1024xf32>
      %sub3A_979 = vector.broadcast %concatenate3A_978 : vector<1x1024xf32> to vector<50x1024xf32>
      %sub3A_980 = vector.broadcast %transpose3A : vector<50x1xf32> to vector<50x1024xf32>
      %sub3A_981 = arith.subf %sub3A_979, %sub3A_980 : vector<50x1024xf32>
      %integer_pow3A_982 = arith.mulf %sub3A_981, %sub3A_981 : vector<50x1024xf32>
      %mul3A_983 = vector.broadcast %get3A_2 : f32 to vector<50x1024xf32>
      %mul3A_984 = arith.mulf %mul3A_983, %integer_pow3A_982 : vector<50x1024xf32>
      %exp3A_985 = math.exp %mul3A_984 : vector<50x1024xf32>
      %slice3A_986 = vector.extract_strided_slice %select_n3A_208 {offsets = [0, 112], sizes = [128, 1], strides = [1, 1]} : vector<128x128xf32> to vector<128x1xf32>
      %slice3A_987 = vector.extract_strided_slice %select_n3A_208 {offsets = [0, 113], sizes = [128, 1], strides = [1, 1]} : vector<128x128xf32> to vector<128x1xf32>
      %slice3A_988 = vector.extract_strided_slice %select_n3A_208 {offsets = [0, 114], sizes = [128, 1], strides = [1, 1]} : vector<128x128xf32> to vector<128x1xf32>
      %slice3A_989 = vector.extract_strided_slice %select_n3A_208 {offsets = [0, 115], sizes = [128, 1], strides = [1, 1]} : vector<128x128xf32> to vector<128x1xf32>
      %slice3A_990 = vector.extract_strided_slice %select_n3A_208 {offsets = [0, 116], sizes = [128, 1], strides = [1, 1]} : vector<128x128xf32> to vector<128x1xf32>
      %slice3A_991 = vector.extract_strided_slice %select_n3A_208 {offsets = [0, 117], sizes = [128, 1], strides = [1, 1]} : vector<128x128xf32> to vector<128x1xf32>
      %slice3A_992 = vector.extract_strided_slice %select_n3A_208 {offsets = [0, 118], sizes = [128, 1], strides = [1, 1]} : vector<128x128xf32> to vector<128x1xf32>
      %slice3A_993 = vector.extract_strided_slice %select_n3A_208 {offsets = [0, 119], sizes = [128, 1], strides = [1, 1]} : vector<128x128xf32> to vector<128x1xf32>
      %concatenate3A_994 = tpu.concatenate %slice3A_986, %slice3A_987, %slice3A_988, %slice3A_989, %slice3A_990, %slice3A_991, %slice3A_992, %slice3A_993 in 0 : vector<128x1xf32>, vector<128x1xf32>, vector<128x1xf32>, vector<128x1xf32>, vector<128x1xf32>, vector<128x1xf32>, vector<128x1xf32>, vector<128x1xf32> -> vector<1024x1xf32>
      %dot_general3A_995 = arith.constant dense<0.000000e+00> : vector<1024x128xf32>
      %dot_general3A_996 = tpu.matmul %exp3A_985, %get3A_98, %dot_general3A_995 {dimension_numbers = #tpu.dot_dimension_numbers<[0], [0], [1], [1], [0, 1, 1, 1], [], []>, transpose_lhs_hint = false} : vector<50x1024xf32>, vector<50x128xf32>, vector<1024x128xf32> -> vector<1024x128xf32>
      %add3A_997 = vector.broadcast %get3A_101 : vector<1x128xf32> to vector<1024x128xf32>
      %add3A_998 = arith.addf %dot_general3A_996, %add3A_997 : vector<1024x128xf32>
      %exp3A_999 = math.exp %add3A_998 : vector<1024x128xf32>
      %mul3A_1000 = arith.constant 5.000000e-01 : f32
      %mul3A_1001 = vector.broadcast %mul3A_1000 : f32 to vector<1024x128xf32>
      %mul3A_1002 = arith.mulf %mul3A_1001, %exp3A_999 : vector<1024x128xf32>
      %add3A_1003 = arith.constant 5.000000e-01 : f32
      %add3A_1004 = vector.broadcast %add3A_1003 : f32 to vector<1024x128xf32>
      %add3A_1005 = arith.addf %add3A_1004, %mul3A_1002 : vector<1024x128xf32>
      %log3A_1006 = math.log %add3A_1005 : vector<1024x128xf32>
      %dot_general3A_1007 = arith.constant dense<0.000000e+00> : vector<1024x128xf32>
      %dot_general3A_1008 = tpu.matmul %log3A_1006, %get3A_104, %dot_general3A_1007 {dimension_numbers = #tpu.dot_dimension_numbers<[1], [0], [0], [1], [0, 0, 1, 1], [], []>, transpose_lhs_hint = false} : vector<1024x128xf32>, vector<128x128xf32>, vector<1024x128xf32> -> vector<1024x128xf32>
      %add3A_1009 = vector.broadcast %get3A_107 : vector<1x128xf32> to vector<1024x128xf32>
      %add3A_1010 = arith.addf %dot_general3A_1008, %add3A_1009 : vector<1024x128xf32>
      %mul3A_1011 = vector.broadcast %concatenate3A_994 : vector<1024x1xf32> to vector<1024x128xf32>
      %mul3A_1012 = arith.mulf %add3A_1010, %mul3A_1011 : vector<1024x128xf32>
      %mul3A_1013 = arith.mulf %mul3A_1012, %concatenate3A : vector<1024x128xf32>
      %reshape3A_1014 = vector.shape_cast %mul3A_1013 : vector<1024x128xf32> to vector<8x128x128xf32>
      %reduce_sum3A_1015 = arith.constant dense<0.000000e+00> : vector<8x128xf32>
      %reduce_sum3A_1016 = vector.multi_reduction <add>, %reshape3A_1014, %reduce_sum3A_1015 [1] : vector<8x128x128xf32> to vector<8x128xf32>
      %get3A_1017 = arith.constant 112 : index
      %get3A_1018 = arith.constant 0 : index
      %get3A_1019 = vector.load %arg17[%get3A_1017, %get3A_1018] : memref<128x128xf32, #tpu.memory_space<vmem>>, vector<8x128xf32>
      %add3A_1020 = arith.addf %get3A_1019, %reduce_sum3A_1016 : vector<8x128xf32>
      %swap3A_1021 = arith.constant 112 : index
      %swap3A_1022 = arith.constant 0 : index
      %swap3A_1023 = vector.load %arg17[%swap3A_1021, %swap3A_1022] : memref<128x128xf32, #tpu.memory_space<vmem>>, vector<8x128xf32>
      tpu.vector_store %arg17[%swap3A_1021, %swap3A_1022], %add3A_1020 {strides = array<i32>} : memref<128x128xf32, #tpu.memory_space<vmem>>, vector<8x128xf32>,
      %slice3A_1024 = vector.extract_strided_slice %transpose3A_216 {offsets = [120, 0], sizes = [1, 128], strides = [1, 1]} : vector<128x128xf32> to vector<1x128xf32>
      %slice3A_1025 = vector.extract_strided_slice %transpose3A_216 {offsets = [121, 0], sizes = [1, 128], strides = [1, 1]} : vector<128x128xf32> to vector<1x128xf32>
      %slice3A_1026 = vector.extract_strided_slice %transpose3A_216 {offsets = [122, 0], sizes = [1, 128], strides = [1, 1]} : vector<128x128xf32> to vector<1x128xf32>
      %slice3A_1027 = vector.extract_strided_slice %transpose3A_216 {offsets = [123, 0], sizes = [1, 128], strides = [1, 1]} : vector<128x128xf32> to vector<1x128xf32>
      %slice3A_1028 = vector.extract_strided_slice %transpose3A_216 {offsets = [124, 0], sizes = [1, 128], strides = [1, 1]} : vector<128x128xf32> to vector<1x128xf32>
      %slice3A_1029 = vector.extract_strided_slice %transpose3A_216 {offsets = [125, 0], sizes = [1, 128], strides = [1, 1]} : vector<128x128xf32> to vector<1x128xf32>
      %slice3A_1030 = vector.extract_strided_slice %transpose3A_216 {offsets = [126, 0], sizes = [1, 128], strides = [1, 1]} : vector<128x128xf32> to vector<1x128xf32>
      %slice3A_1031 = vector.extract_strided_slice %transpose3A_216 {offsets = [127, 0], sizes = [1, 128], strides = [1, 1]} : vector<128x128xf32> to vector<1x128xf32>
      %concatenate3A_1032 = tpu.concatenate %slice3A_1024, %slice3A_1025, %slice3A_1026, %slice3A_1027, %slice3A_1028, %slice3A_1029, %slice3A_1030, %slice3A_1031 in 1 : vector<1x128xf32>, vector<1x128xf32>, vector<1x128xf32>, vector<1x128xf32>, vector<1x128xf32>, vector<1x128xf32>, vector<1x128xf32>, vector<1x128xf32> -> vector<1x1024xf32>
      %sub3A_1033 = vector.broadcast %concatenate3A_1032 : vector<1x1024xf32> to vector<50x1024xf32>
      %sub3A_1034 = vector.broadcast %transpose3A : vector<50x1xf32> to vector<50x1024xf32>
      %sub3A_1035 = arith.subf %sub3A_1033, %sub3A_1034 : vector<50x1024xf32>
      %integer_pow3A_1036 = arith.mulf %sub3A_1035, %sub3A_1035 : vector<50x1024xf32>
      %mul3A_1037 = vector.broadcast %get3A_2 : f32 to vector<50x1024xf32>
      %mul3A_1038 = arith.mulf %mul3A_1037, %integer_pow3A_1036 : vector<50x1024xf32>
      %exp3A_1039 = math.exp %mul3A_1038 : vector<50x1024xf32>
      %slice3A_1040 = vector.extract_strided_slice %select_n3A_208 {offsets = [0, 120], sizes = [128, 1], strides = [1, 1]} : vector<128x128xf32> to vector<128x1xf32>
      %slice3A_1041 = vector.extract_strided_slice %select_n3A_208 {offsets = [0, 121], sizes = [128, 1], strides = [1, 1]} : vector<128x128xf32> to vector<128x1xf32>
      %slice3A_1042 = vector.extract_strided_slice %select_n3A_208 {offsets = [0, 122], sizes = [128, 1], strides = [1, 1]} : vector<128x128xf32> to vector<128x1xf32>
      %slice3A_1043 = vector.extract_strided_slice %select_n3A_208 {offsets = [0, 123], sizes = [128, 1], strides = [1, 1]} : vector<128x128xf32> to vector<128x1xf32>
      %slice3A_1044 = vector.extract_strided_slice %select_n3A_208 {offsets = [0, 124], sizes = [128, 1], strides = [1, 1]} : vector<128x128xf32> to vector<128x1xf32>
      %slice3A_1045 = vector.extract_strided_slice %select_n3A_208 {offsets = [0, 125], sizes = [128, 1], strides = [1, 1]} : vector<128x128xf32> to vector<128x1xf32>
      %slice3A_1046 = vector.extract_strided_slice %select_n3A_208 {offsets = [0, 126], sizes = [128, 1], strides = [1, 1]} : vector<128x128xf32> to vector<128x1xf32>
      %slice3A_1047 = vector.extract_strided_slice %select_n3A_208 {offsets = [0, 127], sizes = [128, 1], strides = [1, 1]} : vector<128x128xf32> to vector<128x1xf32>
      %concatenate3A_1048 = tpu.concatenate %slice3A_1040, %slice3A_1041, %slice3A_1042, %slice3A_1043, %slice3A_1044, %slice3A_1045, %slice3A_1046, %slice3A_1047 in 0 : vector<128x1xf32>, vector<128x1xf32>, vector<128x1xf32>, vector<128x1xf32>, vector<128x1xf32>, vector<128x1xf32>, vector<128x1xf32>, vector<128x1xf32> -> vector<1024x1xf32>
      %dot_general3A_1049 = arith.constant dense<0.000000e+00> : vector<1024x128xf32>
      %dot_general3A_1050 = tpu.matmul %exp3A_1039, %get3A_98, %dot_general3A_1049 {dimension_numbers = #tpu.dot_dimension_numbers<[0], [0], [1], [1], [0, 1, 1, 1], [], []>, transpose_lhs_hint = false} : vector<50x1024xf32>, vector<50x128xf32>, vector<1024x128xf32> -> vector<1024x128xf32>
      %add3A_1051 = vector.broadcast %get3A_101 : vector<1x128xf32> to vector<1024x128xf32>
      %add3A_1052 = arith.addf %dot_general3A_1050, %add3A_1051 : vector<1024x128xf32>
      %exp3A_1053 = math.exp %add3A_1052 : vector<1024x128xf32>
      %mul3A_1054 = arith.constant 5.000000e-01 : f32
      %mul3A_1055 = vector.broadcast %mul3A_1054 : f32 to vector<1024x128xf32>
      %mul3A_1056 = arith.mulf %mul3A_1055, %exp3A_1053 : vector<1024x128xf32>
      %add3A_1057 = arith.constant 5.000000e-01 : f32
      %add3A_1058 = vector.broadcast %add3A_1057 : f32 to vector<1024x128xf32>
      %add3A_1059 = arith.addf %add3A_1058, %mul3A_1056 : vector<1024x128xf32>
      %log3A_1060 = math.log %add3A_1059 : vector<1024x128xf32>
      %dot_general3A_1061 = arith.constant dense<0.000000e+00> : vector<1024x128xf32>
      %dot_general3A_1062 = tpu.matmul %log3A_1060, %get3A_104, %dot_general3A_1061 {dimension_numbers = #tpu.dot_dimension_numbers<[1], [0], [0], [1], [0, 0, 1, 1], [], []>, transpose_lhs_hint = false} : vector<1024x128xf32>, vector<128x128xf32>, vector<1024x128xf32> -> vector<1024x128xf32>
      %add3A_1063 = vector.broadcast %get3A_107 : vector<1x128xf32> to vector<1024x128xf32>
      %add3A_1064 = arith.addf %dot_general3A_1062, %add3A_1063 : vector<1024x128xf32>
      %mul3A_1065 = vector.broadcast %concatenate3A_1048 : vector<1024x1xf32> to vector<1024x128xf32>
      %mul3A_1066 = arith.mulf %add3A_1064, %mul3A_1065 : vector<1024x128xf32>
      %mul3A_1067 = arith.mulf %mul3A_1066, %concatenate3A : vector<1024x128xf32>
      %reshape3A_1068 = vector.shape_cast %mul3A_1067 : vector<1024x128xf32> to vector<8x128x128xf32>
      %reduce_sum3A_1069 = arith.constant dense<0.000000e+00> : vector<8x128xf32>
      %reduce_sum3A_1070 = vector.multi_reduction <add>, %reshape3A_1068, %reduce_sum3A_1069 [1] : vector<8x128x128xf32> to vector<8x128xf32>
      %get3A_1071 = arith.constant 120 : index
      %get3A_1072 = arith.constant 0 : index
      %get3A_1073 = vector.load %arg17[%get3A_1071, %get3A_1072] : memref<128x128xf32, #tpu.memory_space<vmem>>, vector<8x128xf32>
      %add3A_1074 = arith.addf %get3A_1073, %reduce_sum3A_1070 : vector<8x128xf32>
      %swap3A_1075 = arith.constant 120 : index
      %swap3A_1076 = arith.constant 0 : index
      %swap3A_1077 = vector.load %arg17[%swap3A_1075, %swap3A_1076] : memref<128x128xf32, #tpu.memory_space<vmem>>, vector<8x128xf32>
      tpu.vector_store %arg17[%swap3A_1075, %swap3A_1076], %add3A_1074 {strides = array<i32>} : memref<128x128xf32, #tpu.memory_space<vmem>>, vector<8x128xf32>,
    }
    %get3A_116 = arith.constant 0 : index
    %get3A_117 = arith.constant 0 : index
    %get3A_118 = vector.load %arg17[%get3A_116, %get3A_117] : memref<128x128xf32, #tpu.memory_space<vmem>>, vector<128x128xf32>
    %get3A_119 = arith.constant 0 : index
    %get3A_120 = arith.constant 0 : index
    %get3A_121 = vector.load %arg12[%get3A_119, %get3A_120] : memref<128x128xf32, #tpu.memory_space<vmem>>, vector<128x128xf32>
    %dot_general3A = arith.constant dense<0.000000e+00> : vector<128x128xf32>
    %dot_general3A_122 = tpu.matmul %get3A_118, %get3A_121, %dot_general3A {dimension_numbers = #tpu.dot_dimension_numbers<[1], [0], [0], [1], [0, 0, 1, 1], [], []>, precision = #tpu.contract_precision<fp32>, transpose_lhs_hint = false} : vector<128x128xf32>, vector<128x128xf32>, vector<128x128xf32> -> vector<128x128xf32>
    %get3A_123 = arith.constant 0 : index
    %get3A_124 = arith.constant 0 : index
    %get3A_125 = vector.load %arg13[%get3A_123, %get3A_124] : memref<1x128xf32, #tpu.memory_space<vmem>>, vector<1x128xf32>
    %add3A_126 = vector.broadcast %get3A_125 : vector<1x128xf32> to vector<128x128xf32>
    %add3A_127 = arith.addf %dot_general3A_122, %add3A_126 : vector<128x128xf32>
    %exp3A = math.exp %add3A_127 : vector<128x128xf32>
    %mul3A_128 = arith.constant 5.000000e-01 : f32
    %mul3A_129 = vector.broadcast %mul3A_128 : f32 to vector<128x128xf32>
    %mul3A_130 = arith.mulf %mul3A_129, %exp3A : vector<128x128xf32>
    %add3A_131 = arith.constant 5.000000e-01 : f32
    %add3A_132 = vector.broadcast %add3A_131 : f32 to vector<128x128xf32>
    %add3A_133 = arith.addf %add3A_132, %mul3A_130 : vector<128x128xf32>
    %log3A = math.log %add3A_133 : vector<128x128xf32>
    %get3A_134 = arith.constant 0 : index
    %get3A_135 = arith.constant 0 : index
    %get3A_136 = vector.load %arg14[%get3A_134, %get3A_135] : memref<128x128xf32, #tpu.memory_space<vmem>>, vector<128x128xf32>
    %dot_general3A_137 = arith.constant dense<0.000000e+00> : vector<128x128xf32>
    %dot_general3A_138 = tpu.matmul %log3A, %get3A_136, %dot_general3A_137 {dimension_numbers = #tpu.dot_dimension_numbers<[1], [0], [0], [1], [0, 0, 1, 1], [], []>, precision = #tpu.contract_precision<fp32>, transpose_lhs_hint = false} : vector<128x128xf32>, vector<128x128xf32>, vector<128x128xf32> -> vector<128x128xf32>
    %get3A_139 = arith.constant 0 : index
    %get3A_140 = arith.constant 0 : index
    %get3A_141 = vector.load %arg15[%get3A_139, %get3A_140] : memref<1x128xf32, #tpu.memory_space<vmem>>, vector<1x128xf32>
    %add3A_142 = vector.broadcast %get3A_141 : vector<1x128xf32> to vector<128x128xf32>
    %add3A_143 = arith.addf %dot_general3A_138, %add3A_142 : vector<128x128xf32>
    %mul3A_144 = arith.constant 128 : i32
    %mul3A_145 = arith.muli %arg0, %mul3A_144 : i32
    %get3A_146 = arith.index_cast %mul3A_145 : i32 to index
    %get3A_147 = arith.constant 0 : index
    %get3A_148 = vector.load %arg6[%get3A_146, %get3A_147] : memref<4096x128xf32, #tpu.memory_space<vmem>>, vector<128x128xf32>
    %add3A_149 = arith.addf %get3A_148, %add3A_143 : vector<128x128xf32>
    %swap3A_150 = arith.constant 0 : index
    %swap3A_151 = arith.constant 0 : index
    %swap3A_152 = vector.load %arg16[%swap3A_150, %swap3A_151] : memref<128x128xf32, #tpu.memory_space<vmem>>, vector<128x128xf32>
    tpu.vector_store %arg16[%swap3A_150, %swap3A_151], %add3A_149 {strides = array<i32>} : memref<128x128xf32, #tpu.memory_space<vmem>>, vector<128x128xf32>,
    return
  }
  func.func @transform_0(%arg0: i32) -> (i32, i32) {
    %c0_i32 = arith.constant 0 : i32
    %c0_i32_0 = arith.constant 0 : i32
    %c0_i32_1 = arith.constant 0 : i32
    return %c0_i32, %c0_i32_0 : i32, i32
  }
  func.func @transform_1(%arg0: i32) -> (i32, i32) {
    %c0_i32 = arith.constant 0 : i32
    %c0_i32_0 = arith.constant 0 : i32
    %c0_i32_1 = arith.constant 0 : i32
    return %c0_i32, %c0_i32_0 : i32, i32
  }
  func.func @transform_2(%arg0: i32) -> (i32, i32) {
    %c0_i32 = arith.constant 0 : i32
    %c0_i32_0 = arith.constant 0 : i32
    %c0_i32_1 = arith.constant 0 : i32
    return %c0_i32, %c0_i32_0 : i32, i32
  }
  func.func @transform_3(%arg0: i32) -> (i32, i32) {
    %c0_i32 = arith.constant 0 : i32
    %c0_i32_0 = arith.constant 0 : i32
    %c0_i32_1 = arith.constant 0 : i32
    return %c0_i32, %c0_i32_0 : i32, i32
  }
  func.func @transform_4(%arg0: i32) -> (i32, i32) {
    %c0_i32 = arith.constant 0 : i32
    %c0_i32_0 = arith.constant 0 : i32
    %c0_i32_1 = arith.constant 0 : i32
    return %c0_i32, %c0_i32_0 : i32, i32
  }
  func.func @transform_5(%arg0: i32) -> (i32, i32) {
    %c0_i32 = arith.constant 0 : i32
    %c0_i32_0 = arith.constant 0 : i32
    %c0_i32_1 = arith.constant 0 : i32
    return %c0_i32, %c0_i32_0 : i32, i32
  }
  func.func @transform_6(%arg0: i32) -> (i32, i32) {
    %c0_i32 = arith.constant 0 : i32
    %c0_i32_0 = arith.constant 0 : i32
    %c0_i32_1 = arith.constant 0 : i32
    return %c0_i32, %c0_i32_0 : i32, i32
  }
  func.func @transform_7(%arg0: i32) -> (i32, i32) {
    %c0_i32 = arith.constant 0 : i32
    %c0_i32_0 = arith.constant 0 : i32
    %c0_i32_1 = arith.constant 0 : i32
    return %c0_i32, %c0_i32_0 : i32, i32
  }
  func.func @transform_8(%arg0: i32) -> (i32, i32) {
    %c0_i32 = arith.constant 0 : i32
    %c0_i32_0 = arith.constant 0 : i32
    %c0_i32_1 = arith.constant 0 : i32
    return %c0_i32, %c0_i32_0 : i32, i32
  }
  func.func @transform_9(%arg0: i32) -> (i32, i32) {
    %c0_i32 = arith.constant 0 : i32
    %c0_i32_0 = arith.constant 0 : i32
    %c0_i32_1 = arith.constant 0 : i32
    return %c0_i32, %c0_i32_0 : i32, i32
  }
  func.func @transform_10(%arg0: i32) -> (i32, i32) {
    %c0_i32 = arith.constant 0 : i32
    %c0_i32_0 = arith.constant 0 : i32
    %c0_i32_1 = arith.constant 0 : i32
    return %c0_i32, %c0_i32_0 : i32, i32
  }
  func.func @transform_11(%arg0: i32) -> (i32, i32) {
    %c0_i32 = arith.constant 0 : i32
    %c0_i32_0 = arith.constant 0 : i32
    %c0_i32_1 = arith.constant 0 : i32
    return %c0_i32, %c0_i32_0 : i32, i32
  }
  func.func @transform_12(%arg0: i32) -> (i32, i32) {
    %c0_i32 = arith.constant 0 : i32
    %c0_i32_0 = arith.constant 0 : i32
    %c0_i32_1 = arith.constant 0 : i32
    return %c0_i32, %c0_i32_0 : i32, i32
  }
  func.func @transform_13(%arg0: i32) -> (i32, i32) {
    %c0_i32 = arith.constant 0 : i32
    %c0_i32_0 = arith.constant 0 : i32
    %c0_i32_1 = arith.constant 0 : i32
    return %c0_i32, %c0_i32_0 : i32, i32
  }
  func.func @transform_14(%arg0: i32) -> (i32, i32) {
    %c0_i32 = arith.constant 0 : i32
    %c0_i32_0 = arith.constant 0 : i32
    %c0_i32_1 = arith.constant 0 : i32
    return %c0_i32, %c0_i32_0 : i32, i32
  }
  func.func @transform_15(%arg0: i32) -> (i32, i32) {
    %c0_i32 = arith.constant 0 : i32
    %c0_i32_0 = arith.constant 0 : i32
    return %arg0, %c0_i32 : i32, i32
  }
}

</mosaic_0001>

<sc_bundles>
// kernel: kernel.10.cloned.1.call-start
scs
__scs_entry_jumppad:
0x0: {  	(pc) =	sbr.rel $0x88, $3  }
0x1: {  	(tag) =	ssettag $0x0;
	lr =	simm.s32 $0x1  }
0x2: {  	[smem:$0x3F90] =	sst lr;
	_ =	strace $0xD0000000  }
0x3: {  	_ = 	snop  }
0x4: {  	_ = 	snop  }
0x5: {  	_ = 	snop  }
0x6: {  	_ = 	snop  }
0x7: {  	_ = 	snop  }
__scs_overlays_trampoline_lowered:
0x8: {  	[smem:$0x3F9F] =	sst s0  }
0x9: {  	[smem:$0x3FA0] =	sst s1  }
0xa: {  	[smem:$0x3FA1] =	sst s2  }
0xb: {  	[smem:$0x3FA2] =	sst s3  }
0xc: {  	[smem:$0x3FA3] =	sst s4  }
0xd: {  	[smem:$0x3FA4] =	sst s5  }
0xe: {  	[smem:$0x3FA5] =	sst s6  }
0xf: {  	[smem:$0x3FA6] =	sst s7  }
0x10: {  	[smem:$0x3FA7] =	sst s8  }
0x11: {  	[smem:$0x3FA8] =	sst s9;
	s0 =	simm.s32 @!p0 $0x0  }
0x12: {  	s1 =	sld [smem:$0x3F8E];
	s0 =	simm.s32 @p0 $0x1  }
0x13: {  	[smem:$0x3FA9] =	sst s0;
	s0 =	simm.s32 @!p1 $0x0  }
0x14: {  	s2 =	sld [smem:$0x3F8D];
	s0 =	simm.s32 @p1 $0x1  }
0x15: {  	[smem:$0x3FAA] =	sst s0;
	s0 =	simm.s32 @!p2 $0x0  }
0x16: {  	s3 =	sld [smem:$0x3FDB];
	s0 =	simm.s32 @p2 $0x1  }
0x17: {  	s4 =	simm.s32 $0x1BF5;
	[smem:$0x3FAC] =	sst s0  }
0x18: {  	s0 =	sld [smem:$0x3F8F];
	_ =	swait.ge [sflag:s4], $0x0  }
0x19: {  	s7 =	sld [smem:$0x3F90]  }
0x1a: {  	s8 =	sadd.s32 $0xFFFFE003, lr  }
0x1b: {  	s9 =	sadd.s32 $0xFFFFFEF7, lr;
	s5 =	simm.s32 $0xFFFFFFFF;
	p2 =	slt.u32 s8, $0xFFFFF086  }
0x1c: {  	p1 =	slt.u32 s9, $0xF7A;
	s5 =	simm.s32 @!p2 $0x0  }
0x1d: {  	s5 =	simm.s32 @p1 $0x1;
	p0 =	seq.s32 s7, s2  }
0x1e: {  	s7 =	smul.u32 @!p0 $0xF7A, s2;
	p2 =	seq.s32 @!p0 s5, $0x0  }
0x1f: {  	s9 =	smul.u32 $0xF7A, s1;
	s8 =	simm.s32 @!p0 $0x1BF5;
	p2 =	por !p2, p0  }
0x20: {  	[sflag:s8] =	ssyncset.s32 @!p0 $0xFFFFF086;
	s6 =	sadd.s32 @!p0 s3, s7;
	s7 =	simm.s32 @!p0 $0x108  }
0x21: {  	s3 =	sadd.s32 s3, s9;
	s6 =	sadd.s32 @!p0 $0x88, s6;
	s7 =	simm.s32 @p2 $0x1082  }
0x22: {  	[simem:s7], [sflag:s8] =	dma.local @!p0 [hbm:s6], $0xF7A  }
0x23: {  	s9 =	sor.u32 $0xD0000000, s2;
	s6 =	simm.s32 $0x108;
	_ =	swait.ge @!p0 [sflag:s8], $0x0  }
0x24: {  	s3 =	sadd.s32 $0x88, s3;
	s6 =	simm.s32 @!p1 $0x1082;
	[sflag:s4] =	ssyncset.s32 $0xFFFFF086  }
0x25: {  	[simem:s6], [sflag:s4] =	dma.local [hbm:s3], $0xF7A  }
0x26: {  	[smem:$0x3F90] =	sst s1;
	(tag) =	ssettag s2;
	_ =	strace s9  }
0x27: {  	s1 =	sld [smem:$0x3FA0]  }
0x28: {  	s2 =	sld [smem:$0x3FA1]  }
0x29: {  	s4 =	sld [smem:$0x3FA3]  }
0x2a: {  	p0 =	seq.s32 s5, $0x0;
	s5 =	sld [smem:$0x3FA4]  }
0x2b: {  	s6 =	sld [smem:$0x3FA5]  }
0x2c: {  	s7 =	sld [smem:$0x3FA6]  }
0x2d: {  	s3 =	simm.s32 $0x108;
	s8 =	sld [smem:$0x3FA7]  }
0x2e: {  	s3 =	simm.s32 @!p0 $0x1082;
	s9 =	sld [smem:$0x3FA8]  }
0x2f: {  	lr =	sadd.s32 s0, s3;
	s0 =	sld [smem:$0x3F9F]  }
0x30: {  	s3 =	sld [smem:$0x3FA2]  }
0x31: {  	[smem:$0x3FAB] =	sst s10  }
0x32: {  	s10 =	sld [smem:$0x3FA9];
	_ =	sdelay $0x3  }
0x33: {  	p0 =	seq.s32 s10, $0x1;
	s10 =	sld [smem:$0x3FAB];
	_ =	sdelay $0x3  }
0x34: {  	[smem:$0x3FAB] =	sst s10  }
0x35: {  	s10 =	sld [smem:$0x3FAA];
	_ =	sdelay $0x3  }
0x36: {  	p1 =	seq.s32 s10, $0x1;
	s10 =	sld [smem:$0x3FAB];
	_ =	sdelay $0x3  }
0x37: {  	[smem:$0x3FAB] =	sst s10  }
0x38: {  	s10 =	sld [smem:$0x3FAC]  }
0x39: {  	_ = 	snop;
	(pc) =	sbr.ind lr, $3  }
0x3a: {  	_ = 	snop  }
0x3b: {  	_ = 	snop  }
0x3c: {  	p2 =	seq.s32 s10, $0x1;
	s10 =	sld [smem:$0x3FAB]  }
0x3d: {  	_ =	shalt  }
0x3e: {  	_ =	shalt  }
0x3f: {  	_ =	shalt  }
0x40: {  	_ =	shalt  }
0x41: {  	_ =	shalt  }
0x42: {  	_ =	shalt  }
0x43: {  	_ =	shalt  }
0x44: {  	_ =	shalt  }
0x45: {  	_ =	shalt  }
0x46: {  	_ =	shalt  }
0x47: {  	_ =	shalt  }
0x48: {  	_ =	shalt  }
0x49: {  	_ =	shalt  }
0x4a: {  	_ =	shalt  }
0x4b: {  	_ =	shalt  }
0x4c: {  	_ =	shalt  }
0x4d: {  	_ =	shalt  }
0x4e: {  	_ =	shalt  }
0x4f: {  	_ =	shalt  }
0x50: {  	_ =	shalt  }
0x51: {  	_ =	shalt  }
0x52: {  	_ =	shalt  }
0x53: {  	_ =	shalt  }
0x54: {  	_ =	shalt  }
0x55: {  	_ =	shalt  }
0x56: {  	_ =	shalt  }
0x57: {  	_ =	shalt  }
0x58: {  	_ =	shalt  }
0x59: {  	_ =	shalt  }
0x5a: {  	_ =	shalt  }
0x5b: {  	_ =	shalt  }
0x5c: {  	_ =	shalt  }
0x5d: {  	_ =	shalt  }
0x5e: {  	_ =	shalt  }
0x5f: {  	_ =	shalt  }
0x60: {  	_ =	shalt  }
0x61: {  	_ =	shalt  }
0x62: {  	_ =	shalt  }
0x63: {  	_ =	shalt  }
0x64: {  	_ =	shalt  }
0x65: {  	_ =	shalt  }
0x66: {  	_ =	shalt  }
0x67: {  	_ =	shalt  }
0x68: {  	_ =	shalt  }
0x69: {  	_ =	shalt  }
0x6a: {  	_ =	shalt  }
0x6b: {  	_ =	shalt  }
0x6c: {  	_ =	shalt  }
0x6d: {  	_ =	shalt  }
0x6e: {  	_ =	shalt  }
0x6f: {  	_ =	shalt  }
0x70: {  	_ =	shalt  }
0x71: {  	_ =	shalt  }
0x72: {  	_ =	shalt  }
0x73: {  	_ =	shalt  }
0x74: {  	_ =	shalt  }
0x75: {  	_ =	shalt  }
0x76: {  	_ =	shalt  }
0x77: {  	_ =	shalt  }
0x78: {  	_ =	shalt  }
0x79: {  	_ =	shalt  }
0x7a: {  	_ =	shalt  }
0x7b: {  	_ =	shalt  }
0x7c: {  	_ =	shalt  }
0x7d: {  	_ =	shalt  }
0x7e: {  	_ =	shalt  }
0x7f: {  	_ =	shalt  }
0x80: {  	_ =	shalt  }
0x81: {  	_ =	shalt  }
0x82: {  	_ =	shalt  }
0x83: {  	_ =	shalt  }
0x84: {  	_ =	shalt  }
0x85: {  	_ =	shalt  }
0x86: {  	_ =	shalt  }
0x87: {  	_ =	shalt  }
.Lfunc_end0:
.L_simem_size_0:
called_computation_lowered:
.L_overlay_start_0:
0x88: {  	s2 =	sld [smem:$0x3FD9]  }
0x89: {  	s3 =	sld [smem:$0x3FFE];
	_ =	sdelay $0x1  }
0x8a: {  	s1 =	srdreg.scid  }
0x8b: {  	s0 =	sand.u32 $0x1, s1  }
0x8c: {  	s17 =	sshll.u32 s0, $0xA;
	s2 =	sadd.s32 s3, s2  }
0x8d: {  	s2 =	sadd.s32 s2, s17  }
0x8e: {  	[smem:$0x3FB7] =	sst s2  }
0x8f: {  	_ = 	snop  }
0x90: {  	s2 =	sld [smem:$0x3FC9]  }
0x91: {  	s18 =	sld [smem:$0x3FC6];
	(tm) =	ssettm $0x1  }
0x92: {  	s4 =	sld [smem:$0x3FFB];
	_ =	sdelay $0x3  }
0x93: {  	_ =	strace s4  }
0x94: {  	s4 =	sld [smem:$0x3FFC];
	_ =	sdelay $0x3  }
0x95: {  	_ =	strace s4  }
0x96: {  	s4 =	sld [smem:$0x3FFD];
	_ =	sdelay $0x3  }
0x97: {  	_ =	strace s4  }
0x98: {  	_ =	strace $0x8FFFFFFF  }
0x99: {  	s19 =	sld [smem:$0x3FDB];
	_ =	sdelay $0x1  }
0x9a: {  	s5 =	simm.s32 $_scs_section_size  }
0x9b: {  	s6 =	simm.s32 $_size__tile_overlayer_lowered;
	s7 =	simm.s32 $_tile_overlayer_lowered  }
0x9c: {  	s22 =	simm.s32 $0x1BFF;
	s21 =	sshll.u32 s7, $0x1;
	s4 =	sadd.s32 s5, s19  }
0x9d: {  	s8 =	simm.s32 $0x0;
	s20 =	sshll.u32 s6, $0x1;
	s6 =	sadd.s32 s21, s4  }
0x9e: {  	[timem:s8], [sflag:s22] =	dma.local [hbm:s6], s20  }
0x9f: {  	_ =	swait.ge [sflag:s22], s20  }
0xa0: {  	s5 =	ssub.s32 $0x0, s20;
	[sflag:s22] =	ssyncset.done $0x0  }
0xa1: {  	[sflag:s22] =	ssyncadd.s32 s5;
	_ =	sdelay $0x1  }
0xa2: {  	s23 =	simm.s32 $0x1B8B  }
0xa3: {  	_ =	swait.ge [sflag:s23], $0x1  }
0xa4: {  	[sflag:s23] =	ssyncset.done $0x0  }
0xa5: {  	s25 =	simm.s32 $0x1B8E;
	s24 =	sld [smem:$0x3FFE];
	[sflag:s23] =	ssyncadd.s32 $0xFFFFFFFF  }
0xa6: {  	s26 =	simm.s32 $execute0_lowered;
	[smem:$0x3FD2] =	sst s25  }
0xa7: {  	s6 =	sshll.u32 s26, $0x1;
	_ =	strace $0x80000046;
	[dreg:$0x1] =	wrdreg $0xFFFFFFFF  }
0xa8: {  	s28 =	simm.s32 $_size_execute0_lowered;
	s4 =	sadd.s32 s4, s6;
	[dreg:$0x0] =	wrdreg $0x0  }
0xa9: {  	s6 =	sshll.u32 s28, $0x1;
	[dreg:$0x2] =	wrdreg s4  }
0xaa: {  	[dreg:$0x3] =	wrdreg s6  }
0xab: {  	[dreg:$0x4] =	wrdreg $0xC0  }
0xac: {  	_ =	task [dreg:s8], $0x5FFFF  }
0xad: {  	[dreg:$0x1] =	wrdreg $0xFFFFFFFF  }
0xae: {  	[dreg:$0x0] =	wrdreg $0x60  }
0xaf: {  	[dreg:$0x2] =	wrdreg s18  }
0xb0: {  	[dreg:$0x3] =	wrdreg s2  }
0xb1: {  	[dreg:$0x4] =	wrdreg s24  }
0xb2: {  	[dreg:$0x5] =	wrdreg $0x9  }
0xb3: {  	_ =	task.clear_ibuf [dreg:s8], $0x6FFFF;
	_ =	strace $0x90000046  }
0xb4: {  	s29 =	simm.s32 $0x9;
	_ =	strace $0x8000004D  }
0xb5: {  	_ =	swait.ge [sflag:s29], $0x1  }
0xb6: {  	[sflag:s29] =	ssyncadd.s32 $0xFFFFFFFF  }
0xb7: {  	_ =	strace $0x9000004D  }
0xb8: {  	_ =	sfence  }
0xb9: {  	s30 =	sld [smem:$0x0];
	_ =	sdelay $0x2  }
0xba: {  	s31 =	sshll.u32 s1, $0xD;
	s1 =	sshrl.u32 s1, $0x2  }
0xbb: {  	s3 =	sand.u32 $0x4000, s31;
	s1 =	sadd.s32 s1, s30  }
0xbc: {  	s0 =	sor.u32 s3, s0;
	s1 =	sshll.u32 s1, $0x11  }
0xbd: {  	s0 =	sor.u32 s1, s0  }
0xbe: {  	s0 =	sadd.s32 $0x8F2B, s0  }
0xbf: {  	[sflag:s0] =	ssyncadd.remote.s32 $0x1  }
0xc0: {  	_ =	sfence.sel $0xFFFF  }
0xc1: {  	[dreg:$0x0] =	wrdreg $0xFFFFFFFF;
	(pc) =	sbr.abs _section_cstart, $3  }
0xc2: {  	[dreg:$0x1] =	wrdreg $0xFFFFFFFF  }
0xc3: {  	_ =	task.clear_ibuf [dreg:s8], $0x2FFFF;
	_ =	strace $0x9FFFFFFF  }
0xc4: {  	(tm) =	ssettm $0x7FFFFFFF  }
0xc5: {  	_ =	shalt  }
tec
execute0_lowered:
.L_overlay_start_1:
0x0: {  	(tag) =	ssettag $0x1  }
0x1: {  	s2 =	rddreg [dreg:$0x0]  }
0x2: {  	s4 =	rddreg [dreg:$0x1];
	s3 =	srdreg.scid  }
0x3: {  	s9 =	rddreg [dreg:$0x2];
	s1 =	stileid.u32;
	s10 =	sand.u32 $0x1, s3  }
0x4: {  	s3 =	simm.s32 $0x0;
	s6 =	sshll.u32 s1, $0x7;
	s5 =	sshll.u32 s10, $0xB  }
0x5: {  	[smem:$0x7FF] =	sst s3;
	s11 =	sor.u32 s6, s5  }
0x6: {  	s0 =	rddreg [dreg:$0x3];
	_ =	strace $0x80000047;
	s5 =	sshrl.u32 s11, $0x3  }
0x7: {  	_ =	strace $0x80000048;
	s4 =	sadd.s32 s4, s5  }
0x8: {  	[tilespmem:s3], [sflag:$0x1] =	stream.linear.gather [hbm4b:s4+s3], $0x80, $0x200038;
	[tilespmem:$0x8100] =	vst v63  }
0x9: {  	_ =	strace $0x90000048  }
0xa: {  	s5 =	simm.s32 $0x1;
	_ =	strace $0x80000049  }
0xb: {  	_ =	swait.ge [sflag:s5], $0x80  }
0xc: {  	[sflag:s5] =	ssyncset.done $0x0  }
0xd: {  	[sflag:s5] =	ssyncadd.s32 $0xFFFFFF80  }
0xe: {  	s7 =	simm.s32 $0x100;
	_ =	strace $0x90000049  }
0xf: {  	s8 =	simm.s32 $0x5;
	s6 =	simm.s32 $0x80;
	_ =	strace $0x8000004A  }
0x10: {  	[tilespmem:s7], [sflag:$0x5] =	stream.indirect.gather [hbm4b:s2+s6], $0x80, s3, s6, $0x2000b8;
	[tilespmem:$0x8100] =	vst v63  }
0x11: {  	s10 =	ssub.s32 $0x2, s10;
	_ =	swait.ge [sflag:s8], $0x4000  }
0x12: {  	s31 =	sshrl.u32 s10, $0x1;
	s11 =	sshll.u32 s11, $0x4;
	[sflag:s8] =	ssyncset.done $0x0  }
0x13: {  	s9 =	sadd.s32 s11, s9;
	s11 =	ssub.s32 s10, s31;
	[sflag:s8] =	ssyncadd.s32 $0xFFFFC000  }
0x14: {  	s11 =	smax.u32 s11, $0x1;
	_ =	strace $0x9000004A  }
0x15: {  	s9 =	sadd.s32 $0x3000, s9;
	p0 =	sne.s32 s11, $0x1;
	_ =	strace $0x8000004B  }
0x16: {  	[hbm4b:s9+s3] =	stream.linear.scatter [tilespmem:s7], [sflag:$0x3], $0x4000, $0x200038;
	[tilespmem:$0x8100] =	vst v63  }
.Ltmp0:
0x17: {  	_ =	strace $0x9000004B;
	(pc) =	sbr.rel @!p0 .LBB2_2-.Ltmp0, $4  }
0x18: {  	s10 =	simm.s32 $0x3;
	_ =	strace $0x8000004C  }
0x19: {  	_ =	swait.ge [sflag:s10], $0x4000  }
0x1a: {  	[sflag:s10] =	ssyncset.done $0x0  }
0x1b: {  	s11 =	sadd.s32 $0xFFFFFFFF, s11;
	[sflag:s10] =	ssyncadd.s32 $0xFFFFC000  }
.LBB2_1:
0x1c: {  	p0 =	sne.s32 s11, $0x1;
	s11 =	sadd.s32 $0xFFFFFFFF, s11;
	_ =	strace $0x9000004C  }
0x1d: {  	_ =	strace $0x80000048  }
0x1e: {  	[tilespmem:s3], [sflag:$0x1] =	stream.linear.gather [hbm4b:s4+s3], $0x80, $0x200038;
	[tilespmem:$0x8100] =	vst v63  }
0x1f: {  	_ =	strace $0x90000048  }
0x20: {  	_ =	strace $0x80000049  }
0x21: {  	_ =	swait.ge [sflag:s5], $0x80  }
0x22: {  	[sflag:s5] =	ssyncset.done $0x0  }
0x23: {  	[sflag:s5] =	ssyncadd.s32 $0xFFFFFF80  }
0x24: {  	_ =	strace $0x90000049  }
0x25: {  	_ =	strace $0x8000004A  }
0x26: {  	[tilespmem:s7], [sflag:$0x5] =	stream.indirect.gather [hbm4b:s2+s6], $0x80, s3, s6, $0x2000b8;
	[tilespmem:$0x8100] =	vst v63  }
0x27: {  	_ =	swait.ge [sflag:s8], $0x4000  }
0x28: {  	[sflag:s8] =	ssyncset.done $0x0  }
0x29: {  	[sflag:s8] =	ssyncadd.s32 $0xFFFFC000  }
0x2a: {  	_ =	strace $0x9000004A  }
0x2b: {  	_ =	strace $0x8000004B  }
0x2c: {  	[hbm4b:s9+s3] =	stream.linear.scatter [tilespmem:s7], [sflag:$0x3], $0x4000, $0x200038;
	[tilespmem:$0x8100] =	vst v63  }
.Ltmp1:
0x2d: {  	_ =	strace $0x9000004B;
	(pc) =	sbr.rel @p0 .LBB2_1-.Ltmp1, $4  }
0x2e: {  	_ =	strace $0x8000004C  }
0x2f: {  	_ =	swait.ge [sflag:s10], $0x4000  }
0x30: {  	[sflag:s10] =	ssyncset.done $0x0  }
0x31: {  	[sflag:s10] =	ssyncadd.s32 $0xFFFFC000  }
.LBB2_2:
0x32: {  	_ =	strace $0x9000004C  }
0x33: {  	_ =	sfence.sel $0x180000  }
0x34: {  	[bflag:$0x0] =	sbarrier.arrive $0xFFFF  }
0x35: {  	p0 =	sne.s32 s1, $0x0;
	_ =	strace $0x90000047  }
0x36: {  	s0 =	sadd.s32 @!p0 $0x100000, s0;
	[bflag:$0x2] =	sbarrier.arrive $0xFFFF  }
0x37: {  	[sflag:s0] =	ssyncadd.tile.s32 @!p0 $0x1;
	_ =	shalt  }
.Lfunc_end2:
_tile_overlayer_lowered:
.L_overlay_start_2:
0x38: {  	(tag) =	ssettag $0x2  }
0x39: {  	s0 =	rddreg [dreg:$0x0];
	s2 =	stileid.u32  }
0x3a: {  	s1 =	rddreg [dreg:$0x1];
	p0 =	sne.s32 s2, $0x0  }
0x3b: {  	s3 =	rddreg [dreg:$0x2];
	[bflag:$0x3] =	sbarrier.arrive $0xFFFF;
	s2 =	simm.s32 @!p0 $0x1C01  }
0x3c: {  	[timem:s3], [sflag:s2] =	dma.local @!p0 [hbm:s0], s1  }
0x3d: {  	s0 =	simm.s32 @!p0 $0x1  }
0x3e: {  	_ =	swait.ge @!p0 [sflag:s0], s1  }
0x3f: {  	s1 =	ssub.s32 @!p0 $0x0, s1;
	[sflag:s0] =	ssyncset.done @!p0 $0x0  }
0x40: {  	[sflag:s0] =	ssyncadd.s32 @!p0 s1  }
0x41: {  	[bflag:$0x3] =	sbarrier.arrive $0xFFFF  }
0x42: {  	_ =	shalt  }

</sc_bundles>
